<compile_context>
chip_gen: v7x
topology: tpu7x:2x2x1
jax: 0.10.2.dev20260603
libtpu: 0.0.44.dev20260713+nightly
codegen_flags: <defaults>
</compile_context>

<pallas_src>
import functools

import jax
import jax.numpy as jnp
from jax import lax
from jax.experimental import pallas as pl
from jax.experimental.pallas import tpu as pltpu
from jax.experimental.pallas import tpu_sc as plsc

_NUM_WORKERS = 32
_R = 40
_NSET = 3


def _sc_concat(msg, curr_emb):
    n, e, d = msg.shape
    num_chunks = n // _R
    assert num_chunks * _R == n
    full_iters = num_chunks // _NUM_WORKERS
    rem = num_chunks - full_iters * _NUM_WORKERS
    mesh = plsc.VectorSubcoreMesh(core_axis_name="c", subcore_axis_name="s")
    rbuf = pltpu.VMEM((_R, 4 * d), jnp.float32)
    sem = pltpu.SemaphoreType.DMA

    @functools.partial(
        pl.kernel,
        out_type=jax.ShapeDtypeStruct((n, 4 * d), jnp.float32),
        mesh=mesh,
        scratch_types=[
            [rbuf] * _NSET,
            [sem] * _NSET,
            [sem] * _NSET,
        ],
    )
    def k(msg_hbm, cur_hbm, out_hbm, bufs, sgs, sss):
        wid = lax.axis_index("s") * 2 + lax.axis_index("c")

        def chunk_rows(j):
            return pl.ds((wid + j * _NUM_WORKERS) * _R, _R)

        def fire_gather(j, s):
            rows = chunk_rows(j)
            descs = [
                pltpu.async_copy(
                    cur_hbm.at[rows, 0], bufs[s].at[:, pl.ds(0, d)], sgs[s]
                )
            ]
            for i in range(3):
                descs.append(
                    pltpu.async_copy(
                        msg_hbm.at[rows, i],
                        bufs[s].at[:, pl.ds((i + 1) * d, d)],
                        sgs[s],
                    )
                )
            return descs

        def fire_scatter(j, s):
            rows = chunk_rows(j)
            return [
                pltpu.async_copy(bufs[s], out_hbm.at[rows], sss[s]),
            ]

        pend_g = {s: [] for s in range(_NSET)}
        pend_s = {s: [] for s in range(_NSET)}
        for j in range(min(_NSET - 1, full_iters)):
            pend_g[j % _NSET] = fire_gather(j, j % _NSET)
        for j in range(full_iters):
            s = j % _NSET
            pre = j + _NSET - 1
            if pre < full_iters:
                sp = pre % _NSET
                for de in pend_s[sp]:
                    de.wait()
                pend_s[sp] = []
                pend_g[sp] = fire_gather(pre, sp)
            for de in pend_g[s]:
                de.wait()
            pend_g[s] = []
            pend_s[s] = fire_scatter(j, s)
        for s in range(_NSET):
            for de in pend_s[s]:
                de.wait()
            pend_s[s] = []
        if rem:
            @pl.when(wid < rem)
            def _():
                gd = fire_gather(full_iters, 0)
                for de in gd:
                    de.wait()
                sd = fire_scatter(full_iters, 0)
                for de in sd:
                    de.wait()

    return k(msg, curr_emb)


def kernel(msg, curr_emb):
    return _sc_concat(msg, curr_emb)

# --- scband reference (transcript-rebuilt; emitter-appended) ---
"""Pipeline reference for scband-rep-aggregator-34067680592248 (READ-ONLY COPY).

The authoritative reference and input builder live on the scoring server;
editing this copy changes nothing except your own understanding.
"""

import jax, jax.numpy as jnp
import numpy as np

N, E, D = 10000, 16, 256

def setup_inputs(seed: int = 0) -> dict:
    key = jax.random.key(seed)
    k1, k2 = jax.random.split(key)
    msg = jax.random.normal(k1, (N, E, D), dtype=jnp.float32)
    curr_emb = jax.random.normal(k2, (N, E, D), dtype=jnp.float32)
    return {"msg": msg, "curr_emb": curr_emb}

def reference(msg, curr_emb):
    # Faithful translation of RepAggregator.forward:
    # node.mailbox['msg'] -> msg [N, E, D]; node.mailbox['curr_emb'] -> curr_emb [N, E, D]
    n, e, d_feat = msg.shape
    new_emb = curr_emb[:, 0, :]
    d = min(3, e)
    for i in range(d):
        new_emb = jnp.concatenate([new_emb, msg[:, i, :]], axis=1)
    new_emb = jnp.concatenate([new_emb, jnp.zeros((n, (3 - d) * d_feat), dtype=new_emb.dtype)], axis=1)
    return new_emb

if __name__ == "__main__":
    import jax
    _d = setup_inputs()
    print(jax.jit(kernel)(*tuple(_d.values())))

</pallas_src>

<mosaic_0001>
#map = affine_map<(d0, d1) -> (0, 0, 0)>
#map1 = affine_map<(d0, d1) -> (0, 0)>
module attributes {stable_mosaic.version = 14 : i64} {
  func.func @k(%arg0: i32, %arg1: i32, %arg2: memref<10000x16x256xf32, #tpu.memory_space<hbm>>, %arg3: memref<10000x16x256xf32, #tpu.memory_space<hbm>>, %arg4: memref<10000x1024xf32, #tpu.memory_space<hbm>>, %arg5: memref<40x1024xf32, #tpu.memory_space<vmem>>, %arg6: memref<40x1024xf32, #tpu.memory_space<vmem>>, %arg7: memref<40x1024xf32, #tpu.memory_space<vmem>>, %arg8: memref<!tpu.dma_semaphore, #tpu.memory_space<semaphore_mem>>, %arg9: memref<!tpu.dma_semaphore, #tpu.memory_space<semaphore_mem>>, %arg10: memref<!tpu.dma_semaphore, #tpu.memory_space<semaphore_mem>>, %arg11: memref<!tpu.dma_semaphore, #tpu.memory_space<semaphore_mem>>, %arg12: memref<!tpu.dma_semaphore, #tpu.memory_space<semaphore_mem>>, %arg13: memref<!tpu.dma_semaphore, #tpu.memory_space<semaphore_mem>>) attributes {dimension_semantics = [#tpu.dimension_semantics<core_parallel>, #tpu.dimension_semantics<subcore_parallel>], iteration_bounds = array<i64: 2, 16>, scalar_prefetch = 0 : i64, scratch_operands = 9 : i64, tpu.core_type = #tpu.core_type<sc_vector_subcore>, window_params = [{transform_indices = #map}, {transform_indices = #map}, {transform_indices = #map1}]} {
    %mul3A = arith.constant 2 : i32
    %mul3A_0 = arith.muli %arg1, %mul3A : i32
    %add3A = arith.addi %mul3A_0, %arg0 : i32
    %add3A_1 = arith.constant 0 : i32
    %add3A_2 = arith.addi %add3A, %add3A_1 : i32
    %mul3A_3 = arith.constant 40 : i32
    %mul3A_4 = arith.muli %add3A_2, %mul3A_3 : i32
    %dma_start3A = arith.constant 0 : i32
    %dma_start3A_5 = arith.constant 0 : i32
    %dma_start3A_6 = arith.constant 0 : i32
    %dma_start3A_7 = tpu.memref_slice %arg5[%dma_start3A_5, %dma_start3A_6] : memref<40x1024xf32, #tpu.memory_space<vmem>> -> memref<40x256xf32, #tpu.memory_space<vmem>>
    %dma_start3A_8 = arith.constant 0 : i32
    %dma_start3A_9 = tpu.memref_slice %arg3[%mul3A_4, %dma_start3A, %dma_start3A_8] : memref<10000x16x256xf32, #tpu.memory_space<hbm>> -> memref<40x1x256xf32, #tpu.memory_space<hbm>>
    %dma_start3A_10 = tpu.memref_squeeze %dma_start3A_9 : memref<40x1x256xf32, #tpu.memory_space<hbm>> -> memref<40x256xf32, #tpu.memory_space<hbm>>
    %dma_start3A_11 = arith.constant 0 : i32
    %dma_start3A_12 = arith.constant 0 : i32
    %dma_start3A_13 = tpu.memref_slice %arg5[%dma_start3A_11, %dma_start3A_12] : memref<40x1024xf32, #tpu.memory_space<vmem>> -> memref<40x256xf32, #tpu.memory_space<vmem>>
    %dma_start3A_14 = arith.constant 0 : i32
    %dma_start3A_15 = tpu.memref_slice %arg3[%mul3A_4, %dma_start3A, %dma_start3A_14] : memref<10000x16x256xf32, #tpu.memory_space<hbm>> -> memref<40x1x256xf32, #tpu.memory_space<hbm>>
    %dma_start3A_16 = tpu.memref_squeeze %dma_start3A_15 : memref<40x1x256xf32, #tpu.memory_space<hbm>> -> memref<40x256xf32, #tpu.memory_space<hbm>>
    tpu.enqueue_dma source(%dma_start3A_16 : memref<40x256xf32, #tpu.memory_space<hbm>>) target(%dma_start3A_13 : memref<40x256xf32, #tpu.memory_space<vmem>>) target_semaphore(%arg8 : memref<!tpu.dma_semaphore, #tpu.memory_space<semaphore_mem>>)
    %dma_start3A_17 = arith.constant 0 : i32
    %dma_start3A_18 = arith.constant 0 : i32
    %dma_start3A_19 = arith.constant 256 : i32
    %dma_start3A_20 = tpu.memref_slice %arg5[%dma_start3A_18, %dma_start3A_19] : memref<40x1024xf32, #tpu.memory_space<vmem>> -> memref<40x256xf32, #tpu.memory_space<vmem>>
    %dma_start3A_21 = arith.constant 0 : i32
    %dma_start3A_22 = tpu.memref_slice %arg2[%mul3A_4, %dma_start3A_17, %dma_start3A_21] : memref<10000x16x256xf32, #tpu.memory_space<hbm>> -> memref<40x1x256xf32, #tpu.memory_space<hbm>>
    %dma_start3A_23 = tpu.memref_squeeze %dma_start3A_22 : memref<40x1x256xf32, #tpu.memory_space<hbm>> -> memref<40x256xf32, #tpu.memory_space<hbm>>
    %dma_start3A_24 = arith.constant 0 : i32
    %dma_start3A_25 = arith.constant 256 : i32
    %dma_start3A_26 = tpu.memref_slice %arg5[%dma_start3A_24, %dma_start3A_25] : memref<40x1024xf32, #tpu.memory_space<vmem>> -> memref<40x256xf32, #tpu.memory_space<vmem>>
    %dma_start3A_27 = arith.constant 0 : i32
    %dma_start3A_28 = tpu.memref_slice %arg2[%mul3A_4, %dma_start3A_17, %dma_start3A_27] : memref<10000x16x256xf32, #tpu.memory_space<hbm>> -> memref<40x1x256xf32, #tpu.memory_space<hbm>>
    %dma_start3A_29 = tpu.memref_squeeze %dma_start3A_28 : memref<40x1x256xf32, #tpu.memory_space<hbm>> -> memref<40x256xf32, #tpu.memory_space<hbm>>
    tpu.enqueue_dma source(%dma_start3A_29 : memref<40x256xf32, #tpu.memory_space<hbm>>) target(%dma_start3A_26 : memref<40x256xf32, #tpu.memory_space<vmem>>) target_semaphore(%arg8 : memref<!tpu.dma_semaphore, #tpu.memory_space<semaphore_mem>>)
    %dma_start3A_30 = arith.constant 1 : i32
    %dma_start3A_31 = arith.constant 0 : i32
    %dma_start3A_32 = arith.constant 512 : i32
    %dma_start3A_33 = tpu.memref_slice %arg5[%dma_start3A_31, %dma_start3A_32] : memref<40x1024xf32, #tpu.memory_space<vmem>> -> memref<40x256xf32, #tpu.memory_space<vmem>>
    %dma_start3A_34 = arith.constant 0 : i32
    %dma_start3A_35 = tpu.memref_slice %arg2[%mul3A_4, %dma_start3A_30, %dma_start3A_34] : memref<10000x16x256xf32, #tpu.memory_space<hbm>> -> memref<40x1x256xf32, #tpu.memory_space<hbm>>
    %dma_start3A_36 = tpu.memref_squeeze %dma_start3A_35 : memref<40x1x256xf32, #tpu.memory_space<hbm>> -> memref<40x256xf32, #tpu.memory_space<hbm>>
    %dma_start3A_37 = arith.constant 0 : i32
    %dma_start3A_38 = arith.constant 512 : i32
    %dma_start3A_39 = tpu.memref_slice %arg5[%dma_start3A_37, %dma_start3A_38] : memref<40x1024xf32, #tpu.memory_space<vmem>> -> memref<40x256xf32, #tpu.memory_space<vmem>>
    %dma_start3A_40 = arith.constant 0 : i32
    %dma_start3A_41 = tpu.memref_slice %arg2[%mul3A_4, %dma_start3A_30, %dma_start3A_40] : memref<10000x16x256xf32, #tpu.memory_space<hbm>> -> memref<40x1x256xf32, #tpu.memory_space<hbm>>
    %dma_start3A_42 = tpu.memref_squeeze %dma_start3A_41 : memref<40x1x256xf32, #tpu.memory_space<hbm>> -> memref<40x256xf32, #tpu.memory_space<hbm>>
    tpu.enqueue_dma source(%dma_start3A_42 : memref<40x256xf32, #tpu.memory_space<hbm>>) target(%dma_start3A_39 : memref<40x256xf32, #tpu.memory_space<vmem>>) target_semaphore(%arg8 : memref<!tpu.dma_semaphore, #tpu.memory_space<semaphore_mem>>)
    %dma_start3A_43 = arith.constant 2 : i32
    %dma_start3A_44 = arith.constant 0 : i32
    %dma_start3A_45 = arith.constant 768 : i32
    %dma_start3A_46 = tpu.memref_slice %arg5[%dma_start3A_44, %dma_start3A_45] : memref<40x1024xf32, #tpu.memory_space<vmem>> -> memref<40x256xf32, #tpu.memory_space<vmem>>
    %dma_start3A_47 = arith.constant 0 : i32
    %dma_start3A_48 = tpu.memref_slice %arg2[%mul3A_4, %dma_start3A_43, %dma_start3A_47] : memref<10000x16x256xf32, #tpu.memory_space<hbm>> -> memref<40x1x256xf32, #tpu.memory_space<hbm>>
    %dma_start3A_49 = tpu.memref_squeeze %dma_start3A_48 : memref<40x1x256xf32, #tpu.memory_space<hbm>> -> memref<40x256xf32, #tpu.memory_space<hbm>>
    %dma_start3A_50 = arith.constant 0 : i32
    %dma_start3A_51 = arith.constant 768 : i32
    %dma_start3A_52 = tpu.memref_slice %arg5[%dma_start3A_50, %dma_start3A_51] : memref<40x1024xf32, #tpu.memory_space<vmem>> -> memref<40x256xf32, #tpu.memory_space<vmem>>
    %dma_start3A_53 = arith.constant 0 : i32
    %dma_start3A_54 = tpu.memref_slice %arg2[%mul3A_4, %dma_start3A_43, %dma_start3A_53] : memref<10000x16x256xf32, #tpu.memory_space<hbm>> -> memref<40x1x256xf32, #tpu.memory_space<hbm>>
    %dma_start3A_55 = tpu.memref_squeeze %dma_start3A_54 : memref<40x1x256xf32, #tpu.memory_space<hbm>> -> memref<40x256xf32, #tpu.memory_space<hbm>>
    tpu.enqueue_dma source(%dma_start3A_55 : memref<40x256xf32, #tpu.memory_space<hbm>>) target(%dma_start3A_52 : memref<40x256xf32, #tpu.memory_space<vmem>>) target_semaphore(%arg8 : memref<!tpu.dma_semaphore, #tpu.memory_space<semaphore_mem>>)
    %add3A_56 = arith.constant 32 : i32
    %add3A_57 = arith.addi %add3A, %add3A_56 : i32
    %mul3A_58 = arith.constant 40 : i32
    %mul3A_59 = arith.muli %add3A_57, %mul3A_58 : i32
    %dma_start3A_60 = arith.constant 0 : i32
    %dma_start3A_61 = arith.constant 0 : i32
    %dma_start3A_62 = arith.constant 0 : i32
    %dma_start3A_63 = tpu.memref_slice %arg6[%dma_start3A_61, %dma_start3A_62] : memref<40x1024xf32, #tpu.memory_space<vmem>> -> memref<40x256xf32, #tpu.memory_space<vmem>>
    %dma_start3A_64 = arith.constant 0 : i32
    %dma_start3A_65 = tpu.memref_slice %arg3[%mul3A_59, %dma_start3A_60, %dma_start3A_64] : memref<10000x16x256xf32, #tpu.memory_space<hbm>> -> memref<40x1x256xf32, #tpu.memory_space<hbm>>
    %dma_start3A_66 = tpu.memref_squeeze %dma_start3A_65 : memref<40x1x256xf32, #tpu.memory_space<hbm>> -> memref<40x256xf32, #tpu.memory_space<hbm>>
    %dma_start3A_67 = arith.constant 0 : i32
    %dma_start3A_68 = arith.constant 0 : i32
    %dma_start3A_69 = tpu.memref_slice %arg6[%dma_start3A_67, %dma_start3A_68] : memref<40x1024xf32, #tpu.memory_space<vmem>> -> memref<40x256xf32, #tpu.memory_space<vmem>>
    %dma_start3A_70 = arith.constant 0 : i32
    %dma_start3A_71 = tpu.memref_slice %arg3[%mul3A_59, %dma_start3A_60, %dma_start3A_70] : memref<10000x16x256xf32, #tpu.memory_space<hbm>> -> memref<40x1x256xf32, #tpu.memory_space<hbm>>
    %dma_start3A_72 = tpu.memref_squeeze %dma_start3A_71 : memref<40x1x256xf32, #tpu.memory_space<hbm>> -> memref<40x256xf32, #tpu.memory_space<hbm>>
    tpu.enqueue_dma source(%dma_start3A_72 : memref<40x256xf32, #tpu.memory_space<hbm>>) target(%dma_start3A_69 : memref<40x256xf32, #tpu.memory_space<vmem>>) target_semaphore(%arg9 : memref<!tpu.dma_semaphore, #tpu.memory_space<semaphore_mem>>)
    %dma_start3A_73 = arith.constant 0 : i32
    %dma_start3A_74 = arith.constant 0 : i32
    %dma_start3A_75 = arith.constant 256 : i32
    %dma_start3A_76 = tpu.memref_slice %arg6[%dma_start3A_74, %dma_start3A_75] : memref<40x1024xf32, #tpu.memory_space<vmem>> -> memref<40x256xf32, #tpu.memory_space<vmem>>
    %dma_start3A_77 = arith.constant 0 : i32
    %dma_start3A_78 = tpu.memref_slice %arg2[%mul3A_59, %dma_start3A_73, %dma_start3A_77] : memref<10000x16x256xf32, #tpu.memory_space<hbm>> -> memref<40x1x256xf32, #tpu.memory_space<hbm>>
    %dma_start3A_79 = tpu.memref_squeeze %dma_start3A_78 : memref<40x1x256xf32, #tpu.memory_space<hbm>> -> memref<40x256xf32, #tpu.memory_space<hbm>>
    %dma_start3A_80 = arith.constant 0 : i32
    %dma_start3A_81 = arith.constant 256 : i32
    %dma_start3A_82 = tpu.memref_slice %arg6[%dma_start3A_80, %dma_start3A_81] : memref<40x1024xf32, #tpu.memory_space<vmem>> -> memref<40x256xf32, #tpu.memory_space<vmem>>
    %dma_start3A_83 = arith.constant 0 : i32
    %dma_start3A_84 = tpu.memref_slice %arg2[%mul3A_59, %dma_start3A_73, %dma_start3A_83] : memref<10000x16x256xf32, #tpu.memory_space<hbm>> -> memref<40x1x256xf32, #tpu.memory_space<hbm>>
    %dma_start3A_85 = tpu.memref_squeeze %dma_start3A_84 : memref<40x1x256xf32, #tpu.memory_space<hbm>> -> memref<40x256xf32, #tpu.memory_space<hbm>>
    tpu.enqueue_dma source(%dma_start3A_85 : memref<40x256xf32, #tpu.memory_space<hbm>>) target(%dma_start3A_82 : memref<40x256xf32, #tpu.memory_space<vmem>>) target_semaphore(%arg9 : memref<!tpu.dma_semaphore, #tpu.memory_space<semaphore_mem>>)
    %dma_start3A_86 = arith.constant 1 : i32
    %dma_start3A_87 = arith.constant 0 : i32
    %dma_start3A_88 = arith.constant 512 : i32
    %dma_start3A_89 = tpu.memref_slice %arg6[%dma_start3A_87, %dma_start3A_88] : memref<40x1024xf32, #tpu.memory_space<vmem>> -> memref<40x256xf32, #tpu.memory_space<vmem>>
    %dma_start3A_90 = arith.constant 0 : i32
    %dma_start3A_91 = tpu.memref_slice %arg2[%mul3A_59, %dma_start3A_86, %dma_start3A_90] : memref<10000x16x256xf32, #tpu.memory_space<hbm>> -> memref<40x1x256xf32, #tpu.memory_space<hbm>>
    %dma_start3A_92 = tpu.memref_squeeze %dma_start3A_91 : memref<40x1x256xf32, #tpu.memory_space<hbm>> -> memref<40x256xf32, #tpu.memory_space<hbm>>
    %dma_start3A_93 = arith.constant 0 : i32
    %dma_start3A_94 = arith.constant 512 : i32
    %dma_start3A_95 = tpu.memref_slice %arg6[%dma_start3A_93, %dma_start3A_94] : memref<40x1024xf32, #tpu.memory_space<vmem>> -> memref<40x256xf32, #tpu.memory_space<vmem>>
    %dma_start3A_96 = arith.constant 0 : i32
    %dma_start3A_97 = tpu.memref_slice %arg2[%mul3A_59, %dma_start3A_86, %dma_start3A_96] : memref<10000x16x256xf32, #tpu.memory_space<hbm>> -> memref<40x1x256xf32, #tpu.memory_space<hbm>>
    %dma_start3A_98 = tpu.memref_squeeze %dma_start3A_97 : memref<40x1x256xf32, #tpu.memory_space<hbm>> -> memref<40x256xf32, #tpu.memory_space<hbm>>
    tpu.enqueue_dma source(%dma_start3A_98 : memref<40x256xf32, #tpu.memory_space<hbm>>) target(%dma_start3A_95 : memref<40x256xf32, #tpu.memory_space<vmem>>) target_semaphore(%arg9 : memref<!tpu.dma_semaphore, #tpu.memory_space<semaphore_mem>>)
    %dma_start3A_99 = arith.constant 2 : i32
    %dma_start3A_100 = arith.constant 0 : i32
    %dma_start3A_101 = arith.constant 768 : i32
    %dma_start3A_102 = tpu.memref_slice %arg6[%dma_start3A_100, %dma_start3A_101] : memref<40x1024xf32, #tpu.memory_space<vmem>> -> memref<40x256xf32, #tpu.memory_space<vmem>>
    %dma_start3A_103 = arith.constant 0 : i32
    %dma_start3A_104 = tpu.memref_slice %arg2[%mul3A_59, %dma_start3A_99, %dma_start3A_103] : memref<10000x16x256xf32, #tpu.memory_space<hbm>> -> memref<40x1x256xf32, #tpu.memory_space<hbm>>
    %dma_start3A_105 = tpu.memref_squeeze %dma_start3A_104 : memref<40x1x256xf32, #tpu.memory_space<hbm>> -> memref<40x256xf32, #tpu.memory_space<hbm>>
    %dma_start3A_106 = arith.constant 0 : i32
    %dma_start3A_107 = arith.constant 768 : i32
    %dma_start3A_108 = tpu.memref_slice %arg6[%dma_start3A_106, %dma_start3A_107] : memref<40x1024xf32, #tpu.memory_space<vmem>> -> memref<40x256xf32, #tpu.memory_space<vmem>>
    %dma_start3A_109 = arith.constant 0 : i32
    %dma_start3A_110 = tpu.memref_slice %arg2[%mul3A_59, %dma_start3A_99, %dma_start3A_109] : memref<10000x16x256xf32, #tpu.memory_space<hbm>> -> memref<40x1x256xf32, #tpu.memory_space<hbm>>
    %dma_start3A_111 = tpu.memref_squeeze %dma_start3A_110 : memref<40x1x256xf32, #tpu.memory_space<hbm>> -> memref<40x256xf32, #tpu.memory_space<hbm>>
    tpu.enqueue_dma source(%dma_start3A_111 : memref<40x256xf32, #tpu.memory_space<hbm>>) target(%dma_start3A_108 : memref<40x256xf32, #tpu.memory_space<vmem>>) target_semaphore(%arg9 : memref<!tpu.dma_semaphore, #tpu.memory_space<semaphore_mem>>)
    %add3A_112 = arith.constant 64 : i32
    %add3A_113 = arith.addi %add3A, %add3A_112 : i32
    %mul3A_114 = arith.constant 40 : i32
    %mul3A_115 = arith.muli %add3A_113, %mul3A_114 : i32
    %dma_start3A_116 = arith.constant 0 : i32
    %dma_start3A_117 = arith.constant 0 : i32
    %dma_start3A_118 = arith.constant 0 : i32
    %dma_start3A_119 = tpu.memref_slice %arg7[%dma_start3A_117, %dma_start3A_118] : memref<40x1024xf32, #tpu.memory_space<vmem>> -> memref<40x256xf32, #tpu.memory_space<vmem>>
    %dma_start3A_120 = arith.constant 0 : i32
    %dma_start3A_121 = tpu.memref_slice %arg3[%mul3A_115, %dma_start3A_116, %dma_start3A_120] : memref<10000x16x256xf32, #tpu.memory_space<hbm>> -> memref<40x1x256xf32, #tpu.memory_space<hbm>>
    %dma_start3A_122 = tpu.memref_squeeze %dma_start3A_121 : memref<40x1x256xf32, #tpu.memory_space<hbm>> -> memref<40x256xf32, #tpu.memory_space<hbm>>
    %dma_start3A_123 = arith.constant 0 : i32
    %dma_start3A_124 = arith.constant 0 : i32
    %dma_start3A_125 = tpu.memref_slice %arg7[%dma_start3A_123, %dma_start3A_124] : memref<40x1024xf32, #tpu.memory_space<vmem>> -> memref<40x256xf32, #tpu.memory_space<vmem>>
    %dma_start3A_126 = arith.constant 0 : i32
    %dma_start3A_127 = tpu.memref_slice %arg3[%mul3A_115, %dma_start3A_116, %dma_start3A_126] : memref<10000x16x256xf32, #tpu.memory_space<hbm>> -> memref<40x1x256xf32, #tpu.memory_space<hbm>>
    %dma_start3A_128 = tpu.memref_squeeze %dma_start3A_127 : memref<40x1x256xf32, #tpu.memory_space<hbm>> -> memref<40x256xf32, #tpu.memory_space<hbm>>
    tpu.enqueue_dma source(%dma_start3A_128 : memref<40x256xf32, #tpu.memory_space<hbm>>) target(%dma_start3A_125 : memref<40x256xf32, #tpu.memory_space<vmem>>) target_semaphore(%arg10 : memref<!tpu.dma_semaphore, #tpu.memory_space<semaphore_mem>>)
    %dma_start3A_129 = arith.constant 0 : i32
    %dma_start3A_130 = arith.constant 0 : i32
    %dma_start3A_131 = arith.constant 256 : i32
    %dma_start3A_132 = tpu.memref_slice %arg7[%dma_start3A_130, %dma_start3A_131] : memref<40x1024xf32, #tpu.memory_space<vmem>> -> memref<40x256xf32, #tpu.memory_space<vmem>>
    %dma_start3A_133 = arith.constant 0 : i32
    %dma_start3A_134 = tpu.memref_slice %arg2[%mul3A_115, %dma_start3A_129, %dma_start3A_133] : memref<10000x16x256xf32, #tpu.memory_space<hbm>> -> memref<40x1x256xf32, #tpu.memory_space<hbm>>
    %dma_start3A_135 = tpu.memref_squeeze %dma_start3A_134 : memref<40x1x256xf32, #tpu.memory_space<hbm>> -> memref<40x256xf32, #tpu.memory_space<hbm>>
    %dma_start3A_136 = arith.constant 0 : i32
    %dma_start3A_137 = arith.constant 256 : i32
    %dma_start3A_138 = tpu.memref_slice %arg7[%dma_start3A_136, %dma_start3A_137] : memref<40x1024xf32, #tpu.memory_space<vmem>> -> memref<40x256xf32, #tpu.memory_space<vmem>>
    %dma_start3A_139 = arith.constant 0 : i32
    %dma_start3A_140 = tpu.memref_slice %arg2[%mul3A_115, %dma_start3A_129, %dma_start3A_139] : memref<10000x16x256xf32, #tpu.memory_space<hbm>> -> memref<40x1x256xf32, #tpu.memory_space<hbm>>
    %dma_start3A_141 = tpu.memref_squeeze %dma_start3A_140 : memref<40x1x256xf32, #tpu.memory_space<hbm>> -> memref<40x256xf32, #tpu.memory_space<hbm>>
    tpu.enqueue_dma source(%dma_start3A_141 : memref<40x256xf32, #tpu.memory_space<hbm>>) target(%dma_start3A_138 : memref<40x256xf32, #tpu.memory_space<vmem>>) target_semaphore(%arg10 : memref<!tpu.dma_semaphore, #tpu.memory_space<semaphore_mem>>)
    %dma_start3A_142 = arith.constant 1 : i32
    %dma_start3A_143 = arith.constant 0 : i32
    %dma_start3A_144 = arith.constant 512 : i32
    %dma_start3A_145 = tpu.memref_slice %arg7[%dma_start3A_143, %dma_start3A_144] : memref<40x1024xf32, #tpu.memory_space<vmem>> -> memref<40x256xf32, #tpu.memory_space<vmem>>
    %dma_start3A_146 = arith.constant 0 : i32
    %dma_start3A_147 = tpu.memref_slice %arg2[%mul3A_115, %dma_start3A_142, %dma_start3A_146] : memref<10000x16x256xf32, #tpu.memory_space<hbm>> -> memref<40x1x256xf32, #tpu.memory_space<hbm>>
    %dma_start3A_148 = tpu.memref_squeeze %dma_start3A_147 : memref<40x1x256xf32, #tpu.memory_space<hbm>> -> memref<40x256xf32, #tpu.memory_space<hbm>>
    %dma_start3A_149 = arith.constant 0 : i32
    %dma_start3A_150 = arith.constant 512 : i32
    %dma_start3A_151 = tpu.memref_slice %arg7[%dma_start3A_149, %dma_start3A_150] : memref<40x1024xf32, #tpu.memory_space<vmem>> -> memref<40x256xf32, #tpu.memory_space<vmem>>
    %dma_start3A_152 = arith.constant 0 : i32
    %dma_start3A_153 = tpu.memref_slice %arg2[%mul3A_115, %dma_start3A_142, %dma_start3A_152] : memref<10000x16x256xf32, #tpu.memory_space<hbm>> -> memref<40x1x256xf32, #tpu.memory_space<hbm>>
    %dma_start3A_154 = tpu.memref_squeeze %dma_start3A_153 : memref<40x1x256xf32, #tpu.memory_space<hbm>> -> memref<40x256xf32, #tpu.memory_space<hbm>>
    tpu.enqueue_dma source(%dma_start3A_154 : memref<40x256xf32, #tpu.memory_space<hbm>>) target(%dma_start3A_151 : memref<40x256xf32, #tpu.memory_space<vmem>>) target_semaphore(%arg10 : memref<!tpu.dma_semaphore, #tpu.memory_space<semaphore_mem>>)
    %dma_start3A_155 = arith.constant 2 : i32
    %dma_start3A_156 = arith.constant 0 : i32
    %dma_start3A_157 = arith.constant 768 : i32
    %dma_start3A_158 = tpu.memref_slice %arg7[%dma_start3A_156, %dma_start3A_157] : memref<40x1024xf32, #tpu.memory_space<vmem>> -> memref<40x256xf32, #tpu.memory_space<vmem>>
    %dma_start3A_159 = arith.constant 0 : i32
    %dma_start3A_160 = tpu.memref_slice %arg2[%mul3A_115, %dma_start3A_155, %dma_start3A_159] : memref<10000x16x256xf32, #tpu.memory_space<hbm>> -> memref<40x1x256xf32, #tpu.memory_space<hbm>>
    %dma_start3A_161 = tpu.memref_squeeze %dma_start3A_160 : memref<40x1x256xf32, #tpu.memory_space<hbm>> -> memref<40x256xf32, #tpu.memory_space<hbm>>
    %dma_start3A_162 = arith.constant 0 : i32
    %dma_start3A_163 = arith.constant 768 : i32
    %dma_start3A_164 = tpu.memref_slice %arg7[%dma_start3A_162, %dma_start3A_163] : memref<40x1024xf32, #tpu.memory_space<vmem>> -> memref<40x256xf32, #tpu.memory_space<vmem>>
    %dma_start3A_165 = arith.constant 0 : i32
    %dma_start3A_166 = tpu.memref_slice %arg2[%mul3A_115, %dma_start3A_155, %dma_start3A_165] : memref<10000x16x256xf32, #tpu.memory_space<hbm>> -> memref<40x1x256xf32, #tpu.memory_space<hbm>>
    %dma_start3A_167 = tpu.memref_squeeze %dma_start3A_166 : memref<40x1x256xf32, #tpu.memory_space<hbm>> -> memref<40x256xf32, #tpu.memory_space<hbm>>
    tpu.enqueue_dma source(%dma_start3A_167 : memref<40x256xf32, #tpu.memory_space<hbm>>) target(%dma_start3A_164 : memref<40x256xf32, #tpu.memory_space<vmem>>) target_semaphore(%arg10 : memref<!tpu.dma_semaphore, #tpu.memory_space<semaphore_mem>>)
    %dma_wait3A = arith.constant 0 : i32
    %dma_wait3A_168 = arith.constant 0 : i32
    %dma_wait3A_169 = arith.constant 0 : i32
    %dma_wait3A_170 = tpu.memref_slice %arg5[%dma_wait3A_168, %dma_wait3A_169] : memref<40x1024xf32, #tpu.memory_space<vmem>> -> memref<40x256xf32, #tpu.memory_space<vmem>>
    %dma_wait3A_171 = arith.constant 0 : i32
    %dma_wait3A_172 = tpu.memref_slice %arg3[%mul3A_4, %dma_wait3A, %dma_wait3A_171] : memref<10000x16x256xf32, #tpu.memory_space<hbm>> -> memref<40x1x256xf32, #tpu.memory_space<hbm>>
    %dma_wait3A_173 = tpu.memref_squeeze %dma_wait3A_172 : memref<40x1x256xf32, #tpu.memory_space<hbm>> -> memref<40x256xf32, #tpu.memory_space<hbm>>
    %dma_wait3A_174 = arith.constant 0 : i32
    %dma_wait3A_175 = arith.constant 0 : i32
    %dma_wait3A_176 = tpu.memref_slice %arg5[%dma_wait3A_174, %dma_wait3A_175] : memref<40x1024xf32, #tpu.memory_space<vmem>> -> memref<40x256xf32, #tpu.memory_space<vmem>>
    %dma_wait3A_177 = arith.constant 0 : i32
    %dma_wait3A_178 = tpu.memref_slice %arg3[%mul3A_4, %dma_wait3A, %dma_wait3A_177] : memref<10000x16x256xf32, #tpu.memory_space<hbm>> -> memref<40x1x256xf32, #tpu.memory_space<hbm>>
    %dma_wait3A_179 = tpu.memref_squeeze %dma_wait3A_178 : memref<40x1x256xf32, #tpu.memory_space<hbm>> -> memref<40x256xf32, #tpu.memory_space<hbm>>
    tpu.wait_dma2 semaphore(%arg8 : memref<!tpu.dma_semaphore, #tpu.memory_space<semaphore_mem>>) src(%dma_wait3A_179 : memref<40x256xf32, #tpu.memory_space<hbm>>) dst(%dma_wait3A_176 : memref<40x256xf32, #tpu.memory_space<vmem>>)
    %dma_wait3A_180 = arith.constant 0 : i32
    %dma_wait3A_181 = arith.constant 0 : i32
    %dma_wait3A_182 = arith.constant 256 : i32
    %dma_wait3A_183 = tpu.memref_slice %arg5[%dma_wait3A_181, %dma_wait3A_182] : memref<40x1024xf32, #tpu.memory_space<vmem>> -> memref<40x256xf32, #tpu.memory_space<vmem>>
    %dma_wait3A_184 = arith.constant 0 : i32
    %dma_wait3A_185 = tpu.memref_slice %arg2[%mul3A_4, %dma_wait3A_180, %dma_wait3A_184] : memref<10000x16x256xf32, #tpu.memory_space<hbm>> -> memref<40x1x256xf32, #tpu.memory_space<hbm>>
    %dma_wait3A_186 = tpu.memref_squeeze %dma_wait3A_185 : memref<40x1x256xf32, #tpu.memory_space<hbm>> -> memref<40x256xf32, #tpu.memory_space<hbm>>
    %dma_wait3A_187 = arith.constant 0 : i32
    %dma_wait3A_188 = arith.constant 256 : i32
    %dma_wait3A_189 = tpu.memref_slice %arg5[%dma_wait3A_187, %dma_wait3A_188] : memref<40x1024xf32, #tpu.memory_space<vmem>> -> memref<40x256xf32, #tpu.memory_space<vmem>>
    %dma_wait3A_190 = arith.constant 0 : i32
    %dma_wait3A_191 = tpu.memref_slice %arg2[%mul3A_4, %dma_wait3A_180, %dma_wait3A_190] : memref<10000x16x256xf32, #tpu.memory_space<hbm>> -> memref<40x1x256xf32, #tpu.memory_space<hbm>>
    %dma_wait3A_192 = tpu.memref_squeeze %dma_wait3A_191 : memref<40x1x256xf32, #tpu.memory_space<hbm>> -> memref<40x256xf32, #tpu.memory_space<hbm>>
    tpu.wait_dma2 semaphore(%arg8 : memref<!tpu.dma_semaphore, #tpu.memory_space<semaphore_mem>>) src(%dma_wait3A_192 : memref<40x256xf32, #tpu.memory_space<hbm>>) dst(%dma_wait3A_189 : memref<40x256xf32, #tpu.memory_space<vmem>>)
    %dma_wait3A_193 = arith.constant 1 : i32
    %dma_wait3A_194 = arith.constant 0 : i32
    %dma_wait3A_195 = arith.constant 512 : i32
    %dma_wait3A_196 = tpu.memref_slice %arg5[%dma_wait3A_194, %dma_wait3A_195] : memref<40x1024xf32, #tpu.memory_space<vmem>> -> memref<40x256xf32, #tpu.memory_space<vmem>>
    %dma_wait3A_197 = arith.constant 0 : i32
    %dma_wait3A_198 = tpu.memref_slice %arg2[%mul3A_4, %dma_wait3A_193, %dma_wait3A_197] : memref<10000x16x256xf32, #tpu.memory_space<hbm>> -> memref<40x1x256xf32, #tpu.memory_space<hbm>>
    %dma_wait3A_199 = tpu.memref_squeeze %dma_wait3A_198 : memref<40x1x256xf32, #tpu.memory_space<hbm>> -> memref<40x256xf32, #tpu.memory_space<hbm>>
    %dma_wait3A_200 = arith.constant 0 : i32
    %dma_wait3A_201 = arith.constant 512 : i32
    %dma_wait3A_202 = tpu.memref_slice %arg5[%dma_wait3A_200, %dma_wait3A_201] : memref<40x1024xf32, #tpu.memory_space<vmem>> -> memref<40x256xf32, #tpu.memory_space<vmem>>
    %dma_wait3A_203 = arith.constant 0 : i32
    %dma_wait3A_204 = tpu.memref_slice %arg2[%mul3A_4, %dma_wait3A_193, %dma_wait3A_203] : memref<10000x16x256xf32, #tpu.memory_space<hbm>> -> memref<40x1x256xf32, #tpu.memory_space<hbm>>
    %dma_wait3A_205 = tpu.memref_squeeze %dma_wait3A_204 : memref<40x1x256xf32, #tpu.memory_space<hbm>> -> memref<40x256xf32, #tpu.memory_space<hbm>>
    tpu.wait_dma2 semaphore(%arg8 : memref<!tpu.dma_semaphore, #tpu.memory_space<semaphore_mem>>) src(%dma_wait3A_205 : memref<40x256xf32, #tpu.memory_space<hbm>>) dst(%dma_wait3A_202 : memref<40x256xf32, #tpu.memory_space<vmem>>)
    %dma_wait3A_206 = arith.constant 2 : i32
    %dma_wait3A_207 = arith.constant 0 : i32
    %dma_wait3A_208 = arith.constant 768 : i32
    %dma_wait3A_209 = tpu.memref_slice %arg5[%dma_wait3A_207, %dma_wait3A_208] : memref<40x1024xf32, #tpu.memory_space<vmem>> -> memref<40x256xf32, #tpu.memory_space<vmem>>
    %dma_wait3A_210 = arith.constant 0 : i32
    %dma_wait3A_211 = tpu.memref_slice %arg2[%mul3A_4, %dma_wait3A_206, %dma_wait3A_210] : memref<10000x16x256xf32, #tpu.memory_space<hbm>> -> memref<40x1x256xf32, #tpu.memory_space<hbm>>
    %dma_wait3A_212 = tpu.memref_squeeze %dma_wait3A_211 : memref<40x1x256xf32, #tpu.memory_space<hbm>> -> memref<40x256xf32, #tpu.memory_space<hbm>>
    %dma_wait3A_213 = arith.constant 0 : i32
    %dma_wait3A_214 = arith.constant 768 : i32
    %dma_wait3A_215 = tpu.memref_slice %arg5[%dma_wait3A_213, %dma_wait3A_214] : memref<40x1024xf32, #tpu.memory_space<vmem>> -> memref<40x256xf32, #tpu.memory_space<vmem>>
    %dma_wait3A_216 = arith.constant 0 : i32
    %dma_wait3A_217 = tpu.memref_slice %arg2[%mul3A_4, %dma_wait3A_206, %dma_wait3A_216] : memref<10000x16x256xf32, #tpu.memory_space<hbm>> -> memref<40x1x256xf32, #tpu.memory_space<hbm>>
    %dma_wait3A_218 = tpu.memref_squeeze %dma_wait3A_217 : memref<40x1x256xf32, #tpu.memory_space<hbm>> -> memref<40x256xf32, #tpu.memory_space<hbm>>
    tpu.wait_dma2 semaphore(%arg8 : memref<!tpu.dma_semaphore, #tpu.memory_space<semaphore_mem>>) src(%dma_wait3A_218 : memref<40x256xf32, #tpu.memory_space<hbm>>) dst(%dma_wait3A_215 : memref<40x256xf32, #tpu.memory_space<vmem>>)
    %add3A_219 = arith.constant 0 : i32
    %add3A_220 = arith.addi %add3A, %add3A_219 : i32
    %mul3A_221 = arith.constant 40 : i32
    %mul3A_222 = arith.muli %add3A_220, %mul3A_221 : i32
    %dma_start3A_223 = arith.constant 0 : i32
    %dma_start3A_224 = tpu.memref_slice %arg4[%mul3A_222, %dma_start3A_223] : memref<10000x1024xf32, #tpu.memory_space<hbm>> -> memref<40x1024xf32, #tpu.memory_space<hbm>>
    %dma_start3A_225 = arith.constant 0 : i32
    %dma_start3A_226 = tpu.memref_slice %arg4[%mul3A_222, %dma_start3A_225] : memref<10000x1024xf32, #tpu.memory_space<hbm>> -> memref<40x1024xf32, #tpu.memory_space<hbm>>
    tpu.enqueue_dma source(%arg5 : memref<40x1024xf32, #tpu.memory_space<vmem>>) target(%dma_start3A_226 : memref<40x1024xf32, #tpu.memory_space<hbm>>) target_semaphore(%arg11 : memref<!tpu.dma_semaphore, #tpu.memory_space<semaphore_mem>>)
    %dma_wait3A_227 = arith.constant 0 : i32
    %dma_wait3A_228 = tpu.memref_slice %arg4[%mul3A_222, %dma_wait3A_227] : memref<10000x1024xf32, #tpu.memory_space<hbm>> -> memref<40x1024xf32, #tpu.memory_space<hbm>>
    %dma_wait3A_229 = arith.constant 0 : i32
    %dma_wait3A_230 = tpu.memref_slice %arg4[%mul3A_222, %dma_wait3A_229] : memref<10000x1024xf32, #tpu.memory_space<hbm>> -> memref<40x1024xf32, #tpu.memory_space<hbm>>
    tpu.wait_dma2 semaphore(%arg11 : memref<!tpu.dma_semaphore, #tpu.memory_space<semaphore_mem>>) src(%arg5 : memref<40x1024xf32, #tpu.memory_space<vmem>>) dst(%dma_wait3A_230 : memref<40x1024xf32, #tpu.memory_space<hbm>>)
    %add3A_231 = arith.constant 96 : i32
    %add3A_232 = arith.addi %add3A, %add3A_231 : i32
    %mul3A_233 = arith.constant 40 : i32
    %mul3A_234 = arith.muli %add3A_232, %mul3A_233 : i32
    %dma_start3A_235 = arith.constant 0 : i32
    %dma_start3A_236 = arith.constant 0 : i32
    %dma_start3A_237 = arith.constant 0 : i32
    %dma_start3A_238 = tpu.memref_slice %arg5[%dma_start3A_236, %dma_start3A_237] : memref<40x1024xf32, #tpu.memory_space<vmem>> -> memref<40x256xf32, #tpu.memory_space<vmem>>
    %dma_start3A_239 = arith.constant 0 : i32
    %dma_start3A_240 = tpu.memref_slice %arg3[%mul3A_234, %dma_start3A_235, %dma_start3A_239] : memref<10000x16x256xf32, #tpu.memory_space<hbm>> -> memref<40x1x256xf32, #tpu.memory_space<hbm>>
    %dma_start3A_241 = tpu.memref_squeeze %dma_start3A_240 : memref<40x1x256xf32, #tpu.memory_space<hbm>> -> memref<40x256xf32, #tpu.memory_space<hbm>>
    %dma_start3A_242 = arith.constant 0 : i32
    %dma_start3A_243 = arith.constant 0 : i32
    %dma_start3A_244 = tpu.memref_slice %arg5[%dma_start3A_242, %dma_start3A_243] : memref<40x1024xf32, #tpu.memory_space<vmem>> -> memref<40x256xf32, #tpu.memory_space<vmem>>
    %dma_start3A_245 = arith.constant 0 : i32
    %dma_start3A_246 = tpu.memref_slice %arg3[%mul3A_234, %dma_start3A_235, %dma_start3A_245] : memref<10000x16x256xf32, #tpu.memory_space<hbm>> -> memref<40x1x256xf32, #tpu.memory_space<hbm>>
    %dma_start3A_247 = tpu.memref_squeeze %dma_start3A_246 : memref<40x1x256xf32, #tpu.memory_space<hbm>> -> memref<40x256xf32, #tpu.memory_space<hbm>>
    tpu.enqueue_dma source(%dma_start3A_247 : memref<40x256xf32, #tpu.memory_space<hbm>>) target(%dma_start3A_244 : memref<40x256xf32, #tpu.memory_space<vmem>>) target_semaphore(%arg8 : memref<!tpu.dma_semaphore, #tpu.memory_space<semaphore_mem>>)
    %dma_start3A_248 = arith.constant 0 : i32
    %dma_start3A_249 = arith.constant 0 : i32
    %dma_start3A_250 = arith.constant 256 : i32
    %dma_start3A_251 = tpu.memref_slice %arg5[%dma_start3A_249, %dma_start3A_250] : memref<40x1024xf32, #tpu.memory_space<vmem>> -> memref<40x256xf32, #tpu.memory_space<vmem>>
    %dma_start3A_252 = arith.constant 0 : i32
    %dma_start3A_253 = tpu.memref_slice %arg2[%mul3A_234, %dma_start3A_248, %dma_start3A_252] : memref<10000x16x256xf32, #tpu.memory_space<hbm>> -> memref<40x1x256xf32, #tpu.memory_space<hbm>>
    %dma_start3A_254 = tpu.memref_squeeze %dma_start3A_253 : memref<40x1x256xf32, #tpu.memory_space<hbm>> -> memref<40x256xf32, #tpu.memory_space<hbm>>
    %dma_start3A_255 = arith.constant 0 : i32
    %dma_start3A_256 = arith.constant 256 : i32
    %dma_start3A_257 = tpu.memref_slice %arg5[%dma_start3A_255, %dma_start3A_256] : memref<40x1024xf32, #tpu.memory_space<vmem>> -> memref<40x256xf32, #tpu.memory_space<vmem>>
    %dma_start3A_258 = arith.constant 0 : i32
    %dma_start3A_259 = tpu.memref_slice %arg2[%mul3A_234, %dma_start3A_248, %dma_start3A_258] : memref<10000x16x256xf32, #tpu.memory_space<hbm>> -> memref<40x1x256xf32, #tpu.memory_space<hbm>>
    %dma_start3A_260 = tpu.memref_squeeze %dma_start3A_259 : memref<40x1x256xf32, #tpu.memory_space<hbm>> -> memref<40x256xf32, #tpu.memory_space<hbm>>
    tpu.enqueue_dma source(%dma_start3A_260 : memref<40x256xf32, #tpu.memory_space<hbm>>) target(%dma_start3A_257 : memref<40x256xf32, #tpu.memory_space<vmem>>) target_semaphore(%arg8 : memref<!tpu.dma_semaphore, #tpu.memory_space<semaphore_mem>>)
    %dma_start3A_261 = arith.constant 1 : i32
    %dma_start3A_262 = arith.constant 0 : i32
    %dma_start3A_263 = arith.constant 512 : i32
    %dma_start3A_264 = tpu.memref_slice %arg5[%dma_start3A_262, %dma_start3A_263] : memref<40x1024xf32, #tpu.memory_space<vmem>> -> memref<40x256xf32, #tpu.memory_space<vmem>>
    %dma_start3A_265 = arith.constant 0 : i32
    %dma_start3A_266 = tpu.memref_slice %arg2[%mul3A_234, %dma_start3A_261, %dma_start3A_265] : memref<10000x16x256xf32, #tpu.memory_space<hbm>> -> memref<40x1x256xf32, #tpu.memory_space<hbm>>
    %dma_start3A_267 = tpu.memref_squeeze %dma_start3A_266 : memref<40x1x256xf32, #tpu.memory_space<hbm>> -> memref<40x256xf32, #tpu.memory_space<hbm>>
    %dma_start3A_268 = arith.constant 0 : i32
    %dma_start3A_269 = arith.constant 512 : i32
    %dma_start3A_270 = tpu.memref_slice %arg5[%dma_start3A_268, %dma_start3A_269] : memref<40x1024xf32, #tpu.memory_space<vmem>> -> memref<40x256xf32, #tpu.memory_space<vmem>>
    %dma_start3A_271 = arith.constant 0 : i32
    %dma_start3A_272 = tpu.memref_slice %arg2[%mul3A_234, %dma_start3A_261, %dma_start3A_271] : memref<10000x16x256xf32, #tpu.memory_space<hbm>> -> memref<40x1x256xf32, #tpu.memory_space<hbm>>
    %dma_start3A_273 = tpu.memref_squeeze %dma_start3A_272 : memref<40x1x256xf32, #tpu.memory_space<hbm>> -> memref<40x256xf32, #tpu.memory_space<hbm>>
    tpu.enqueue_dma source(%dma_start3A_273 : memref<40x256xf32, #tpu.memory_space<hbm>>) target(%dma_start3A_270 : memref<40x256xf32, #tpu.memory_space<vmem>>) target_semaphore(%arg8 : memref<!tpu.dma_semaphore, #tpu.memory_space<semaphore_mem>>)
    %dma_start3A_274 = arith.constant 2 : i32
    %dma_start3A_275 = arith.constant 0 : i32
    %dma_start3A_276 = arith.constant 768 : i32
    %dma_start3A_277 = tpu.memref_slice %arg5[%dma_start3A_275, %dma_start3A_276] : memref<40x1024xf32, #tpu.memory_space<vmem>> -> memref<40x256xf32, #tpu.memory_space<vmem>>
    %dma_start3A_278 = arith.constant 0 : i32
    %dma_start3A_279 = tpu.memref_slice %arg2[%mul3A_234, %dma_start3A_274, %dma_start3A_278] : memref<10000x16x256xf32, #tpu.memory_space<hbm>> -> memref<40x1x256xf32, #tpu.memory_space<hbm>>
    %dma_start3A_280 = tpu.memref_squeeze %dma_start3A_279 : memref<40x1x256xf32, #tpu.memory_space<hbm>> -> memref<40x256xf32, #tpu.memory_space<hbm>>
    %dma_start3A_281 = arith.constant 0 : i32
    %dma_start3A_282 = arith.constant 768 : i32
    %dma_start3A_283 = tpu.memref_slice %arg5[%dma_start3A_281, %dma_start3A_282] : memref<40x1024xf32, #tpu.memory_space<vmem>> -> memref<40x256xf32, #tpu.memory_space<vmem>>
    %dma_start3A_284 = arith.constant 0 : i32
    %dma_start3A_285 = tpu.memref_slice %arg2[%mul3A_234, %dma_start3A_274, %dma_start3A_284] : memref<10000x16x256xf32, #tpu.memory_space<hbm>> -> memref<40x1x256xf32, #tpu.memory_space<hbm>>
    %dma_start3A_286 = tpu.memref_squeeze %dma_start3A_285 : memref<40x1x256xf32, #tpu.memory_space<hbm>> -> memref<40x256xf32, #tpu.memory_space<hbm>>
    tpu.enqueue_dma source(%dma_start3A_286 : memref<40x256xf32, #tpu.memory_space<hbm>>) target(%dma_start3A_283 : memref<40x256xf32, #tpu.memory_space<vmem>>) target_semaphore(%arg8 : memref<!tpu.dma_semaphore, #tpu.memory_space<semaphore_mem>>)
    %dma_wait3A_287 = arith.constant 0 : i32
    %dma_wait3A_288 = arith.constant 0 : i32
    %dma_wait3A_289 = arith.constant 0 : i32
    %dma_wait3A_290 = tpu.memref_slice %arg6[%dma_wait3A_288, %dma_wait3A_289] : memref<40x1024xf32, #tpu.memory_space<vmem>> -> memref<40x256xf32, #tpu.memory_space<vmem>>
    %dma_wait3A_291 = arith.constant 0 : i32
    %dma_wait3A_292 = tpu.memref_slice %arg3[%mul3A_59, %dma_wait3A_287, %dma_wait3A_291] : memref<10000x16x256xf32, #tpu.memory_space<hbm>> -> memref<40x1x256xf32, #tpu.memory_space<hbm>>
    %dma_wait3A_293 = tpu.memref_squeeze %dma_wait3A_292 : memref<40x1x256xf32, #tpu.memory_space<hbm>> -> memref<40x256xf32, #tpu.memory_space<hbm>>
    %dma_wait3A_294 = arith.constant 0 : i32
    %dma_wait3A_295 = arith.constant 0 : i32
    %dma_wait3A_296 = tpu.memref_slice %arg6[%dma_wait3A_294, %dma_wait3A_295] : memref<40x1024xf32, #tpu.memory_space<vmem>> -> memref<40x256xf32, #tpu.memory_space<vmem>>
    %dma_wait3A_297 = arith.constant 0 : i32
    %dma_wait3A_298 = tpu.memref_slice %arg3[%mul3A_59, %dma_wait3A_287, %dma_wait3A_297] : memref<10000x16x256xf32, #tpu.memory_space<hbm>> -> memref<40x1x256xf32, #tpu.memory_space<hbm>>
    %dma_wait3A_299 = tpu.memref_squeeze %dma_wait3A_298 : memref<40x1x256xf32, #tpu.memory_space<hbm>> -> memref<40x256xf32, #tpu.memory_space<hbm>>
    tpu.wait_dma2 semaphore(%arg9 : memref<!tpu.dma_semaphore, #tpu.memory_space<semaphore_mem>>) src(%dma_wait3A_299 : memref<40x256xf32, #tpu.memory_space<hbm>>) dst(%dma_wait3A_296 : memref<40x256xf32, #tpu.memory_space<vmem>>)
    %dma_wait3A_300 = arith.constant 0 : i32
    %dma_wait3A_301 = arith.constant 0 : i32
    %dma_wait3A_302 = arith.constant 256 : i32
    %dma_wait3A_303 = tpu.memref_slice %arg6[%dma_wait3A_301, %dma_wait3A_302] : memref<40x1024xf32, #tpu.memory_space<vmem>> -> memref<40x256xf32, #tpu.memory_space<vmem>>
    %dma_wait3A_304 = arith.constant 0 : i32
    %dma_wait3A_305 = tpu.memref_slice %arg2[%mul3A_59, %dma_wait3A_300, %dma_wait3A_304] : memref<10000x16x256xf32, #tpu.memory_space<hbm>> -> memref<40x1x256xf32, #tpu.memory_space<hbm>>
    %dma_wait3A_306 = tpu.memref_squeeze %dma_wait3A_305 : memref<40x1x256xf32, #tpu.memory_space<hbm>> -> memref<40x256xf32, #tpu.memory_space<hbm>>
    %dma_wait3A_307 = arith.constant 0 : i32
    %dma_wait3A_308 = arith.constant 256 : i32
    %dma_wait3A_309 = tpu.memref_slice %arg6[%dma_wait3A_307, %dma_wait3A_308] : memref<40x1024xf32, #tpu.memory_space<vmem>> -> memref<40x256xf32, #tpu.memory_space<vmem>>
    %dma_wait3A_310 = arith.constant 0 : i32
    %dma_wait3A_311 = tpu.memref_slice %arg2[%mul3A_59, %dma_wait3A_300, %dma_wait3A_310] : memref<10000x16x256xf32, #tpu.memory_space<hbm>> -> memref<40x1x256xf32, #tpu.memory_space<hbm>>
    %dma_wait3A_312 = tpu.memref_squeeze %dma_wait3A_311 : memref<40x1x256xf32, #tpu.memory_space<hbm>> -> memref<40x256xf32, #tpu.memory_space<hbm>>
    tpu.wait_dma2 semaphore(%arg9 : memref<!tpu.dma_semaphore, #tpu.memory_space<semaphore_mem>>) src(%dma_wait3A_312 : memref<40x256xf32, #tpu.memory_space<hbm>>) dst(%dma_wait3A_309 : memref<40x256xf32, #tpu.memory_space<vmem>>)
    %dma_wait3A_313 = arith.constant 1 : i32
    %dma_wait3A_314 = arith.constant 0 : i32
    %dma_wait3A_315 = arith.constant 512 : i32
    %dma_wait3A_316 = tpu.memref_slice %arg6[%dma_wait3A_314, %dma_wait3A_315] : memref<40x1024xf32, #tpu.memory_space<vmem>> -> memref<40x256xf32, #tpu.memory_space<vmem>>
    %dma_wait3A_317 = arith.constant 0 : i32
    %dma_wait3A_318 = tpu.memref_slice %arg2[%mul3A_59, %dma_wait3A_313, %dma_wait3A_317] : memref<10000x16x256xf32, #tpu.memory_space<hbm>> -> memref<40x1x256xf32, #tpu.memory_space<hbm>>
    %dma_wait3A_319 = tpu.memref_squeeze %dma_wait3A_318 : memref<40x1x256xf32, #tpu.memory_space<hbm>> -> memref<40x256xf32, #tpu.memory_space<hbm>>
    %dma_wait3A_320 = arith.constant 0 : i32
    %dma_wait3A_321 = arith.constant 512 : i32
    %dma_wait3A_322 = tpu.memref_slice %arg6[%dma_wait3A_320, %dma_wait3A_321] : memref<40x1024xf32, #tpu.memory_space<vmem>> -> memref<40x256xf32, #tpu.memory_space<vmem>>
    %dma_wait3A_323 = arith.constant 0 : i32
    %dma_wait3A_324 = tpu.memref_slice %arg2[%mul3A_59, %dma_wait3A_313, %dma_wait3A_323] : memref<10000x16x256xf32, #tpu.memory_space<hbm>> -> memref<40x1x256xf32, #tpu.memory_space<hbm>>
    %dma_wait3A_325 = tpu.memref_squeeze %dma_wait3A_324 : memref<40x1x256xf32, #tpu.memory_space<hbm>> -> memref<40x256xf32, #tpu.memory_space<hbm>>
    tpu.wait_dma2 semaphore(%arg9 : memref<!tpu.dma_semaphore, #tpu.memory_space<semaphore_mem>>) src(%dma_wait3A_325 : memref<40x256xf32, #tpu.memory_space<hbm>>) dst(%dma_wait3A_322 : memref<40x256xf32, #tpu.memory_space<vmem>>)
    %dma_wait3A_326 = arith.constant 2 : i32
    %dma_wait3A_327 = arith.constant 0 : i32
    %dma_wait3A_328 = arith.constant 768 : i32
    %dma_wait3A_329 = tpu.memref_slice %arg6[%dma_wait3A_327, %dma_wait3A_328] : memref<40x1024xf32, #tpu.memory_space<vmem>> -> memref<40x256xf32, #tpu.memory_space<vmem>>
    %dma_wait3A_330 = arith.constant 0 : i32
    %dma_wait3A_331 = tpu.memref_slice %arg2[%mul3A_59, %dma_wait3A_326, %dma_wait3A_330] : memref<10000x16x256xf32, #tpu.memory_space<hbm>> -> memref<40x1x256xf32, #tpu.memory_space<hbm>>
    %dma_wait3A_332 = tpu.memref_squeeze %dma_wait3A_331 : memref<40x1x256xf32, #tpu.memory_space<hbm>> -> memref<40x256xf32, #tpu.memory_space<hbm>>
    %dma_wait3A_333 = arith.constant 0 : i32
    %dma_wait3A_334 = arith.constant 768 : i32
    %dma_wait3A_335 = tpu.memref_slice %arg6[%dma_wait3A_333, %dma_wait3A_334] : memref<40x1024xf32, #tpu.memory_space<vmem>> -> memref<40x256xf32, #tpu.memory_space<vmem>>
    %dma_wait3A_336 = arith.constant 0 : i32
    %dma_wait3A_337 = tpu.memref_slice %arg2[%mul3A_59, %dma_wait3A_326, %dma_wait3A_336] : memref<10000x16x256xf32, #tpu.memory_space<hbm>> -> memref<40x1x256xf32, #tpu.memory_space<hbm>>
    %dma_wait3A_338 = tpu.memref_squeeze %dma_wait3A_337 : memref<40x1x256xf32, #tpu.memory_space<hbm>> -> memref<40x256xf32, #tpu.memory_space<hbm>>
    tpu.wait_dma2 semaphore(%arg9 : memref<!tpu.dma_semaphore, #tpu.memory_space<semaphore_mem>>) src(%dma_wait3A_338 : memref<40x256xf32, #tpu.memory_space<hbm>>) dst(%dma_wait3A_335 : memref<40x256xf32, #tpu.memory_space<vmem>>)
    %add3A_339 = arith.constant 32 : i32
    %add3A_340 = arith.addi %add3A, %add3A_339 : i32
    %mul3A_341 = arith.constant 40 : i32
    %mul3A_342 = arith.muli %add3A_340, %mul3A_341 : i32
    %dma_start3A_343 = arith.constant 0 : i32
    %dma_start3A_344 = tpu.memref_slice %arg4[%mul3A_342, %dma_start3A_343] : memref<10000x1024xf32, #tpu.memory_space<hbm>> -> memref<40x1024xf32, #tpu.memory_space<hbm>>
    %dma_start3A_345 = arith.constant 0 : i32
    %dma_start3A_346 = tpu.memref_slice %arg4[%mul3A_342, %dma_start3A_345] : memref<10000x1024xf32, #tpu.memory_space<hbm>> -> memref<40x1024xf32, #tpu.memory_space<hbm>>
    tpu.enqueue_dma source(%arg6 : memref<40x1024xf32, #tpu.memory_space<vmem>>) target(%dma_start3A_346 : memref<40x1024xf32, #tpu.memory_space<hbm>>) target_semaphore(%arg12 : memref<!tpu.dma_semaphore, #tpu.memory_space<semaphore_mem>>)
    %dma_wait3A_347 = arith.constant 0 : i32
    %dma_wait3A_348 = tpu.memref_slice %arg4[%mul3A_342, %dma_wait3A_347] : memref<10000x1024xf32, #tpu.memory_space<hbm>> -> memref<40x1024xf32, #tpu.memory_space<hbm>>
    %dma_wait3A_349 = arith.constant 0 : i32
    %dma_wait3A_350 = tpu.memref_slice %arg4[%mul3A_342, %dma_wait3A_349] : memref<10000x1024xf32, #tpu.memory_space<hbm>> -> memref<40x1024xf32, #tpu.memory_space<hbm>>
    tpu.wait_dma2 semaphore(%arg12 : memref<!tpu.dma_semaphore, #tpu.memory_space<semaphore_mem>>) src(%arg6 : memref<40x1024xf32, #tpu.memory_space<vmem>>) dst(%dma_wait3A_350 : memref<40x1024xf32, #tpu.memory_space<hbm>>)
    %add3A_351 = arith.constant 128 : i32
    %add3A_352 = arith.addi %add3A, %add3A_351 : i32
    %mul3A_353 = arith.constant 40 : i32
    %mul3A_354 = arith.muli %add3A_352, %mul3A_353 : i32
    %dma_start3A_355 = arith.constant 0 : i32
    %dma_start3A_356 = arith.constant 0 : i32
    %dma_start3A_357 = arith.constant 0 : i32
    %dma_start3A_358 = tpu.memref_slice %arg6[%dma_start3A_356, %dma_start3A_357] : memref<40x1024xf32, #tpu.memory_space<vmem>> -> memref<40x256xf32, #tpu.memory_space<vmem>>
    %dma_start3A_359 = arith.constant 0 : i32
    %dma_start3A_360 = tpu.memref_slice %arg3[%mul3A_354, %dma_start3A_355, %dma_start3A_359] : memref<10000x16x256xf32, #tpu.memory_space<hbm>> -> memref<40x1x256xf32, #tpu.memory_space<hbm>>
    %dma_start3A_361 = tpu.memref_squeeze %dma_start3A_360 : memref<40x1x256xf32, #tpu.memory_space<hbm>> -> memref<40x256xf32, #tpu.memory_space<hbm>>
    %dma_start3A_362 = arith.constant 0 : i32
    %dma_start3A_363 = arith.constant 0 : i32
    %dma_start3A_364 = tpu.memref_slice %arg6[%dma_start3A_362, %dma_start3A_363] : memref<40x1024xf32, #tpu.memory_space<vmem>> -> memref<40x256xf32, #tpu.memory_space<vmem>>
    %dma_start3A_365 = arith.constant 0 : i32
    %dma_start3A_366 = tpu.memref_slice %arg3[%mul3A_354, %dma_start3A_355, %dma_start3A_365] : memref<10000x16x256xf32, #tpu.memory_space<hbm>> -> memref<40x1x256xf32, #tpu.memory_space<hbm>>
    %dma_start3A_367 = tpu.memref_squeeze %dma_start3A_366 : memref<40x1x256xf32, #tpu.memory_space<hbm>> -> memref<40x256xf32, #tpu.memory_space<hbm>>
    tpu.enqueue_dma source(%dma_start3A_367 : memref<40x256xf32, #tpu.memory_space<hbm>>) target(%dma_start3A_364 : memref<40x256xf32, #tpu.memory_space<vmem>>) target_semaphore(%arg9 : memref<!tpu.dma_semaphore, #tpu.memory_space<semaphore_mem>>)
    %dma_start3A_368 = arith.constant 0 : i32
    %dma_start3A_369 = arith.constant 0 : i32
    %dma_start3A_370 = arith.constant 256 : i32
    %dma_start3A_371 = tpu.memref_slice %arg6[%dma_start3A_369, %dma_start3A_370] : memref<40x1024xf32, #tpu.memory_space<vmem>> -> memref<40x256xf32, #tpu.memory_space<vmem>>
    %dma_start3A_372 = arith.constant 0 : i32
    %dma_start3A_373 = tpu.memref_slice %arg2[%mul3A_354, %dma_start3A_368, %dma_start3A_372] : memref<10000x16x256xf32, #tpu.memory_space<hbm>> -> memref<40x1x256xf32, #tpu.memory_space<hbm>>
    %dma_start3A_374 = tpu.memref_squeeze %dma_start3A_373 : memref<40x1x256xf32, #tpu.memory_space<hbm>> -> memref<40x256xf32, #tpu.memory_space<hbm>>
    %dma_start3A_375 = arith.constant 0 : i32
    %dma_start3A_376 = arith.constant 256 : i32
    %dma_start3A_377 = tpu.memref_slice %arg6[%dma_start3A_375, %dma_start3A_376] : memref<40x1024xf32, #tpu.memory_space<vmem>> -> memref<40x256xf32, #tpu.memory_space<vmem>>
    %dma_start3A_378 = arith.constant 0 : i32
    %dma_start3A_379 = tpu.memref_slice %arg2[%mul3A_354, %dma_start3A_368, %dma_start3A_378] : memref<10000x16x256xf32, #tpu.memory_space<hbm>> -> memref<40x1x256xf32, #tpu.memory_space<hbm>>
    %dma_start3A_380 = tpu.memref_squeeze %dma_start3A_379 : memref<40x1x256xf32, #tpu.memory_space<hbm>> -> memref<40x256xf32, #tpu.memory_space<hbm>>
    tpu.enqueue_dma source(%dma_start3A_380 : memref<40x256xf32, #tpu.memory_space<hbm>>) target(%dma_start3A_377 : memref<40x256xf32, #tpu.memory_space<vmem>>) target_semaphore(%arg9 : memref<!tpu.dma_semaphore, #tpu.memory_space<semaphore_mem>>)
    %dma_start3A_381 = arith.constant 1 : i32
    %dma_start3A_382 = arith.constant 0 : i32
    %dma_start3A_383 = arith.constant 512 : i32
    %dma_start3A_384 = tpu.memref_slice %arg6[%dma_start3A_382, %dma_start3A_383] : memref<40x1024xf32, #tpu.memory_space<vmem>> -> memref<40x256xf32, #tpu.memory_space<vmem>>
    %dma_start3A_385 = arith.constant 0 : i32
    %dma_start3A_386 = tpu.memref_slice %arg2[%mul3A_354, %dma_start3A_381, %dma_start3A_385] : memref<10000x16x256xf32, #tpu.memory_space<hbm>> -> memref<40x1x256xf32, #tpu.memory_space<hbm>>
    %dma_start3A_387 = tpu.memref_squeeze %dma_start3A_386 : memref<40x1x256xf32, #tpu.memory_space<hbm>> -> memref<40x256xf32, #tpu.memory_space<hbm>>
    %dma_start3A_388 = arith.constant 0 : i32
    %dma_start3A_389 = arith.constant 512 : i32
    %dma_start3A_390 = tpu.memref_slice %arg6[%dma_start3A_388, %dma_start3A_389] : memref<40x1024xf32, #tpu.memory_space<vmem>> -> memref<40x256xf32, #tpu.memory_space<vmem>>
    %dma_start3A_391 = arith.constant 0 : i32
    %dma_start3A_392 = tpu.memref_slice %arg2[%mul3A_354, %dma_start3A_381, %dma_start3A_391] : memref<10000x16x256xf32, #tpu.memory_space<hbm>> -> memref<40x1x256xf32, #tpu.memory_space<hbm>>
    %dma_start3A_393 = tpu.memref_squeeze %dma_start3A_392 : memref<40x1x256xf32, #tpu.memory_space<hbm>> -> memref<40x256xf32, #tpu.memory_space<hbm>>
    tpu.enqueue_dma source(%dma_start3A_393 : memref<40x256xf32, #tpu.memory_space<hbm>>) target(%dma_start3A_390 : memref<40x256xf32, #tpu.memory_space<vmem>>) target_semaphore(%arg9 : memref<!tpu.dma_semaphore, #tpu.memory_space<semaphore_mem>>)
    %dma_start3A_394 = arith.constant 2 : i32
    %dma_start3A_395 = arith.constant 0 : i32
    %dma_start3A_396 = arith.constant 768 : i32
    %dma_start3A_397 = tpu.memref_slice %arg6[%dma_start3A_395, %dma_start3A_396] : memref<40x1024xf32, #tpu.memory_space<vmem>> -> memref<40x256xf32, #tpu.memory_space<vmem>>
    %dma_start3A_398 = arith.constant 0 : i32
    %dma_start3A_399 = tpu.memref_slice %arg2[%mul3A_354, %dma_start3A_394, %dma_start3A_398] : memref<10000x16x256xf32, #tpu.memory_space<hbm>> -> memref<40x1x256xf32, #tpu.memory_space<hbm>>
    %dma_start3A_400 = tpu.memref_squeeze %dma_start3A_399 : memref<40x1x256xf32, #tpu.memory_space<hbm>> -> memref<40x256xf32, #tpu.memory_space<hbm>>
    %dma_start3A_401 = arith.constant 0 : i32
    %dma_start3A_402 = arith.constant 768 : i32
    %dma_start3A_403 = tpu.memref_slice %arg6[%dma_start3A_401, %dma_start3A_402] : memref<40x1024xf32, #tpu.memory_space<vmem>> -> memref<40x256xf32, #tpu.memory_space<vmem>>
    %dma_start3A_404 = arith.constant 0 : i32
    %dma_start3A_405 = tpu.memref_slice %arg2[%mul3A_354, %dma_start3A_394, %dma_start3A_404] : memref<10000x16x256xf32, #tpu.memory_space<hbm>> -> memref<40x1x256xf32, #tpu.memory_space<hbm>>
    %dma_start3A_406 = tpu.memref_squeeze %dma_start3A_405 : memref<40x1x256xf32, #tpu.memory_space<hbm>> -> memref<40x256xf32, #tpu.memory_space<hbm>>
    tpu.enqueue_dma source(%dma_start3A_406 : memref<40x256xf32, #tpu.memory_space<hbm>>) target(%dma_start3A_403 : memref<40x256xf32, #tpu.memory_space<vmem>>) target_semaphore(%arg9 : memref<!tpu.dma_semaphore, #tpu.memory_space<semaphore_mem>>)
    %dma_wait3A_407 = arith.constant 0 : i32
    %dma_wait3A_408 = arith.constant 0 : i32
    %dma_wait3A_409 = arith.constant 0 : i32
    %dma_wait3A_410 = tpu.memref_slice %arg7[%dma_wait3A_408, %dma_wait3A_409] : memref<40x1024xf32, #tpu.memory_space<vmem>> -> memref<40x256xf32, #tpu.memory_space<vmem>>
    %dma_wait3A_411 = arith.constant 0 : i32
    %dma_wait3A_412 = tpu.memref_slice %arg3[%mul3A_115, %dma_wait3A_407, %dma_wait3A_411] : memref<10000x16x256xf32, #tpu.memory_space<hbm>> -> memref<40x1x256xf32, #tpu.memory_space<hbm>>
    %dma_wait3A_413 = tpu.memref_squeeze %dma_wait3A_412 : memref<40x1x256xf32, #tpu.memory_space<hbm>> -> memref<40x256xf32, #tpu.memory_space<hbm>>
    %dma_wait3A_414 = arith.constant 0 : i32
    %dma_wait3A_415 = arith.constant 0 : i32
    %dma_wait3A_416 = tpu.memref_slice %arg7[%dma_wait3A_414, %dma_wait3A_415] : memref<40x1024xf32, #tpu.memory_space<vmem>> -> memref<40x256xf32, #tpu.memory_space<vmem>>
    %dma_wait3A_417 = arith.constant 0 : i32
    %dma_wait3A_418 = tpu.memref_slice %arg3[%mul3A_115, %dma_wait3A_407, %dma_wait3A_417] : memref<10000x16x256xf32, #tpu.memory_space<hbm>> -> memref<40x1x256xf32, #tpu.memory_space<hbm>>
    %dma_wait3A_419 = tpu.memref_squeeze %dma_wait3A_418 : memref<40x1x256xf32, #tpu.memory_space<hbm>> -> memref<40x256xf32, #tpu.memory_space<hbm>>
    tpu.wait_dma2 semaphore(%arg10 : memref<!tpu.dma_semaphore, #tpu.memory_space<semaphore_mem>>) src(%dma_wait3A_419 : memref<40x256xf32, #tpu.memory_space<hbm>>) dst(%dma_wait3A_416 : memref<40x256xf32, #tpu.memory_space<vmem>>)
    %dma_wait3A_420 = arith.constant 0 : i32
    %dma_wait3A_421 = arith.constant 0 : i32
    %dma_wait3A_422 = arith.constant 256 : i32
    %dma_wait3A_423 = tpu.memref_slice %arg7[%dma_wait3A_421, %dma_wait3A_422] : memref<40x1024xf32, #tpu.memory_space<vmem>> -> memref<40x256xf32, #tpu.memory_space<vmem>>
    %dma_wait3A_424 = arith.constant 0 : i32
    %dma_wait3A_425 = tpu.memref_slice %arg2[%mul3A_115, %dma_wait3A_420, %dma_wait3A_424] : memref<10000x16x256xf32, #tpu.memory_space<hbm>> -> memref<40x1x256xf32, #tpu.memory_space<hbm>>
    %dma_wait3A_426 = tpu.memref_squeeze %dma_wait3A_425 : memref<40x1x256xf32, #tpu.memory_space<hbm>> -> memref<40x256xf32, #tpu.memory_space<hbm>>
    %dma_wait3A_427 = arith.constant 0 : i32
    %dma_wait3A_428 = arith.constant 256 : i32
    %dma_wait3A_429 = tpu.memref_slice %arg7[%dma_wait3A_427, %dma_wait3A_428] : memref<40x1024xf32, #tpu.memory_space<vmem>> -> memref<40x256xf32, #tpu.memory_space<vmem>>
    %dma_wait3A_430 = arith.constant 0 : i32
    %dma_wait3A_431 = tpu.memref_slice %arg2[%mul3A_115, %dma_wait3A_420, %dma_wait3A_430] : memref<10000x16x256xf32, #tpu.memory_space<hbm>> -> memref<40x1x256xf32, #tpu.memory_space<hbm>>
    %dma_wait3A_432 = tpu.memref_squeeze %dma_wait3A_431 : memref<40x1x256xf32, #tpu.memory_space<hbm>> -> memref<40x256xf32, #tpu.memory_space<hbm>>
    tpu.wait_dma2 semaphore(%arg10 : memref<!tpu.dma_semaphore, #tpu.memory_space<semaphore_mem>>) src(%dma_wait3A_432 : memref<40x256xf32, #tpu.memory_space<hbm>>) dst(%dma_wait3A_429 : memref<40x256xf32, #tpu.memory_space<vmem>>)
    %dma_wait3A_433 = arith.constant 1 : i32
    %dma_wait3A_434 = arith.constant 0 : i32
    %dma_wait3A_435 = arith.constant 512 : i32
    %dma_wait3A_436 = tpu.memref_slice %arg7[%dma_wait3A_434, %dma_wait3A_435] : memref<40x1024xf32, #tpu.memory_space<vmem>> -> memref<40x256xf32, #tpu.memory_space<vmem>>
    %dma_wait3A_437 = arith.constant 0 : i32
    %dma_wait3A_438 = tpu.memref_slice %arg2[%mul3A_115, %dma_wait3A_433, %dma_wait3A_437] : memref<10000x16x256xf32, #tpu.memory_space<hbm>> -> memref<40x1x256xf32, #tpu.memory_space<hbm>>
    %dma_wait3A_439 = tpu.memref_squeeze %dma_wait3A_438 : memref<40x1x256xf32, #tpu.memory_space<hbm>> -> memref<40x256xf32, #tpu.memory_space<hbm>>
    %dma_wait3A_440 = arith.constant 0 : i32
    %dma_wait3A_441 = arith.constant 512 : i32
    %dma_wait3A_442 = tpu.memref_slice %arg7[%dma_wait3A_440, %dma_wait3A_441] : memref<40x1024xf32, #tpu.memory_space<vmem>> -> memref<40x256xf32, #tpu.memory_space<vmem>>
    %dma_wait3A_443 = arith.constant 0 : i32
    %dma_wait3A_444 = tpu.memref_slice %arg2[%mul3A_115, %dma_wait3A_433, %dma_wait3A_443] : memref<10000x16x256xf32, #tpu.memory_space<hbm>> -> memref<40x1x256xf32, #tpu.memory_space<hbm>>
    %dma_wait3A_445 = tpu.memref_squeeze %dma_wait3A_444 : memref<40x1x256xf32, #tpu.memory_space<hbm>> -> memref<40x256xf32, #tpu.memory_space<hbm>>
    tpu.wait_dma2 semaphore(%arg10 : memref<!tpu.dma_semaphore, #tpu.memory_space<semaphore_mem>>) src(%dma_wait3A_445 : memref<40x256xf32, #tpu.memory_space<hbm>>) dst(%dma_wait3A_442 : memref<40x256xf32, #tpu.memory_space<vmem>>)
    %dma_wait3A_446 = arith.constant 2 : i32
    %dma_wait3A_447 = arith.constant 0 : i32
    %dma_wait3A_448 = arith.constant 768 : i32
    %dma_wait3A_449 = tpu.memref_slice %arg7[%dma_wait3A_447, %dma_wait3A_448] : memref<40x1024xf32, #tpu.memory_space<vmem>> -> memref<40x256xf32, #tpu.memory_space<vmem>>
    %dma_wait3A_450 = arith.constant 0 : i32
    %dma_wait3A_451 = tpu.memref_slice %arg2[%mul3A_115, %dma_wait3A_446, %dma_wait3A_450] : memref<10000x16x256xf32, #tpu.memory_space<hbm>> -> memref<40x1x256xf32, #tpu.memory_space<hbm>>
    %dma_wait3A_452 = tpu.memref_squeeze %dma_wait3A_451 : memref<40x1x256xf32, #tpu.memory_space<hbm>> -> memref<40x256xf32, #tpu.memory_space<hbm>>
    %dma_wait3A_453 = arith.constant 0 : i32
    %dma_wait3A_454 = arith.constant 768 : i32
    %dma_wait3A_455 = tpu.memref_slice %arg7[%dma_wait3A_453, %dma_wait3A_454] : memref<40x1024xf32, #tpu.memory_space<vmem>> -> memref<40x256xf32, #tpu.memory_space<vmem>>
    %dma_wait3A_456 = arith.constant 0 : i32
    %dma_wait3A_457 = tpu.memref_slice %arg2[%mul3A_115, %dma_wait3A_446, %dma_wait3A_456] : memref<10000x16x256xf32, #tpu.memory_space<hbm>> -> memref<40x1x256xf32, #tpu.memory_space<hbm>>
    %dma_wait3A_458 = tpu.memref_squeeze %dma_wait3A_457 : memref<40x1x256xf32, #tpu.memory_space<hbm>> -> memref<40x256xf32, #tpu.memory_space<hbm>>
    tpu.wait_dma2 semaphore(%arg10 : memref<!tpu.dma_semaphore, #tpu.memory_space<semaphore_mem>>) src(%dma_wait3A_458 : memref<40x256xf32, #tpu.memory_space<hbm>>) dst(%dma_wait3A_455 : memref<40x256xf32, #tpu.memory_space<vmem>>)
    %add3A_459 = arith.constant 64 : i32
    %add3A_460 = arith.addi %add3A, %add3A_459 : i32
    %mul3A_461 = arith.constant 40 : i32
    %mul3A_462 = arith.muli %add3A_460, %mul3A_461 : i32
    %dma_start3A_463 = arith.constant 0 : i32
    %dma_start3A_464 = tpu.memref_slice %arg4[%mul3A_462, %dma_start3A_463] : memref<10000x1024xf32, #tpu.memory_space<hbm>> -> memref<40x1024xf32, #tpu.memory_space<hbm>>
    %dma_start3A_465 = arith.constant 0 : i32
    %dma_start3A_466 = tpu.memref_slice %arg4[%mul3A_462, %dma_start3A_465] : memref<10000x1024xf32, #tpu.memory_space<hbm>> -> memref<40x1024xf32, #tpu.memory_space<hbm>>
    tpu.enqueue_dma source(%arg7 : memref<40x1024xf32, #tpu.memory_space<vmem>>) target(%dma_start3A_466 : memref<40x1024xf32, #tpu.memory_space<hbm>>) target_semaphore(%arg13 : memref<!tpu.dma_semaphore, #tpu.memory_space<semaphore_mem>>)
    %dma_wait3A_467 = arith.constant 0 : i32
    %dma_wait3A_468 = tpu.memref_slice %arg4[%mul3A_462, %dma_wait3A_467] : memref<10000x1024xf32, #tpu.memory_space<hbm>> -> memref<40x1024xf32, #tpu.memory_space<hbm>>
    %dma_wait3A_469 = arith.constant 0 : i32
    %dma_wait3A_470 = tpu.memref_slice %arg4[%mul3A_462, %dma_wait3A_469] : memref<10000x1024xf32, #tpu.memory_space<hbm>> -> memref<40x1024xf32, #tpu.memory_space<hbm>>
    tpu.wait_dma2 semaphore(%arg13 : memref<!tpu.dma_semaphore, #tpu.memory_space<semaphore_mem>>) src(%arg7 : memref<40x1024xf32, #tpu.memory_space<vmem>>) dst(%dma_wait3A_470 : memref<40x1024xf32, #tpu.memory_space<hbm>>)
    %add3A_471 = arith.constant 160 : i32
    %add3A_472 = arith.addi %add3A, %add3A_471 : i32
    %mul3A_473 = arith.constant 40 : i32
    %mul3A_474 = arith.muli %add3A_472, %mul3A_473 : i32
    %dma_start3A_475 = arith.constant 0 : i32
    %dma_start3A_476 = arith.constant 0 : i32
    %dma_start3A_477 = arith.constant 0 : i32
    %dma_start3A_478 = tpu.memref_slice %arg7[%dma_start3A_476, %dma_start3A_477] : memref<40x1024xf32, #tpu.memory_space<vmem>> -> memref<40x256xf32, #tpu.memory_space<vmem>>
    %dma_start3A_479 = arith.constant 0 : i32
    %dma_start3A_480 = tpu.memref_slice %arg3[%mul3A_474, %dma_start3A_475, %dma_start3A_479] : memref<10000x16x256xf32, #tpu.memory_space<hbm>> -> memref<40x1x256xf32, #tpu.memory_space<hbm>>
    %dma_start3A_481 = tpu.memref_squeeze %dma_start3A_480 : memref<40x1x256xf32, #tpu.memory_space<hbm>> -> memref<40x256xf32, #tpu.memory_space<hbm>>
    %dma_start3A_482 = arith.constant 0 : i32
    %dma_start3A_483 = arith.constant 0 : i32
    %dma_start3A_484 = tpu.memref_slice %arg7[%dma_start3A_482, %dma_start3A_483] : memref<40x1024xf32, #tpu.memory_space<vmem>> -> memref<40x256xf32, #tpu.memory_space<vmem>>
    %dma_start3A_485 = arith.constant 0 : i32
    %dma_start3A_486 = tpu.memref_slice %arg3[%mul3A_474, %dma_start3A_475, %dma_start3A_485] : memref<10000x16x256xf32, #tpu.memory_space<hbm>> -> memref<40x1x256xf32, #tpu.memory_space<hbm>>
    %dma_start3A_487 = tpu.memref_squeeze %dma_start3A_486 : memref<40x1x256xf32, #tpu.memory_space<hbm>> -> memref<40x256xf32, #tpu.memory_space<hbm>>
    tpu.enqueue_dma source(%dma_start3A_487 : memref<40x256xf32, #tpu.memory_space<hbm>>) target(%dma_start3A_484 : memref<40x256xf32, #tpu.memory_space<vmem>>) target_semaphore(%arg10 : memref<!tpu.dma_semaphore, #tpu.memory_space<semaphore_mem>>)
    %dma_start3A_488 = arith.constant 0 : i32
    %dma_start3A_489 = arith.constant 0 : i32
    %dma_start3A_490 = arith.constant 256 : i32
    %dma_start3A_491 = tpu.memref_slice %arg7[%dma_start3A_489, %dma_start3A_490] : memref<40x1024xf32, #tpu.memory_space<vmem>> -> memref<40x256xf32, #tpu.memory_space<vmem>>
    %dma_start3A_492 = arith.constant 0 : i32
    %dma_start3A_493 = tpu.memref_slice %arg2[%mul3A_474, %dma_start3A_488, %dma_start3A_492] : memref<10000x16x256xf32, #tpu.memory_space<hbm>> -> memref<40x1x256xf32, #tpu.memory_space<hbm>>
    %dma_start3A_494 = tpu.memref_squeeze %dma_start3A_493 : memref<40x1x256xf32, #tpu.memory_space<hbm>> -> memref<40x256xf32, #tpu.memory_space<hbm>>
    %dma_start3A_495 = arith.constant 0 : i32
    %dma_start3A_496 = arith.constant 256 : i32
    %dma_start3A_497 = tpu.memref_slice %arg7[%dma_start3A_495, %dma_start3A_496] : memref<40x1024xf32, #tpu.memory_space<vmem>> -> memref<40x256xf32, #tpu.memory_space<vmem>>
    %dma_start3A_498 = arith.constant 0 : i32
    %dma_start3A_499 = tpu.memref_slice %arg2[%mul3A_474, %dma_start3A_488, %dma_start3A_498] : memref<10000x16x256xf32, #tpu.memory_space<hbm>> -> memref<40x1x256xf32, #tpu.memory_space<hbm>>
    %dma_start3A_500 = tpu.memref_squeeze %dma_start3A_499 : memref<40x1x256xf32, #tpu.memory_space<hbm>> -> memref<40x256xf32, #tpu.memory_space<hbm>>
    tpu.enqueue_dma source(%dma_start3A_500 : memref<40x256xf32, #tpu.memory_space<hbm>>) target(%dma_start3A_497 : memref<40x256xf32, #tpu.memory_space<vmem>>) target_semaphore(%arg10 : memref<!tpu.dma_semaphore, #tpu.memory_space<semaphore_mem>>)
    %dma_start3A_501 = arith.constant 1 : i32
    %dma_start3A_502 = arith.constant 0 : i32
    %dma_start3A_503 = arith.constant 512 : i32
    %dma_start3A_504 = tpu.memref_slice %arg7[%dma_start3A_502, %dma_start3A_503] : memref<40x1024xf32, #tpu.memory_space<vmem>> -> memref<40x256xf32, #tpu.memory_space<vmem>>
    %dma_start3A_505 = arith.constant 0 : i32
    %dma_start3A_506 = tpu.memref_slice %arg2[%mul3A_474, %dma_start3A_501, %dma_start3A_505] : memref<10000x16x256xf32, #tpu.memory_space<hbm>> -> memref<40x1x256xf32, #tpu.memory_space<hbm>>
    %dma_start3A_507 = tpu.memref_squeeze %dma_start3A_506 : memref<40x1x256xf32, #tpu.memory_space<hbm>> -> memref<40x256xf32, #tpu.memory_space<hbm>>
    %dma_start3A_508 = arith.constant 0 : i32
    %dma_start3A_509 = arith.constant 512 : i32
    %dma_start3A_510 = tpu.memref_slice %arg7[%dma_start3A_508, %dma_start3A_509] : memref<40x1024xf32, #tpu.memory_space<vmem>> -> memref<40x256xf32, #tpu.memory_space<vmem>>
    %dma_start3A_511 = arith.constant 0 : i32
    %dma_start3A_512 = tpu.memref_slice %arg2[%mul3A_474, %dma_start3A_501, %dma_start3A_511] : memref<10000x16x256xf32, #tpu.memory_space<hbm>> -> memref<40x1x256xf32, #tpu.memory_space<hbm>>
    %dma_start3A_513 = tpu.memref_squeeze %dma_start3A_512 : memref<40x1x256xf32, #tpu.memory_space<hbm>> -> memref<40x256xf32, #tpu.memory_space<hbm>>
    tpu.enqueue_dma source(%dma_start3A_513 : memref<40x256xf32, #tpu.memory_space<hbm>>) target(%dma_start3A_510 : memref<40x256xf32, #tpu.memory_space<vmem>>) target_semaphore(%arg10 : memref<!tpu.dma_semaphore, #tpu.memory_space<semaphore_mem>>)
    %dma_start3A_514 = arith.constant 2 : i32
    %dma_start3A_515 = arith.constant 0 : i32
    %dma_start3A_516 = arith.constant 768 : i32
    %dma_start3A_517 = tpu.memref_slice %arg7[%dma_start3A_515, %dma_start3A_516] : memref<40x1024xf32, #tpu.memory_space<vmem>> -> memref<40x256xf32, #tpu.memory_space<vmem>>
    %dma_start3A_518 = arith.constant 0 : i32
    %dma_start3A_519 = tpu.memref_slice %arg2[%mul3A_474, %dma_start3A_514, %dma_start3A_518] : memref<10000x16x256xf32, #tpu.memory_space<hbm>> -> memref<40x1x256xf32, #tpu.memory_space<hbm>>
    %dma_start3A_520 = tpu.memref_squeeze %dma_start3A_519 : memref<40x1x256xf32, #tpu.memory_space<hbm>> -> memref<40x256xf32, #tpu.memory_space<hbm>>
    %dma_start3A_521 = arith.constant 0 : i32
    %dma_start3A_522 = arith.constant 768 : i32
    %dma_start3A_523 = tpu.memref_slice %arg7[%dma_start3A_521, %dma_start3A_522] : memref<40x1024xf32, #tpu.memory_space<vmem>> -> memref<40x256xf32, #tpu.memory_space<vmem>>
    %dma_start3A_524 = arith.constant 0 : i32
    %dma_start3A_525 = tpu.memref_slice %arg2[%mul3A_474, %dma_start3A_514, %dma_start3A_524] : memref<10000x16x256xf32, #tpu.memory_space<hbm>> -> memref<40x1x256xf32, #tpu.memory_space<hbm>>
    %dma_start3A_526 = tpu.memref_squeeze %dma_start3A_525 : memref<40x1x256xf32, #tpu.memory_space<hbm>> -> memref<40x256xf32, #tpu.memory_space<hbm>>
    tpu.enqueue_dma source(%dma_start3A_526 : memref<40x256xf32, #tpu.memory_space<hbm>>) target(%dma_start3A_523 : memref<40x256xf32, #tpu.memory_space<vmem>>) target_semaphore(%arg10 : memref<!tpu.dma_semaphore, #tpu.memory_space<semaphore_mem>>)
    %dma_wait3A_527 = arith.constant 0 : i32
    %dma_wait3A_528 = arith.constant 0 : i32
    %dma_wait3A_529 = arith.constant 0 : i32
    %dma_wait3A_530 = tpu.memref_slice %arg5[%dma_wait3A_528, %dma_wait3A_529] : memref<40x1024xf32, #tpu.memory_space<vmem>> -> memref<40x256xf32, #tpu.memory_space<vmem>>
    %dma_wait3A_531 = arith.constant 0 : i32
    %dma_wait3A_532 = tpu.memref_slice %arg3[%mul3A_234, %dma_wait3A_527, %dma_wait3A_531] : memref<10000x16x256xf32, #tpu.memory_space<hbm>> -> memref<40x1x256xf32, #tpu.memory_space<hbm>>
    %dma_wait3A_533 = tpu.memref_squeeze %dma_wait3A_532 : memref<40x1x256xf32, #tpu.memory_space<hbm>> -> memref<40x256xf32, #tpu.memory_space<hbm>>
    %dma_wait3A_534 = arith.constant 0 : i32
    %dma_wait3A_535 = arith.constant 0 : i32
    %dma_wait3A_536 = tpu.memref_slice %arg5[%dma_wait3A_534, %dma_wait3A_535] : memref<40x1024xf32, #tpu.memory_space<vmem>> -> memref<40x256xf32, #tpu.memory_space<vmem>>
    %dma_wait3A_537 = arith.constant 0 : i32
    %dma_wait3A_538 = tpu.memref_slice %arg3[%mul3A_234, %dma_wait3A_527, %dma_wait3A_537] : memref<10000x16x256xf32, #tpu.memory_space<hbm>> -> memref<40x1x256xf32, #tpu.memory_space<hbm>>
    %dma_wait3A_539 = tpu.memref_squeeze %dma_wait3A_538 : memref<40x1x256xf32, #tpu.memory_space<hbm>> -> memref<40x256xf32, #tpu.memory_space<hbm>>
    tpu.wait_dma2 semaphore(%arg8 : memref<!tpu.dma_semaphore, #tpu.memory_space<semaphore_mem>>) src(%dma_wait3A_539 : memref<40x256xf32, #tpu.memory_space<hbm>>) dst(%dma_wait3A_536 : memref<40x256xf32, #tpu.memory_space<vmem>>)
    %dma_wait3A_540 = arith.constant 0 : i32
    %dma_wait3A_541 = arith.constant 0 : i32
    %dma_wait3A_542 = arith.constant 256 : i32
    %dma_wait3A_543 = tpu.memref_slice %arg5[%dma_wait3A_541, %dma_wait3A_542] : memref<40x1024xf32, #tpu.memory_space<vmem>> -> memref<40x256xf32, #tpu.memory_space<vmem>>
    %dma_wait3A_544 = arith.constant 0 : i32
    %dma_wait3A_545 = tpu.memref_slice %arg2[%mul3A_234, %dma_wait3A_540, %dma_wait3A_544] : memref<10000x16x256xf32, #tpu.memory_space<hbm>> -> memref<40x1x256xf32, #tpu.memory_space<hbm>>
    %dma_wait3A_546 = tpu.memref_squeeze %dma_wait3A_545 : memref<40x1x256xf32, #tpu.memory_space<hbm>> -> memref<40x256xf32, #tpu.memory_space<hbm>>
    %dma_wait3A_547 = arith.constant 0 : i32
    %dma_wait3A_548 = arith.constant 256 : i32
    %dma_wait3A_549 = tpu.memref_slice %arg5[%dma_wait3A_547, %dma_wait3A_548] : memref<40x1024xf32, #tpu.memory_space<vmem>> -> memref<40x256xf32, #tpu.memory_space<vmem>>
    %dma_wait3A_550 = arith.constant 0 : i32
    %dma_wait3A_551 = tpu.memref_slice %arg2[%mul3A_234, %dma_wait3A_540, %dma_wait3A_550] : memref<10000x16x256xf32, #tpu.memory_space<hbm>> -> memref<40x1x256xf32, #tpu.memory_space<hbm>>
    %dma_wait3A_552 = tpu.memref_squeeze %dma_wait3A_551 : memref<40x1x256xf32, #tpu.memory_space<hbm>> -> memref<40x256xf32, #tpu.memory_space<hbm>>
    tpu.wait_dma2 semaphore(%arg8 : memref<!tpu.dma_semaphore, #tpu.memory_space<semaphore_mem>>) src(%dma_wait3A_552 : memref<40x256xf32, #tpu.memory_space<hbm>>) dst(%dma_wait3A_549 : memref<40x256xf32, #tpu.memory_space<vmem>>)
    %dma_wait3A_553 = arith.constant 1 : i32
    %dma_wait3A_554 = arith.constant 0 : i32
    %dma_wait3A_555 = arith.constant 512 : i32
    %dma_wait3A_556 = tpu.memref_slice %arg5[%dma_wait3A_554, %dma_wait3A_555] : memref<40x1024xf32, #tpu.memory_space<vmem>> -> memref<40x256xf32, #tpu.memory_space<vmem>>
    %dma_wait3A_557 = arith.constant 0 : i32
    %dma_wait3A_558 = tpu.memref_slice %arg2[%mul3A_234, %dma_wait3A_553, %dma_wait3A_557] : memref<10000x16x256xf32, #tpu.memory_space<hbm>> -> memref<40x1x256xf32, #tpu.memory_space<hbm>>
    %dma_wait3A_559 = tpu.memref_squeeze %dma_wait3A_558 : memref<40x1x256xf32, #tpu.memory_space<hbm>> -> memref<40x256xf32, #tpu.memory_space<hbm>>
    %dma_wait3A_560 = arith.constant 0 : i32
    %dma_wait3A_561 = arith.constant 512 : i32
    %dma_wait3A_562 = tpu.memref_slice %arg5[%dma_wait3A_560, %dma_wait3A_561] : memref<40x1024xf32, #tpu.memory_space<vmem>> -> memref<40x256xf32, #tpu.memory_space<vmem>>
    %dma_wait3A_563 = arith.constant 0 : i32
    %dma_wait3A_564 = tpu.memref_slice %arg2[%mul3A_234, %dma_wait3A_553, %dma_wait3A_563] : memref<10000x16x256xf32, #tpu.memory_space<hbm>> -> memref<40x1x256xf32, #tpu.memory_space<hbm>>
    %dma_wait3A_565 = tpu.memref_squeeze %dma_wait3A_564 : memref<40x1x256xf32, #tpu.memory_space<hbm>> -> memref<40x256xf32, #tpu.memory_space<hbm>>
    tpu.wait_dma2 semaphore(%arg8 : memref<!tpu.dma_semaphore, #tpu.memory_space<semaphore_mem>>) src(%dma_wait3A_565 : memref<40x256xf32, #tpu.memory_space<hbm>>) dst(%dma_wait3A_562 : memref<40x256xf32, #tpu.memory_space<vmem>>)
    %dma_wait3A_566 = arith.constant 2 : i32
    %dma_wait3A_567 = arith.constant 0 : i32
    %dma_wait3A_568 = arith.constant 768 : i32
    %dma_wait3A_569 = tpu.memref_slice %arg5[%dma_wait3A_567, %dma_wait3A_568] : memref<40x1024xf32, #tpu.memory_space<vmem>> -> memref<40x256xf32, #tpu.memory_space<vmem>>
    %dma_wait3A_570 = arith.constant 0 : i32
    %dma_wait3A_571 = tpu.memref_slice %arg2[%mul3A_234, %dma_wait3A_566, %dma_wait3A_570] : memref<10000x16x256xf32, #tpu.memory_space<hbm>> -> memref<40x1x256xf32, #tpu.memory_space<hbm>>
    %dma_wait3A_572 = tpu.memref_squeeze %dma_wait3A_571 : memref<40x1x256xf32, #tpu.memory_space<hbm>> -> memref<40x256xf32, #tpu.memory_space<hbm>>
    %dma_wait3A_573 = arith.constant 0 : i32
    %dma_wait3A_574 = arith.constant 768 : i32
    %dma_wait3A_575 = tpu.memref_slice %arg5[%dma_wait3A_573, %dma_wait3A_574] : memref<40x1024xf32, #tpu.memory_space<vmem>> -> memref<40x256xf32, #tpu.memory_space<vmem>>
    %dma_wait3A_576 = arith.constant 0 : i32
    %dma_wait3A_577 = tpu.memref_slice %arg2[%mul3A_234, %dma_wait3A_566, %dma_wait3A_576] : memref<10000x16x256xf32, #tpu.memory_space<hbm>> -> memref<40x1x256xf32, #tpu.memory_space<hbm>>
    %dma_wait3A_578 = tpu.memref_squeeze %dma_wait3A_577 : memref<40x1x256xf32, #tpu.memory_space<hbm>> -> memref<40x256xf32, #tpu.memory_space<hbm>>
    tpu.wait_dma2 semaphore(%arg8 : memref<!tpu.dma_semaphore, #tpu.memory_space<semaphore_mem>>) src(%dma_wait3A_578 : memref<40x256xf32, #tpu.memory_space<hbm>>) dst(%dma_wait3A_575 : memref<40x256xf32, #tpu.memory_space<vmem>>)
    %add3A_579 = arith.constant 96 : i32
    %add3A_580 = arith.addi %add3A, %add3A_579 : i32
    %mul3A_581 = arith.constant 40 : i32
    %mul3A_582 = arith.muli %add3A_580, %mul3A_581 : i32
    %dma_start3A_583 = arith.constant 0 : i32
    %dma_start3A_584 = tpu.memref_slice %arg4[%mul3A_582, %dma_start3A_583] : memref<10000x1024xf32, #tpu.memory_space<hbm>> -> memref<40x1024xf32, #tpu.memory_space<hbm>>
    %dma_start3A_585 = arith.constant 0 : i32
    %dma_start3A_586 = tpu.memref_slice %arg4[%mul3A_582, %dma_start3A_585] : memref<10000x1024xf32, #tpu.memory_space<hbm>> -> memref<40x1024xf32, #tpu.memory_space<hbm>>
    tpu.enqueue_dma source(%arg5 : memref<40x1024xf32, #tpu.memory_space<vmem>>) target(%dma_start3A_586 : memref<40x1024xf32, #tpu.memory_space<hbm>>) target_semaphore(%arg11 : memref<!tpu.dma_semaphore, #tpu.memory_space<semaphore_mem>>)
    %dma_wait3A_587 = arith.constant 0 : i32
    %dma_wait3A_588 = tpu.memref_slice %arg4[%mul3A_582, %dma_wait3A_587] : memref<10000x1024xf32, #tpu.memory_space<hbm>> -> memref<40x1024xf32, #tpu.memory_space<hbm>>
    %dma_wait3A_589 = arith.constant 0 : i32
    %dma_wait3A_590 = tpu.memref_slice %arg4[%mul3A_582, %dma_wait3A_589] : memref<10000x1024xf32, #tpu.memory_space<hbm>> -> memref<40x1024xf32, #tpu.memory_space<hbm>>
    tpu.wait_dma2 semaphore(%arg11 : memref<!tpu.dma_semaphore, #tpu.memory_space<semaphore_mem>>) src(%arg5 : memref<40x1024xf32, #tpu.memory_space<vmem>>) dst(%dma_wait3A_590 : memref<40x1024xf32, #tpu.memory_space<hbm>>)
    %add3A_591 = arith.constant 192 : i32
    %add3A_592 = arith.addi %add3A, %add3A_591 : i32
    %mul3A_593 = arith.constant 40 : i32
    %mul3A_594 = arith.muli %add3A_592, %mul3A_593 : i32
    %dma_start3A_595 = arith.constant 0 : i32
    %dma_start3A_596 = arith.constant 0 : i32
    %dma_start3A_597 = arith.constant 0 : i32
    %dma_start3A_598 = tpu.memref_slice %arg5[%dma_start3A_596, %dma_start3A_597] : memref<40x1024xf32, #tpu.memory_space<vmem>> -> memref<40x256xf32, #tpu.memory_space<vmem>>
    %dma_start3A_599 = arith.constant 0 : i32
    %dma_start3A_600 = tpu.memref_slice %arg3[%mul3A_594, %dma_start3A_595, %dma_start3A_599] : memref<10000x16x256xf32, #tpu.memory_space<hbm>> -> memref<40x1x256xf32, #tpu.memory_space<hbm>>
    %dma_start3A_601 = tpu.memref_squeeze %dma_start3A_600 : memref<40x1x256xf32, #tpu.memory_space<hbm>> -> memref<40x256xf32, #tpu.memory_space<hbm>>
    %dma_start3A_602 = arith.constant 0 : i32
    %dma_start3A_603 = arith.constant 0 : i32
    %dma_start3A_604 = tpu.memref_slice %arg5[%dma_start3A_602, %dma_start3A_603] : memref<40x1024xf32, #tpu.memory_space<vmem>> -> memref<40x256xf32, #tpu.memory_space<vmem>>
    %dma_start3A_605 = arith.constant 0 : i32
    %dma_start3A_606 = tpu.memref_slice %arg3[%mul3A_594, %dma_start3A_595, %dma_start3A_605] : memref<10000x16x256xf32, #tpu.memory_space<hbm>> -> memref<40x1x256xf32, #tpu.memory_space<hbm>>
    %dma_start3A_607 = tpu.memref_squeeze %dma_start3A_606 : memref<40x1x256xf32, #tpu.memory_space<hbm>> -> memref<40x256xf32, #tpu.memory_space<hbm>>
    tpu.enqueue_dma source(%dma_start3A_607 : memref<40x256xf32, #tpu.memory_space<hbm>>) target(%dma_start3A_604 : memref<40x256xf32, #tpu.memory_space<vmem>>) target_semaphore(%arg8 : memref<!tpu.dma_semaphore, #tpu.memory_space<semaphore_mem>>)
    %dma_start3A_608 = arith.constant 0 : i32
    %dma_start3A_609 = arith.constant 0 : i32
    %dma_start3A_610 = arith.constant 256 : i32
    %dma_start3A_611 = tpu.memref_slice %arg5[%dma_start3A_609, %dma_start3A_610] : memref<40x1024xf32, #tpu.memory_space<vmem>> -> memref<40x256xf32, #tpu.memory_space<vmem>>
    %dma_start3A_612 = arith.constant 0 : i32
    %dma_start3A_613 = tpu.memref_slice %arg2[%mul3A_594, %dma_start3A_608, %dma_start3A_612] : memref<10000x16x256xf32, #tpu.memory_space<hbm>> -> memref<40x1x256xf32, #tpu.memory_space<hbm>>
    %dma_start3A_614 = tpu.memref_squeeze %dma_start3A_613 : memref<40x1x256xf32, #tpu.memory_space<hbm>> -> memref<40x256xf32, #tpu.memory_space<hbm>>
    %dma_start3A_615 = arith.constant 0 : i32
    %dma_start3A_616 = arith.constant 256 : i32
    %dma_start3A_617 = tpu.memref_slice %arg5[%dma_start3A_615, %dma_start3A_616] : memref<40x1024xf32, #tpu.memory_space<vmem>> -> memref<40x256xf32, #tpu.memory_space<vmem>>
    %dma_start3A_618 = arith.constant 0 : i32
    %dma_start3A_619 = tpu.memref_slice %arg2[%mul3A_594, %dma_start3A_608, %dma_start3A_618] : memref<10000x16x256xf32, #tpu.memory_space<hbm>> -> memref<40x1x256xf32, #tpu.memory_space<hbm>>
    %dma_start3A_620 = tpu.memref_squeeze %dma_start3A_619 : memref<40x1x256xf32, #tpu.memory_space<hbm>> -> memref<40x256xf32, #tpu.memory_space<hbm>>
    tpu.enqueue_dma source(%dma_start3A_620 : memref<40x256xf32, #tpu.memory_space<hbm>>) target(%dma_start3A_617 : memref<40x256xf32, #tpu.memory_space<vmem>>) target_semaphore(%arg8 : memref<!tpu.dma_semaphore, #tpu.memory_space<semaphore_mem>>)
    %dma_start3A_621 = arith.constant 1 : i32
    %dma_start3A_622 = arith.constant 0 : i32
    %dma_start3A_623 = arith.constant 512 : i32
    %dma_start3A_624 = tpu.memref_slice %arg5[%dma_start3A_622, %dma_start3A_623] : memref<40x1024xf32, #tpu.memory_space<vmem>> -> memref<40x256xf32, #tpu.memory_space<vmem>>
    %dma_start3A_625 = arith.constant 0 : i32
    %dma_start3A_626 = tpu.memref_slice %arg2[%mul3A_594, %dma_start3A_621, %dma_start3A_625] : memref<10000x16x256xf32, #tpu.memory_space<hbm>> -> memref<40x1x256xf32, #tpu.memory_space<hbm>>
    %dma_start3A_627 = tpu.memref_squeeze %dma_start3A_626 : memref<40x1x256xf32, #tpu.memory_space<hbm>> -> memref<40x256xf32, #tpu.memory_space<hbm>>
    %dma_start3A_628 = arith.constant 0 : i32
    %dma_start3A_629 = arith.constant 512 : i32
    %dma_start3A_630 = tpu.memref_slice %arg5[%dma_start3A_628, %dma_start3A_629] : memref<40x1024xf32, #tpu.memory_space<vmem>> -> memref<40x256xf32, #tpu.memory_space<vmem>>
    %dma_start3A_631 = arith.constant 0 : i32
    %dma_start3A_632 = tpu.memref_slice %arg2[%mul3A_594, %dma_start3A_621, %dma_start3A_631] : memref<10000x16x256xf32, #tpu.memory_space<hbm>> -> memref<40x1x256xf32, #tpu.memory_space<hbm>>
    %dma_start3A_633 = tpu.memref_squeeze %dma_start3A_632 : memref<40x1x256xf32, #tpu.memory_space<hbm>> -> memref<40x256xf32, #tpu.memory_space<hbm>>
    tpu.enqueue_dma source(%dma_start3A_633 : memref<40x256xf32, #tpu.memory_space<hbm>>) target(%dma_start3A_630 : memref<40x256xf32, #tpu.memory_space<vmem>>) target_semaphore(%arg8 : memref<!tpu.dma_semaphore, #tpu.memory_space<semaphore_mem>>)
    %dma_start3A_634 = arith.constant 2 : i32
    %dma_start3A_635 = arith.constant 0 : i32
    %dma_start3A_636 = arith.constant 768 : i32
    %dma_start3A_637 = tpu.memref_slice %arg5[%dma_start3A_635, %dma_start3A_636] : memref<40x1024xf32, #tpu.memory_space<vmem>> -> memref<40x256xf32, #tpu.memory_space<vmem>>
    %dma_start3A_638 = arith.constant 0 : i32
    %dma_start3A_639 = tpu.memref_slice %arg2[%mul3A_594, %dma_start3A_634, %dma_start3A_638] : memref<10000x16x256xf32, #tpu.memory_space<hbm>> -> memref<40x1x256xf32, #tpu.memory_space<hbm>>
    %dma_start3A_640 = tpu.memref_squeeze %dma_start3A_639 : memref<40x1x256xf32, #tpu.memory_space<hbm>> -> memref<40x256xf32, #tpu.memory_space<hbm>>
    %dma_start3A_641 = arith.constant 0 : i32
    %dma_start3A_642 = arith.constant 768 : i32
    %dma_start3A_643 = tpu.memref_slice %arg5[%dma_start3A_641, %dma_start3A_642] : memref<40x1024xf32, #tpu.memory_space<vmem>> -> memref<40x256xf32, #tpu.memory_space<vmem>>
    %dma_start3A_644 = arith.constant 0 : i32
    %dma_start3A_645 = tpu.memref_slice %arg2[%mul3A_594, %dma_start3A_634, %dma_start3A_644] : memref<10000x16x256xf32, #tpu.memory_space<hbm>> -> memref<40x1x256xf32, #tpu.memory_space<hbm>>
    %dma_start3A_646 = tpu.memref_squeeze %dma_start3A_645 : memref<40x1x256xf32, #tpu.memory_space<hbm>> -> memref<40x256xf32, #tpu.memory_space<hbm>>
    tpu.enqueue_dma source(%dma_start3A_646 : memref<40x256xf32, #tpu.memory_space<hbm>>) target(%dma_start3A_643 : memref<40x256xf32, #tpu.memory_space<vmem>>) target_semaphore(%arg8 : memref<!tpu.dma_semaphore, #tpu.memory_space<semaphore_mem>>)
    %dma_wait3A_647 = arith.constant 0 : i32
    %dma_wait3A_648 = arith.constant 0 : i32
    %dma_wait3A_649 = arith.constant 0 : i32
    %dma_wait3A_650 = tpu.memref_slice %arg6[%dma_wait3A_648, %dma_wait3A_649] : memref<40x1024xf32, #tpu.memory_space<vmem>> -> memref<40x256xf32, #tpu.memory_space<vmem>>
    %dma_wait3A_651 = arith.constant 0 : i32
    %dma_wait3A_652 = tpu.memref_slice %arg3[%mul3A_354, %dma_wait3A_647, %dma_wait3A_651] : memref<10000x16x256xf32, #tpu.memory_space<hbm>> -> memref<40x1x256xf32, #tpu.memory_space<hbm>>
    %dma_wait3A_653 = tpu.memref_squeeze %dma_wait3A_652 : memref<40x1x256xf32, #tpu.memory_space<hbm>> -> memref<40x256xf32, #tpu.memory_space<hbm>>
    %dma_wait3A_654 = arith.constant 0 : i32
    %dma_wait3A_655 = arith.constant 0 : i32
    %dma_wait3A_656 = tpu.memref_slice %arg6[%dma_wait3A_654, %dma_wait3A_655] : memref<40x1024xf32, #tpu.memory_space<vmem>> -> memref<40x256xf32, #tpu.memory_space<vmem>>
    %dma_wait3A_657 = arith.constant 0 : i32
    %dma_wait3A_658 = tpu.memref_slice %arg3[%mul3A_354, %dma_wait3A_647, %dma_wait3A_657] : memref<10000x16x256xf32, #tpu.memory_space<hbm>> -> memref<40x1x256xf32, #tpu.memory_space<hbm>>
    %dma_wait3A_659 = tpu.memref_squeeze %dma_wait3A_658 : memref<40x1x256xf32, #tpu.memory_space<hbm>> -> memref<40x256xf32, #tpu.memory_space<hbm>>
    tpu.wait_dma2 semaphore(%arg9 : memref<!tpu.dma_semaphore, #tpu.memory_space<semaphore_mem>>) src(%dma_wait3A_659 : memref<40x256xf32, #tpu.memory_space<hbm>>) dst(%dma_wait3A_656 : memref<40x256xf32, #tpu.memory_space<vmem>>)
    %dma_wait3A_660 = arith.constant 0 : i32
    %dma_wait3A_661 = arith.constant 0 : i32
    %dma_wait3A_662 = arith.constant 256 : i32
    %dma_wait3A_663 = tpu.memref_slice %arg6[%dma_wait3A_661, %dma_wait3A_662] : memref<40x1024xf32, #tpu.memory_space<vmem>> -> memref<40x256xf32, #tpu.memory_space<vmem>>
    %dma_wait3A_664 = arith.constant 0 : i32
    %dma_wait3A_665 = tpu.memref_slice %arg2[%mul3A_354, %dma_wait3A_660, %dma_wait3A_664] : memref<10000x16x256xf32, #tpu.memory_space<hbm>> -> memref<40x1x256xf32, #tpu.memory_space<hbm>>
    %dma_wait3A_666 = tpu.memref_squeeze %dma_wait3A_665 : memref<40x1x256xf32, #tpu.memory_space<hbm>> -> memref<40x256xf32, #tpu.memory_space<hbm>>
    %dma_wait3A_667 = arith.constant 0 : i32
    %dma_wait3A_668 = arith.constant 256 : i32
    %dma_wait3A_669 = tpu.memref_slice %arg6[%dma_wait3A_667, %dma_wait3A_668] : memref<40x1024xf32, #tpu.memory_space<vmem>> -> memref<40x256xf32, #tpu.memory_space<vmem>>
    %dma_wait3A_670 = arith.constant 0 : i32
    %dma_wait3A_671 = tpu.memref_slice %arg2[%mul3A_354, %dma_wait3A_660, %dma_wait3A_670] : memref<10000x16x256xf32, #tpu.memory_space<hbm>> -> memref<40x1x256xf32, #tpu.memory_space<hbm>>
    %dma_wait3A_672 = tpu.memref_squeeze %dma_wait3A_671 : memref<40x1x256xf32, #tpu.memory_space<hbm>> -> memref<40x256xf32, #tpu.memory_space<hbm>>
    tpu.wait_dma2 semaphore(%arg9 : memref<!tpu.dma_semaphore, #tpu.memory_space<semaphore_mem>>) src(%dma_wait3A_672 : memref<40x256xf32, #tpu.memory_space<hbm>>) dst(%dma_wait3A_669 : memref<40x256xf32, #tpu.memory_space<vmem>>)
    %dma_wait3A_673 = arith.constant 1 : i32
    %dma_wait3A_674 = arith.constant 0 : i32
    %dma_wait3A_675 = arith.constant 512 : i32
    %dma_wait3A_676 = tpu.memref_slice %arg6[%dma_wait3A_674, %dma_wait3A_675] : memref<40x1024xf32, #tpu.memory_space<vmem>> -> memref<40x256xf32, #tpu.memory_space<vmem>>
    %dma_wait3A_677 = arith.constant 0 : i32
    %dma_wait3A_678 = tpu.memref_slice %arg2[%mul3A_354, %dma_wait3A_673, %dma_wait3A_677] : memref<10000x16x256xf32, #tpu.memory_space<hbm>> -> memref<40x1x256xf32, #tpu.memory_space<hbm>>
    %dma_wait3A_679 = tpu.memref_squeeze %dma_wait3A_678 : memref<40x1x256xf32, #tpu.memory_space<hbm>> -> memref<40x256xf32, #tpu.memory_space<hbm>>
    %dma_wait3A_680 = arith.constant 0 : i32
    %dma_wait3A_681 = arith.constant 512 : i32
    %dma_wait3A_682 = tpu.memref_slice %arg6[%dma_wait3A_680, %dma_wait3A_681] : memref<40x1024xf32, #tpu.memory_space<vmem>> -> memref<40x256xf32, #tpu.memory_space<vmem>>
    %dma_wait3A_683 = arith.constant 0 : i32
    %dma_wait3A_684 = tpu.memref_slice %arg2[%mul3A_354, %dma_wait3A_673, %dma_wait3A_683] : memref<10000x16x256xf32, #tpu.memory_space<hbm>> -> memref<40x1x256xf32, #tpu.memory_space<hbm>>
    %dma_wait3A_685 = tpu.memref_squeeze %dma_wait3A_684 : memref<40x1x256xf32, #tpu.memory_space<hbm>> -> memref<40x256xf32, #tpu.memory_space<hbm>>
    tpu.wait_dma2 semaphore(%arg9 : memref<!tpu.dma_semaphore, #tpu.memory_space<semaphore_mem>>) src(%dma_wait3A_685 : memref<40x256xf32, #tpu.memory_space<hbm>>) dst(%dma_wait3A_682 : memref<40x256xf32, #tpu.memory_space<vmem>>)
    %dma_wait3A_686 = arith.constant 2 : i32
    %dma_wait3A_687 = arith.constant 0 : i32
    %dma_wait3A_688 = arith.constant 768 : i32
    %dma_wait3A_689 = tpu.memref_slice %arg6[%dma_wait3A_687, %dma_wait3A_688] : memref<40x1024xf32, #tpu.memory_space<vmem>> -> memref<40x256xf32, #tpu.memory_space<vmem>>
    %dma_wait3A_690 = arith.constant 0 : i32
    %dma_wait3A_691 = tpu.memref_slice %arg2[%mul3A_354, %dma_wait3A_686, %dma_wait3A_690] : memref<10000x16x256xf32, #tpu.memory_space<hbm>> -> memref<40x1x256xf32, #tpu.memory_space<hbm>>
    %dma_wait3A_692 = tpu.memref_squeeze %dma_wait3A_691 : memref<40x1x256xf32, #tpu.memory_space<hbm>> -> memref<40x256xf32, #tpu.memory_space<hbm>>
    %dma_wait3A_693 = arith.constant 0 : i32
    %dma_wait3A_694 = arith.constant 768 : i32
    %dma_wait3A_695 = tpu.memref_slice %arg6[%dma_wait3A_693, %dma_wait3A_694] : memref<40x1024xf32, #tpu.memory_space<vmem>> -> memref<40x256xf32, #tpu.memory_space<vmem>>
    %dma_wait3A_696 = arith.constant 0 : i32
    %dma_wait3A_697 = tpu.memref_slice %arg2[%mul3A_354, %dma_wait3A_686, %dma_wait3A_696] : memref<10000x16x256xf32, #tpu.memory_space<hbm>> -> memref<40x1x256xf32, #tpu.memory_space<hbm>>
    %dma_wait3A_698 = tpu.memref_squeeze %dma_wait3A_697 : memref<40x1x256xf32, #tpu.memory_space<hbm>> -> memref<40x256xf32, #tpu.memory_space<hbm>>
    tpu.wait_dma2 semaphore(%arg9 : memref<!tpu.dma_semaphore, #tpu.memory_space<semaphore_mem>>) src(%dma_wait3A_698 : memref<40x256xf32, #tpu.memory_space<hbm>>) dst(%dma_wait3A_695 : memref<40x256xf32, #tpu.memory_space<vmem>>)
    %add3A_699 = arith.constant 128 : i32
    %add3A_700 = arith.addi %add3A, %add3A_699 : i32
    %mul3A_701 = arith.constant 40 : i32
    %mul3A_702 = arith.muli %add3A_700, %mul3A_701 : i32
    %dma_start3A_703 = arith.constant 0 : i32
    %dma_start3A_704 = tpu.memref_slice %arg4[%mul3A_702, %dma_start3A_703] : memref<10000x1024xf32, #tpu.memory_space<hbm>> -> memref<40x1024xf32, #tpu.memory_space<hbm>>
    %dma_start3A_705 = arith.constant 0 : i32
    %dma_start3A_706 = tpu.memref_slice %arg4[%mul3A_702, %dma_start3A_705] : memref<10000x1024xf32, #tpu.memory_space<hbm>> -> memref<40x1024xf32, #tpu.memory_space<hbm>>
    tpu.enqueue_dma source(%arg6 : memref<40x1024xf32, #tpu.memory_space<vmem>>) target(%dma_start3A_706 : memref<40x1024xf32, #tpu.memory_space<hbm>>) target_semaphore(%arg12 : memref<!tpu.dma_semaphore, #tpu.memory_space<semaphore_mem>>)
    %dma_wait3A_707 = arith.constant 0 : i32
    %dma_wait3A_708 = arith.constant 0 : i32
    %dma_wait3A_709 = arith.constant 0 : i32
    %dma_wait3A_710 = tpu.memref_slice %arg7[%dma_wait3A_708, %dma_wait3A_709] : memref<40x1024xf32, #tpu.memory_space<vmem>> -> memref<40x256xf32, #tpu.memory_space<vmem>>
    %dma_wait3A_711 = arith.constant 0 : i32
    %dma_wait3A_712 = tpu.memref_slice %arg3[%mul3A_474, %dma_wait3A_707, %dma_wait3A_711] : memref<10000x16x256xf32, #tpu.memory_space<hbm>> -> memref<40x1x256xf32, #tpu.memory_space<hbm>>
    %dma_wait3A_713 = tpu.memref_squeeze %dma_wait3A_712 : memref<40x1x256xf32, #tpu.memory_space<hbm>> -> memref<40x256xf32, #tpu.memory_space<hbm>>
    %dma_wait3A_714 = arith.constant 0 : i32
    %dma_wait3A_715 = arith.constant 0 : i32
    %dma_wait3A_716 = tpu.memref_slice %arg7[%dma_wait3A_714, %dma_wait3A_715] : memref<40x1024xf32, #tpu.memory_space<vmem>> -> memref<40x256xf32, #tpu.memory_space<vmem>>
    %dma_wait3A_717 = arith.constant 0 : i32
    %dma_wait3A_718 = tpu.memref_slice %arg3[%mul3A_474, %dma_wait3A_707, %dma_wait3A_717] : memref<10000x16x256xf32, #tpu.memory_space<hbm>> -> memref<40x1x256xf32, #tpu.memory_space<hbm>>
    %dma_wait3A_719 = tpu.memref_squeeze %dma_wait3A_718 : memref<40x1x256xf32, #tpu.memory_space<hbm>> -> memref<40x256xf32, #tpu.memory_space<hbm>>
    tpu.wait_dma2 semaphore(%arg10 : memref<!tpu.dma_semaphore, #tpu.memory_space<semaphore_mem>>) src(%dma_wait3A_719 : memref<40x256xf32, #tpu.memory_space<hbm>>) dst(%dma_wait3A_716 : memref<40x256xf32, #tpu.memory_space<vmem>>)
    %dma_wait3A_720 = arith.constant 0 : i32
    %dma_wait3A_721 = arith.constant 0 : i32
    %dma_wait3A_722 = arith.constant 256 : i32
    %dma_wait3A_723 = tpu.memref_slice %arg7[%dma_wait3A_721, %dma_wait3A_722] : memref<40x1024xf32, #tpu.memory_space<vmem>> -> memref<40x256xf32, #tpu.memory_space<vmem>>
    %dma_wait3A_724 = arith.constant 0 : i32
    %dma_wait3A_725 = tpu.memref_slice %arg2[%mul3A_474, %dma_wait3A_720, %dma_wait3A_724] : memref<10000x16x256xf32, #tpu.memory_space<hbm>> -> memref<40x1x256xf32, #tpu.memory_space<hbm>>
    %dma_wait3A_726 = tpu.memref_squeeze %dma_wait3A_725 : memref<40x1x256xf32, #tpu.memory_space<hbm>> -> memref<40x256xf32, #tpu.memory_space<hbm>>
    %dma_wait3A_727 = arith.constant 0 : i32
    %dma_wait3A_728 = arith.constant 256 : i32
    %dma_wait3A_729 = tpu.memref_slice %arg7[%dma_wait3A_727, %dma_wait3A_728] : memref<40x1024xf32, #tpu.memory_space<vmem>> -> memref<40x256xf32, #tpu.memory_space<vmem>>
    %dma_wait3A_730 = arith.constant 0 : i32
    %dma_wait3A_731 = tpu.memref_slice %arg2[%mul3A_474, %dma_wait3A_720, %dma_wait3A_730] : memref<10000x16x256xf32, #tpu.memory_space<hbm>> -> memref<40x1x256xf32, #tpu.memory_space<hbm>>
    %dma_wait3A_732 = tpu.memref_squeeze %dma_wait3A_731 : memref<40x1x256xf32, #tpu.memory_space<hbm>> -> memref<40x256xf32, #tpu.memory_space<hbm>>
    tpu.wait_dma2 semaphore(%arg10 : memref<!tpu.dma_semaphore, #tpu.memory_space<semaphore_mem>>) src(%dma_wait3A_732 : memref<40x256xf32, #tpu.memory_space<hbm>>) dst(%dma_wait3A_729 : memref<40x256xf32, #tpu.memory_space<vmem>>)
    %dma_wait3A_733 = arith.constant 1 : i32
    %dma_wait3A_734 = arith.constant 0 : i32
    %dma_wait3A_735 = arith.constant 512 : i32
    %dma_wait3A_736 = tpu.memref_slice %arg7[%dma_wait3A_734, %dma_wait3A_735] : memref<40x1024xf32, #tpu.memory_space<vmem>> -> memref<40x256xf32, #tpu.memory_space<vmem>>
    %dma_wait3A_737 = arith.constant 0 : i32
    %dma_wait3A_738 = tpu.memref_slice %arg2[%mul3A_474, %dma_wait3A_733, %dma_wait3A_737] : memref<10000x16x256xf32, #tpu.memory_space<hbm>> -> memref<40x1x256xf32, #tpu.memory_space<hbm>>
    %dma_wait3A_739 = tpu.memref_squeeze %dma_wait3A_738 : memref<40x1x256xf32, #tpu.memory_space<hbm>> -> memref<40x256xf32, #tpu.memory_space<hbm>>
    %dma_wait3A_740 = arith.constant 0 : i32
    %dma_wait3A_741 = arith.constant 512 : i32
    %dma_wait3A_742 = tpu.memref_slice %arg7[%dma_wait3A_740, %dma_wait3A_741] : memref<40x1024xf32, #tpu.memory_space<vmem>> -> memref<40x256xf32, #tpu.memory_space<vmem>>
    %dma_wait3A_743 = arith.constant 0 : i32
    %dma_wait3A_744 = tpu.memref_slice %arg2[%mul3A_474, %dma_wait3A_733, %dma_wait3A_743] : memref<10000x16x256xf32, #tpu.memory_space<hbm>> -> memref<40x1x256xf32, #tpu.memory_space<hbm>>
    %dma_wait3A_745 = tpu.memref_squeeze %dma_wait3A_744 : memref<40x1x256xf32, #tpu.memory_space<hbm>> -> memref<40x256xf32, #tpu.memory_space<hbm>>
    tpu.wait_dma2 semaphore(%arg10 : memref<!tpu.dma_semaphore, #tpu.memory_space<semaphore_mem>>) src(%dma_wait3A_745 : memref<40x256xf32, #tpu.memory_space<hbm>>) dst(%dma_wait3A_742 : memref<40x256xf32, #tpu.memory_space<vmem>>)
    %dma_wait3A_746 = arith.constant 2 : i32
    %dma_wait3A_747 = arith.constant 0 : i32
    %dma_wait3A_748 = arith.constant 768 : i32
    %dma_wait3A_749 = tpu.memref_slice %arg7[%dma_wait3A_747, %dma_wait3A_748] : memref<40x1024xf32, #tpu.memory_space<vmem>> -> memref<40x256xf32, #tpu.memory_space<vmem>>
    %dma_wait3A_750 = arith.constant 0 : i32
    %dma_wait3A_751 = tpu.memref_slice %arg2[%mul3A_474, %dma_wait3A_746, %dma_wait3A_750] : memref<10000x16x256xf32, #tpu.memory_space<hbm>> -> memref<40x1x256xf32, #tpu.memory_space<hbm>>
    %dma_wait3A_752 = tpu.memref_squeeze %dma_wait3A_751 : memref<40x1x256xf32, #tpu.memory_space<hbm>> -> memref<40x256xf32, #tpu.memory_space<hbm>>
    %dma_wait3A_753 = arith.constant 0 : i32
    %dma_wait3A_754 = arith.constant 768 : i32
    %dma_wait3A_755 = tpu.memref_slice %arg7[%dma_wait3A_753, %dma_wait3A_754] : memref<40x1024xf32, #tpu.memory_space<vmem>> -> memref<40x256xf32, #tpu.memory_space<vmem>>
    %dma_wait3A_756 = arith.constant 0 : i32
    %dma_wait3A_757 = tpu.memref_slice %arg2[%mul3A_474, %dma_wait3A_746, %dma_wait3A_756] : memref<10000x16x256xf32, #tpu.memory_space<hbm>> -> memref<40x1x256xf32, #tpu.memory_space<hbm>>
    %dma_wait3A_758 = tpu.memref_squeeze %dma_wait3A_757 : memref<40x1x256xf32, #tpu.memory_space<hbm>> -> memref<40x256xf32, #tpu.memory_space<hbm>>
    tpu.wait_dma2 semaphore(%arg10 : memref<!tpu.dma_semaphore, #tpu.memory_space<semaphore_mem>>) src(%dma_wait3A_758 : memref<40x256xf32, #tpu.memory_space<hbm>>) dst(%dma_wait3A_755 : memref<40x256xf32, #tpu.memory_space<vmem>>)
    %add3A_759 = arith.constant 160 : i32
    %add3A_760 = arith.addi %add3A, %add3A_759 : i32
    %mul3A_761 = arith.constant 40 : i32
    %mul3A_762 = arith.muli %add3A_760, %mul3A_761 : i32
    %dma_start3A_763 = arith.constant 0 : i32
    %dma_start3A_764 = tpu.memref_slice %arg4[%mul3A_762, %dma_start3A_763] : memref<10000x1024xf32, #tpu.memory_space<hbm>> -> memref<40x1024xf32, #tpu.memory_space<hbm>>
    %dma_start3A_765 = arith.constant 0 : i32
    %dma_start3A_766 = tpu.memref_slice %arg4[%mul3A_762, %dma_start3A_765] : memref<10000x1024xf32, #tpu.memory_space<hbm>> -> memref<40x1024xf32, #tpu.memory_space<hbm>>
    tpu.enqueue_dma source(%arg7 : memref<40x1024xf32, #tpu.memory_space<vmem>>) target(%dma_start3A_766 : memref<40x1024xf32, #tpu.memory_space<hbm>>) target_semaphore(%arg13 : memref<!tpu.dma_semaphore, #tpu.memory_space<semaphore_mem>>)
    %dma_wait3A_767 = arith.constant 0 : i32
    %dma_wait3A_768 = arith.constant 0 : i32
    %dma_wait3A_769 = arith.constant 0 : i32
    %dma_wait3A_770 = tpu.memref_slice %arg5[%dma_wait3A_768, %dma_wait3A_769] : memref<40x1024xf32, #tpu.memory_space<vmem>> -> memref<40x256xf32, #tpu.memory_space<vmem>>
    %dma_wait3A_771 = arith.constant 0 : i32
    %dma_wait3A_772 = tpu.memref_slice %arg3[%mul3A_594, %dma_wait3A_767, %dma_wait3A_771] : memref<10000x16x256xf32, #tpu.memory_space<hbm>> -> memref<40x1x256xf32, #tpu.memory_space<hbm>>
    %dma_wait3A_773 = tpu.memref_squeeze %dma_wait3A_772 : memref<40x1x256xf32, #tpu.memory_space<hbm>> -> memref<40x256xf32, #tpu.memory_space<hbm>>
    %dma_wait3A_774 = arith.constant 0 : i32
    %dma_wait3A_775 = arith.constant 0 : i32
    %dma_wait3A_776 = tpu.memref_slice %arg5[%dma_wait3A_774, %dma_wait3A_775] : memref<40x1024xf32, #tpu.memory_space<vmem>> -> memref<40x256xf32, #tpu.memory_space<vmem>>
    %dma_wait3A_777 = arith.constant 0 : i32
    %dma_wait3A_778 = tpu.memref_slice %arg3[%mul3A_594, %dma_wait3A_767, %dma_wait3A_777] : memref<10000x16x256xf32, #tpu.memory_space<hbm>> -> memref<40x1x256xf32, #tpu.memory_space<hbm>>
    %dma_wait3A_779 = tpu.memref_squeeze %dma_wait3A_778 : memref<40x1x256xf32, #tpu.memory_space<hbm>> -> memref<40x256xf32, #tpu.memory_space<hbm>>
    tpu.wait_dma2 semaphore(%arg8 : memref<!tpu.dma_semaphore, #tpu.memory_space<semaphore_mem>>) src(%dma_wait3A_779 : memref<40x256xf32, #tpu.memory_space<hbm>>) dst(%dma_wait3A_776 : memref<40x256xf32, #tpu.memory_space<vmem>>)
    %dma_wait3A_780 = arith.constant 0 : i32
    %dma_wait3A_781 = arith.constant 0 : i32
    %dma_wait3A_782 = arith.constant 256 : i32
    %dma_wait3A_783 = tpu.memref_slice %arg5[%dma_wait3A_781, %dma_wait3A_782] : memref<40x1024xf32, #tpu.memory_space<vmem>> -> memref<40x256xf32, #tpu.memory_space<vmem>>
    %dma_wait3A_784 = arith.constant 0 : i32
    %dma_wait3A_785 = tpu.memref_slice %arg2[%mul3A_594, %dma_wait3A_780, %dma_wait3A_784] : memref<10000x16x256xf32, #tpu.memory_space<hbm>> -> memref<40x1x256xf32, #tpu.memory_space<hbm>>
    %dma_wait3A_786 = tpu.memref_squeeze %dma_wait3A_785 : memref<40x1x256xf32, #tpu.memory_space<hbm>> -> memref<40x256xf32, #tpu.memory_space<hbm>>
    %dma_wait3A_787 = arith.constant 0 : i32
    %dma_wait3A_788 = arith.constant 256 : i32
    %dma_wait3A_789 = tpu.memref_slice %arg5[%dma_wait3A_787, %dma_wait3A_788] : memref<40x1024xf32, #tpu.memory_space<vmem>> -> memref<40x256xf32, #tpu.memory_space<vmem>>
    %dma_wait3A_790 = arith.constant 0 : i32
    %dma_wait3A_791 = tpu.memref_slice %arg2[%mul3A_594, %dma_wait3A_780, %dma_wait3A_790] : memref<10000x16x256xf32, #tpu.memory_space<hbm>> -> memref<40x1x256xf32, #tpu.memory_space<hbm>>
    %dma_wait3A_792 = tpu.memref_squeeze %dma_wait3A_791 : memref<40x1x256xf32, #tpu.memory_space<hbm>> -> memref<40x256xf32, #tpu.memory_space<hbm>>
    tpu.wait_dma2 semaphore(%arg8 : memref<!tpu.dma_semaphore, #tpu.memory_space<semaphore_mem>>) src(%dma_wait3A_792 : memref<40x256xf32, #tpu.memory_space<hbm>>) dst(%dma_wait3A_789 : memref<40x256xf32, #tpu.memory_space<vmem>>)
    %dma_wait3A_793 = arith.constant 1 : i32
    %dma_wait3A_794 = arith.constant 0 : i32
    %dma_wait3A_795 = arith.constant 512 : i32
    %dma_wait3A_796 = tpu.memref_slice %arg5[%dma_wait3A_794, %dma_wait3A_795] : memref<40x1024xf32, #tpu.memory_space<vmem>> -> memref<40x256xf32, #tpu.memory_space<vmem>>
    %dma_wait3A_797 = arith.constant 0 : i32
    %dma_wait3A_798 = tpu.memref_slice %arg2[%mul3A_594, %dma_wait3A_793, %dma_wait3A_797] : memref<10000x16x256xf32, #tpu.memory_space<hbm>> -> memref<40x1x256xf32, #tpu.memory_space<hbm>>
    %dma_wait3A_799 = tpu.memref_squeeze %dma_wait3A_798 : memref<40x1x256xf32, #tpu.memory_space<hbm>> -> memref<40x256xf32, #tpu.memory_space<hbm>>
    %dma_wait3A_800 = arith.constant 0 : i32
    %dma_wait3A_801 = arith.constant 512 : i32
    %dma_wait3A_802 = tpu.memref_slice %arg5[%dma_wait3A_800, %dma_wait3A_801] : memref<40x1024xf32, #tpu.memory_space<vmem>> -> memref<40x256xf32, #tpu.memory_space<vmem>>
    %dma_wait3A_803 = arith.constant 0 : i32
    %dma_wait3A_804 = tpu.memref_slice %arg2[%mul3A_594, %dma_wait3A_793, %dma_wait3A_803] : memref<10000x16x256xf32, #tpu.memory_space<hbm>> -> memref<40x1x256xf32, #tpu.memory_space<hbm>>
    %dma_wait3A_805 = tpu.memref_squeeze %dma_wait3A_804 : memref<40x1x256xf32, #tpu.memory_space<hbm>> -> memref<40x256xf32, #tpu.memory_space<hbm>>
    tpu.wait_dma2 semaphore(%arg8 : memref<!tpu.dma_semaphore, #tpu.memory_space<semaphore_mem>>) src(%dma_wait3A_805 : memref<40x256xf32, #tpu.memory_space<hbm>>) dst(%dma_wait3A_802 : memref<40x256xf32, #tpu.memory_space<vmem>>)
    %dma_wait3A_806 = arith.constant 2 : i32
    %dma_wait3A_807 = arith.constant 0 : i32
    %dma_wait3A_808 = arith.constant 768 : i32
    %dma_wait3A_809 = tpu.memref_slice %arg5[%dma_wait3A_807, %dma_wait3A_808] : memref<40x1024xf32, #tpu.memory_space<vmem>> -> memref<40x256xf32, #tpu.memory_space<vmem>>
    %dma_wait3A_810 = arith.constant 0 : i32
    %dma_wait3A_811 = tpu.memref_slice %arg2[%mul3A_594, %dma_wait3A_806, %dma_wait3A_810] : memref<10000x16x256xf32, #tpu.memory_space<hbm>> -> memref<40x1x256xf32, #tpu.memory_space<hbm>>
    %dma_wait3A_812 = tpu.memref_squeeze %dma_wait3A_811 : memref<40x1x256xf32, #tpu.memory_space<hbm>> -> memref<40x256xf32, #tpu.memory_space<hbm>>
    %dma_wait3A_813 = arith.constant 0 : i32
    %dma_wait3A_814 = arith.constant 768 : i32
    %dma_wait3A_815 = tpu.memref_slice %arg5[%dma_wait3A_813, %dma_wait3A_814] : memref<40x1024xf32, #tpu.memory_space<vmem>> -> memref<40x256xf32, #tpu.memory_space<vmem>>
    %dma_wait3A_816 = arith.constant 0 : i32
    %dma_wait3A_817 = tpu.memref_slice %arg2[%mul3A_594, %dma_wait3A_806, %dma_wait3A_816] : memref<10000x16x256xf32, #tpu.memory_space<hbm>> -> memref<40x1x256xf32, #tpu.memory_space<hbm>>
    %dma_wait3A_818 = tpu.memref_squeeze %dma_wait3A_817 : memref<40x1x256xf32, #tpu.memory_space<hbm>> -> memref<40x256xf32, #tpu.memory_space<hbm>>
    tpu.wait_dma2 semaphore(%arg8 : memref<!tpu.dma_semaphore, #tpu.memory_space<semaphore_mem>>) src(%dma_wait3A_818 : memref<40x256xf32, #tpu.memory_space<hbm>>) dst(%dma_wait3A_815 : memref<40x256xf32, #tpu.memory_space<vmem>>)
    %add3A_819 = arith.constant 192 : i32
    %add3A_820 = arith.addi %add3A, %add3A_819 : i32
    %mul3A_821 = arith.constant 40 : i32
    %mul3A_822 = arith.muli %add3A_820, %mul3A_821 : i32
    %dma_start3A_823 = arith.constant 0 : i32
    %dma_start3A_824 = tpu.memref_slice %arg4[%mul3A_822, %dma_start3A_823] : memref<10000x1024xf32, #tpu.memory_space<hbm>> -> memref<40x1024xf32, #tpu.memory_space<hbm>>
    %dma_start3A_825 = arith.constant 0 : i32
    %dma_start3A_826 = tpu.memref_slice %arg4[%mul3A_822, %dma_start3A_825] : memref<10000x1024xf32, #tpu.memory_space<hbm>> -> memref<40x1024xf32, #tpu.memory_space<hbm>>
    tpu.enqueue_dma source(%arg5 : memref<40x1024xf32, #tpu.memory_space<vmem>>) target(%dma_start3A_826 : memref<40x1024xf32, #tpu.memory_space<hbm>>) target_semaphore(%arg11 : memref<!tpu.dma_semaphore, #tpu.memory_space<semaphore_mem>>)
    %dma_wait3A_827 = arith.constant 0 : i32
    %dma_wait3A_828 = tpu.memref_slice %arg4[%mul3A_822, %dma_wait3A_827] : memref<10000x1024xf32, #tpu.memory_space<hbm>> -> memref<40x1024xf32, #tpu.memory_space<hbm>>
    %dma_wait3A_829 = arith.constant 0 : i32
    %dma_wait3A_830 = tpu.memref_slice %arg4[%mul3A_822, %dma_wait3A_829] : memref<10000x1024xf32, #tpu.memory_space<hbm>> -> memref<40x1024xf32, #tpu.memory_space<hbm>>
    tpu.wait_dma2 semaphore(%arg11 : memref<!tpu.dma_semaphore, #tpu.memory_space<semaphore_mem>>) src(%arg5 : memref<40x1024xf32, #tpu.memory_space<vmem>>) dst(%dma_wait3A_830 : memref<40x1024xf32, #tpu.memory_space<hbm>>)
    %dma_wait3A_831 = arith.constant 0 : i32
    %dma_wait3A_832 = tpu.memref_slice %arg4[%mul3A_702, %dma_wait3A_831] : memref<10000x1024xf32, #tpu.memory_space<hbm>> -> memref<40x1024xf32, #tpu.memory_space<hbm>>
    %dma_wait3A_833 = arith.constant 0 : i32
    %dma_wait3A_834 = tpu.memref_slice %arg4[%mul3A_702, %dma_wait3A_833] : memref<10000x1024xf32, #tpu.memory_space<hbm>> -> memref<40x1024xf32, #tpu.memory_space<hbm>>
    tpu.wait_dma2 semaphore(%arg12 : memref<!tpu.dma_semaphore, #tpu.memory_space<semaphore_mem>>) src(%arg6 : memref<40x1024xf32, #tpu.memory_space<vmem>>) dst(%dma_wait3A_834 : memref<40x1024xf32, #tpu.memory_space<hbm>>)
    %dma_wait3A_835 = arith.constant 0 : i32
    %dma_wait3A_836 = tpu.memref_slice %arg4[%mul3A_762, %dma_wait3A_835] : memref<10000x1024xf32, #tpu.memory_space<hbm>> -> memref<40x1024xf32, #tpu.memory_space<hbm>>
    %dma_wait3A_837 = arith.constant 0 : i32
    %dma_wait3A_838 = tpu.memref_slice %arg4[%mul3A_762, %dma_wait3A_837] : memref<10000x1024xf32, #tpu.memory_space<hbm>> -> memref<40x1024xf32, #tpu.memory_space<hbm>>
    tpu.wait_dma2 semaphore(%arg13 : memref<!tpu.dma_semaphore, #tpu.memory_space<semaphore_mem>>) src(%arg7 : memref<40x1024xf32, #tpu.memory_space<vmem>>) dst(%dma_wait3A_838 : memref<40x1024xf32, #tpu.memory_space<hbm>>)
    %lt3A = arith.constant 26 : i32
    %lt3A_839 = arith.cmpi slt, %add3A, %lt3A : i32
    %convert_element_type3A = arith.extui %lt3A_839 : i1 to i32
    %cond3A = arith.constant 0 : i32
    %cond3A_840 = arith.cmpi ne, %convert_element_type3A, %cond3A : i32
    scf.if %cond3A_840 {
      %add3A_841 = arith.constant 224 : i32
      %add3A_842 = arith.addi %add3A, %add3A_841 : i32
      %mul3A_843 = arith.constant 40 : i32
      %mul3A_844 = arith.muli %add3A_842, %mul3A_843 : i32
      %dma_start3A_845 = arith.constant 0 : i32
      %dma_start3A_846 = arith.constant 0 : i32
      %dma_start3A_847 = arith.constant 0 : i32
      %dma_start3A_848 = tpu.memref_slice %arg5[%dma_start3A_846, %dma_start3A_847] : memref<40x1024xf32, #tpu.memory_space<vmem>> -> memref<40x256xf32, #tpu.memory_space<vmem>>
      %dma_start3A_849 = arith.constant 0 : i32
      %dma_start3A_850 = tpu.memref_slice %arg3[%mul3A_844, %dma_start3A_845, %dma_start3A_849] : memref<10000x16x256xf32, #tpu.memory_space<hbm>> -> memref<40x1x256xf32, #tpu.memory_space<hbm>>
      %dma_start3A_851 = tpu.memref_squeeze %dma_start3A_850 : memref<40x1x256xf32, #tpu.memory_space<hbm>> -> memref<40x256xf32, #tpu.memory_space<hbm>>
      %dma_start3A_852 = arith.constant 0 : i32
      %dma_start3A_853 = arith.constant 0 : i32
      %dma_start3A_854 = tpu.memref_slice %arg5[%dma_start3A_852, %dma_start3A_853] : memref<40x1024xf32, #tpu.memory_space<vmem>> -> memref<40x256xf32, #tpu.memory_space<vmem>>
      %dma_start3A_855 = arith.constant 0 : i32
      %dma_start3A_856 = tpu.memref_slice %arg3[%mul3A_844, %dma_start3A_845, %dma_start3A_855] : memref<10000x16x256xf32, #tpu.memory_space<hbm>> -> memref<40x1x256xf32, #tpu.memory_space<hbm>>
      %dma_start3A_857 = tpu.memref_squeeze %dma_start3A_856 : memref<40x1x256xf32, #tpu.memory_space<hbm>> -> memref<40x256xf32, #tpu.memory_space<hbm>>
      tpu.enqueue_dma source(%dma_start3A_857 : memref<40x256xf32, #tpu.memory_space<hbm>>) target(%dma_start3A_854 : memref<40x256xf32, #tpu.memory_space<vmem>>) target_semaphore(%arg8 : memref<!tpu.dma_semaphore, #tpu.memory_space<semaphore_mem>>)
      %dma_start3A_858 = arith.constant 0 : i32
      %dma_start3A_859 = arith.constant 0 : i32
      %dma_start3A_860 = arith.constant 256 : i32
      %dma_start3A_861 = tpu.memref_slice %arg5[%dma_start3A_859, %dma_start3A_860] : memref<40x1024xf32, #tpu.memory_space<vmem>> -> memref<40x256xf32, #tpu.memory_space<vmem>>
      %dma_start3A_862 = arith.constant 0 : i32
      %dma_start3A_863 = tpu.memref_slice %arg2[%mul3A_844, %dma_start3A_858, %dma_start3A_862] : memref<10000x16x256xf32, #tpu.memory_space<hbm>> -> memref<40x1x256xf32, #tpu.memory_space<hbm>>
      %dma_start3A_864 = tpu.memref_squeeze %dma_start3A_863 : memref<40x1x256xf32, #tpu.memory_space<hbm>> -> memref<40x256xf32, #tpu.memory_space<hbm>>
      %dma_start3A_865 = arith.constant 0 : i32
      %dma_start3A_866 = arith.constant 256 : i32
      %dma_start3A_867 = tpu.memref_slice %arg5[%dma_start3A_865, %dma_start3A_866] : memref<40x1024xf32, #tpu.memory_space<vmem>> -> memref<40x256xf32, #tpu.memory_space<vmem>>
      %dma_start3A_868 = arith.constant 0 : i32
      %dma_start3A_869 = tpu.memref_slice %arg2[%mul3A_844, %dma_start3A_858, %dma_start3A_868] : memref<10000x16x256xf32, #tpu.memory_space<hbm>> -> memref<40x1x256xf32, #tpu.memory_space<hbm>>
      %dma_start3A_870 = tpu.memref_squeeze %dma_start3A_869 : memref<40x1x256xf32, #tpu.memory_space<hbm>> -> memref<40x256xf32, #tpu.memory_space<hbm>>
      tpu.enqueue_dma source(%dma_start3A_870 : memref<40x256xf32, #tpu.memory_space<hbm>>) target(%dma_start3A_867 : memref<40x256xf32, #tpu.memory_space<vmem>>) target_semaphore(%arg8 : memref<!tpu.dma_semaphore, #tpu.memory_space<semaphore_mem>>)
      %dma_start3A_871 = arith.constant 1 : i32
      %dma_start3A_872 = arith.constant 0 : i32
      %dma_start3A_873 = arith.constant 512 : i32
      %dma_start3A_874 = tpu.memref_slice %arg5[%dma_start3A_872, %dma_start3A_873] : memref<40x1024xf32, #tpu.memory_space<vmem>> -> memref<40x256xf32, #tpu.memory_space<vmem>>
      %dma_start3A_875 = arith.constant 0 : i32
      %dma_start3A_876 = tpu.memref_slice %arg2[%mul3A_844, %dma_start3A_871, %dma_start3A_875] : memref<10000x16x256xf32, #tpu.memory_space<hbm>> -> memref<40x1x256xf32, #tpu.memory_space<hbm>>
      %dma_start3A_877 = tpu.memref_squeeze %dma_start3A_876 : memref<40x1x256xf32, #tpu.memory_space<hbm>> -> memref<40x256xf32, #tpu.memory_space<hbm>>
      %dma_start3A_878 = arith.constant 0 : i32
      %dma_start3A_879 = arith.constant 512 : i32
      %dma_start3A_880 = tpu.memref_slice %arg5[%dma_start3A_878, %dma_start3A_879] : memref<40x1024xf32, #tpu.memory_space<vmem>> -> memref<40x256xf32, #tpu.memory_space<vmem>>
      %dma_start3A_881 = arith.constant 0 : i32
      %dma_start3A_882 = tpu.memref_slice %arg2[%mul3A_844, %dma_start3A_871, %dma_start3A_881] : memref<10000x16x256xf32, #tpu.memory_space<hbm>> -> memref<40x1x256xf32, #tpu.memory_space<hbm>>
      %dma_start3A_883 = tpu.memref_squeeze %dma_start3A_882 : memref<40x1x256xf32, #tpu.memory_space<hbm>> -> memref<40x256xf32, #tpu.memory_space<hbm>>
      tpu.enqueue_dma source(%dma_start3A_883 : memref<40x256xf32, #tpu.memory_space<hbm>>) target(%dma_start3A_880 : memref<40x256xf32, #tpu.memory_space<vmem>>) target_semaphore(%arg8 : memref<!tpu.dma_semaphore, #tpu.memory_space<semaphore_mem>>)
      %dma_start3A_884 = arith.constant 2 : i32
      %dma_start3A_885 = arith.constant 0 : i32
      %dma_start3A_886 = arith.constant 768 : i32
      %dma_start3A_887 = tpu.memref_slice %arg5[%dma_start3A_885, %dma_start3A_886] : memref<40x1024xf32, #tpu.memory_space<vmem>> -> memref<40x256xf32, #tpu.memory_space<vmem>>
      %dma_start3A_888 = arith.constant 0 : i32
      %dma_start3A_889 = tpu.memref_slice %arg2[%mul3A_844, %dma_start3A_884, %dma_start3A_888] : memref<10000x16x256xf32, #tpu.memory_space<hbm>> -> memref<40x1x256xf32, #tpu.memory_space<hbm>>
      %dma_start3A_890 = tpu.memref_squeeze %dma_start3A_889 : memref<40x1x256xf32, #tpu.memory_space<hbm>> -> memref<40x256xf32, #tpu.memory_space<hbm>>
      %dma_start3A_891 = arith.constant 0 : i32
      %dma_start3A_892 = arith.constant 768 : i32
      %dma_start3A_893 = tpu.memref_slice %arg5[%dma_start3A_891, %dma_start3A_892] : memref<40x1024xf32, #tpu.memory_space<vmem>> -> memref<40x256xf32, #tpu.memory_space<vmem>>
      %dma_start3A_894 = arith.constant 0 : i32
      %dma_start3A_895 = tpu.memref_slice %arg2[%mul3A_844, %dma_start3A_884, %dma_start3A_894] : memref<10000x16x256xf32, #tpu.memory_space<hbm>> -> memref<40x1x256xf32, #tpu.memory_space<hbm>>
      %dma_start3A_896 = tpu.memref_squeeze %dma_start3A_895 : memref<40x1x256xf32, #tpu.memory_space<hbm>> -> memref<40x256xf32, #tpu.memory_space<hbm>>
      tpu.enqueue_dma source(%dma_start3A_896 : memref<40x256xf32, #tpu.memory_space<hbm>>) target(%dma_start3A_893 : memref<40x256xf32, #tpu.memory_space<vmem>>) target_semaphore(%arg8 : memref<!tpu.dma_semaphore, #tpu.memory_space<semaphore_mem>>)
      %dma_wait3A_897 = arith.constant 0 : i32
      %dma_wait3A_898 = arith.constant 0 : i32
      %dma_wait3A_899 = arith.constant 0 : i32
      %dma_wait3A_900 = tpu.memref_slice %arg5[%dma_wait3A_898, %dma_wait3A_899] : memref<40x1024xf32, #tpu.memory_space<vmem>> -> memref<40x256xf32, #tpu.memory_space<vmem>>
      %dma_wait3A_901 = arith.constant 0 : i32
      %dma_wait3A_902 = tpu.memref_slice %arg3[%mul3A_844, %dma_wait3A_897, %dma_wait3A_901] : memref<10000x16x256xf32, #tpu.memory_space<hbm>> -> memref<40x1x256xf32, #tpu.memory_space<hbm>>
      %dma_wait3A_903 = tpu.memref_squeeze %dma_wait3A_902 : memref<40x1x256xf32, #tpu.memory_space<hbm>> -> memref<40x256xf32, #tpu.memory_space<hbm>>
      %dma_wait3A_904 = arith.constant 0 : i32
      %dma_wait3A_905 = arith.constant 0 : i32
      %dma_wait3A_906 = tpu.memref_slice %arg5[%dma_wait3A_904, %dma_wait3A_905] : memref<40x1024xf32, #tpu.memory_space<vmem>> -> memref<40x256xf32, #tpu.memory_space<vmem>>
      %dma_wait3A_907 = arith.constant 0 : i32
      %dma_wait3A_908 = tpu.memref_slice %arg3[%mul3A_844, %dma_wait3A_897, %dma_wait3A_907] : memref<10000x16x256xf32, #tpu.memory_space<hbm>> -> memref<40x1x256xf32, #tpu.memory_space<hbm>>
      %dma_wait3A_909 = tpu.memref_squeeze %dma_wait3A_908 : memref<40x1x256xf32, #tpu.memory_space<hbm>> -> memref<40x256xf32, #tpu.memory_space<hbm>>
      tpu.wait_dma2 semaphore(%arg8 : memref<!tpu.dma_semaphore, #tpu.memory_space<semaphore_mem>>) src(%dma_wait3A_909 : memref<40x256xf32, #tpu.memory_space<hbm>>) dst(%dma_wait3A_906 : memref<40x256xf32, #tpu.memory_space<vmem>>)
      %dma_wait3A_910 = arith.constant 0 : i32
      %dma_wait3A_911 = arith.constant 0 : i32
      %dma_wait3A_912 = arith.constant 256 : i32
      %dma_wait3A_913 = tpu.memref_slice %arg5[%dma_wait3A_911, %dma_wait3A_912] : memref<40x1024xf32, #tpu.memory_space<vmem>> -> memref<40x256xf32, #tpu.memory_space<vmem>>
      %dma_wait3A_914 = arith.constant 0 : i32
      %dma_wait3A_915 = tpu.memref_slice %arg2[%mul3A_844, %dma_wait3A_910, %dma_wait3A_914] : memref<10000x16x256xf32, #tpu.memory_space<hbm>> -> memref<40x1x256xf32, #tpu.memory_space<hbm>>
      %dma_wait3A_916 = tpu.memref_squeeze %dma_wait3A_915 : memref<40x1x256xf32, #tpu.memory_space<hbm>> -> memref<40x256xf32, #tpu.memory_space<hbm>>
      %dma_wait3A_917 = arith.constant 0 : i32
      %dma_wait3A_918 = arith.constant 256 : i32
      %dma_wait3A_919 = tpu.memref_slice %arg5[%dma_wait3A_917, %dma_wait3A_918] : memref<40x1024xf32, #tpu.memory_space<vmem>> -> memref<40x256xf32, #tpu.memory_space<vmem>>
      %dma_wait3A_920 = arith.constant 0 : i32
      %dma_wait3A_921 = tpu.memref_slice %arg2[%mul3A_844, %dma_wait3A_910, %dma_wait3A_920] : memref<10000x16x256xf32, #tpu.memory_space<hbm>> -> memref<40x1x256xf32, #tpu.memory_space<hbm>>
      %dma_wait3A_922 = tpu.memref_squeeze %dma_wait3A_921 : memref<40x1x256xf32, #tpu.memory_space<hbm>> -> memref<40x256xf32, #tpu.memory_space<hbm>>
      tpu.wait_dma2 semaphore(%arg8 : memref<!tpu.dma_semaphore, #tpu.memory_space<semaphore_mem>>) src(%dma_wait3A_922 : memref<40x256xf32, #tpu.memory_space<hbm>>) dst(%dma_wait3A_919 : memref<40x256xf32, #tpu.memory_space<vmem>>)
      %dma_wait3A_923 = arith.constant 1 : i32
      %dma_wait3A_924 = arith.constant 0 : i32
      %dma_wait3A_925 = arith.constant 512 : i32
      %dma_wait3A_926 = tpu.memref_slice %arg5[%dma_wait3A_924, %dma_wait3A_925] : memref<40x1024xf32, #tpu.memory_space<vmem>> -> memref<40x256xf32, #tpu.memory_space<vmem>>
      %dma_wait3A_927 = arith.constant 0 : i32
      %dma_wait3A_928 = tpu.memref_slice %arg2[%mul3A_844, %dma_wait3A_923, %dma_wait3A_927] : memref<10000x16x256xf32, #tpu.memory_space<hbm>> -> memref<40x1x256xf32, #tpu.memory_space<hbm>>
      %dma_wait3A_929 = tpu.memref_squeeze %dma_wait3A_928 : memref<40x1x256xf32, #tpu.memory_space<hbm>> -> memref<40x256xf32, #tpu.memory_space<hbm>>
      %dma_wait3A_930 = arith.constant 0 : i32
      %dma_wait3A_931 = arith.constant 512 : i32
      %dma_wait3A_932 = tpu.memref_slice %arg5[%dma_wait3A_930, %dma_wait3A_931] : memref<40x1024xf32, #tpu.memory_space<vmem>> -> memref<40x256xf32, #tpu.memory_space<vmem>>
      %dma_wait3A_933 = arith.constant 0 : i32
      %dma_wait3A_934 = tpu.memref_slice %arg2[%mul3A_844, %dma_wait3A_923, %dma_wait3A_933] : memref<10000x16x256xf32, #tpu.memory_space<hbm>> -> memref<40x1x256xf32, #tpu.memory_space<hbm>>
      %dma_wait3A_935 = tpu.memref_squeeze %dma_wait3A_934 : memref<40x1x256xf32, #tpu.memory_space<hbm>> -> memref<40x256xf32, #tpu.memory_space<hbm>>
      tpu.wait_dma2 semaphore(%arg8 : memref<!tpu.dma_semaphore, #tpu.memory_space<semaphore_mem>>) src(%dma_wait3A_935 : memref<40x256xf32, #tpu.memory_space<hbm>>) dst(%dma_wait3A_932 : memref<40x256xf32, #tpu.memory_space<vmem>>)
      %dma_wait3A_936 = arith.constant 2 : i32
      %dma_wait3A_937 = arith.constant 0 : i32
      %dma_wait3A_938 = arith.constant 768 : i32
      %dma_wait3A_939 = tpu.memref_slice %arg5[%dma_wait3A_937, %dma_wait3A_938] : memref<40x1024xf32, #tpu.memory_space<vmem>> -> memref<40x256xf32, #tpu.memory_space<vmem>>
      %dma_wait3A_940 = arith.constant 0 : i32
      %dma_wait3A_941 = tpu.memref_slice %arg2[%mul3A_844, %dma_wait3A_936, %dma_wait3A_940] : memref<10000x16x256xf32, #tpu.memory_space<hbm>> -> memref<40x1x256xf32, #tpu.memory_space<hbm>>
      %dma_wait3A_942 = tpu.memref_squeeze %dma_wait3A_941 : memref<40x1x256xf32, #tpu.memory_space<hbm>> -> memref<40x256xf32, #tpu.memory_space<hbm>>
      %dma_wait3A_943 = arith.constant 0 : i32
      %dma_wait3A_944 = arith.constant 768 : i32
      %dma_wait3A_945 = tpu.memref_slice %arg5[%dma_wait3A_943, %dma_wait3A_944] : memref<40x1024xf32, #tpu.memory_space<vmem>> -> memref<40x256xf32, #tpu.memory_space<vmem>>
      %dma_wait3A_946 = arith.constant 0 : i32
      %dma_wait3A_947 = tpu.memref_slice %arg2[%mul3A_844, %dma_wait3A_936, %dma_wait3A_946] : memref<10000x16x256xf32, #tpu.memory_space<hbm>> -> memref<40x1x256xf32, #tpu.memory_space<hbm>>
      %dma_wait3A_948 = tpu.memref_squeeze %dma_wait3A_947 : memref<40x1x256xf32, #tpu.memory_space<hbm>> -> memref<40x256xf32, #tpu.memory_space<hbm>>
      tpu.wait_dma2 semaphore(%arg8 : memref<!tpu.dma_semaphore, #tpu.memory_space<semaphore_mem>>) src(%dma_wait3A_948 : memref<40x256xf32, #tpu.memory_space<hbm>>) dst(%dma_wait3A_945 : memref<40x256xf32, #tpu.memory_space<vmem>>)
      %add3A_949 = arith.constant 224 : i32
      %add3A_950 = arith.addi %add3A, %add3A_949 : i32
      %mul3A_951 = arith.constant 40 : i32
      %mul3A_952 = arith.muli %add3A_950, %mul3A_951 : i32
      %dma_start3A_953 = arith.constant 0 : i32
      %dma_start3A_954 = tpu.memref_slice %arg4[%mul3A_952, %dma_start3A_953] : memref<10000x1024xf32, #tpu.memory_space<hbm>> -> memref<40x1024xf32, #tpu.memory_space<hbm>>
      %dma_start3A_955 = arith.constant 0 : i32
      %dma_start3A_956 = tpu.memref_slice %arg4[%mul3A_952, %dma_start3A_955] : memref<10000x1024xf32, #tpu.memory_space<hbm>> -> memref<40x1024xf32, #tpu.memory_space<hbm>>
      tpu.enqueue_dma source(%arg5 : memref<40x1024xf32, #tpu.memory_space<vmem>>) target(%dma_start3A_956 : memref<40x1024xf32, #tpu.memory_space<hbm>>) target_semaphore(%arg11 : memref<!tpu.dma_semaphore, #tpu.memory_space<semaphore_mem>>)
      %dma_wait3A_957 = arith.constant 0 : i32
      %dma_wait3A_958 = tpu.memref_slice %arg4[%mul3A_952, %dma_wait3A_957] : memref<10000x1024xf32, #tpu.memory_space<hbm>> -> memref<40x1024xf32, #tpu.memory_space<hbm>>
      %dma_wait3A_959 = arith.constant 0 : i32
      %dma_wait3A_960 = tpu.memref_slice %arg4[%mul3A_952, %dma_wait3A_959] : memref<10000x1024xf32, #tpu.memory_space<hbm>> -> memref<40x1024xf32, #tpu.memory_space<hbm>>
      tpu.wait_dma2 semaphore(%arg11 : memref<!tpu.dma_semaphore, #tpu.memory_space<semaphore_mem>>) src(%arg5 : memref<40x1024xf32, #tpu.memory_space<vmem>>) dst(%dma_wait3A_960 : memref<40x1024xf32, #tpu.memory_space<hbm>>)
    } else {
    }
    return
  }
}

</mosaic_0001>

<sc_bundles>
// kernel: kernel.3.cloned.1.call-start
scs
__scs_entry_jumppad:
0x0: {  	(pc) =	sbr.rel $0x88, $3  }
0x1: {  	(tag) =	ssettag $0x0;
	lr =	simm.s32 $0x1  }
0x2: {  	[smem:$0x3F9F] =	sst lr;
	_ =	strace $0xD0000000  }
0x3: {  	_ = 	snop  }
0x4: {  	_ = 	snop  }
0x5: {  	_ = 	snop  }
0x6: {  	_ = 	snop  }
0x7: {  	_ = 	snop  }
__scs_overlays_trampoline_lowered:
0x8: {  	[smem:$0x3FAE] =	sst s0  }
0x9: {  	[smem:$0x3FAF] =	sst s1  }
0xa: {  	[smem:$0x3FB0] =	sst s2  }
0xb: {  	[smem:$0x3FB1] =	sst s3  }
0xc: {  	[smem:$0x3FB2] =	sst s4  }
0xd: {  	[smem:$0x3FB3] =	sst s5  }
0xe: {  	[smem:$0x3FB4] =	sst s6  }
0xf: {  	[smem:$0x3FB5] =	sst s7  }
0x10: {  	[smem:$0x3FB6] =	sst s8  }
0x11: {  	[smem:$0x3FB7] =	sst s9;
	s0 =	simm.s32 @!p0 $0x0  }
0x12: {  	s1 =	sld [smem:$0x3F9D];
	s0 =	simm.s32 @p0 $0x1  }
0x13: {  	[smem:$0x3FB8] =	sst s0;
	s0 =	simm.s32 @!p1 $0x0  }
0x14: {  	s2 =	sld [smem:$0x3F9C];
	s0 =	simm.s32 @p1 $0x1  }
0x15: {  	[smem:$0x3FB9] =	sst s0;
	s0 =	simm.s32 @!p2 $0x0  }
0x16: {  	s3 =	sld [smem:$0x3FDB];
	s0 =	simm.s32 @p2 $0x1  }
0x17: {  	s4 =	simm.s32 $0x1BF5;
	[smem:$0x3FBB] =	sst s0  }
0x18: {  	s0 =	sld [smem:$0x3F9E];
	_ =	swait.ge [sflag:s4], $0x0  }
0x19: {  	s7 =	sld [smem:$0x3F9F]  }
0x1a: {  	s8 =	sadd.s32 $0xFFFFE003, lr  }
0x1b: {  	s9 =	sadd.s32 $0xFFFFFEF7, lr;
	s5 =	simm.s32 $0xFFFFFFFF;
	p2 =	slt.u32 s8, $0xFFFFF086  }
0x1c: {  	p1 =	slt.u32 s9, $0xF7A;
	s5 =	simm.s32 @!p2 $0x0  }
0x1d: {  	s5 =	simm.s32 @p1 $0x1;
	p0 =	seq.s32 s7, s2  }
0x1e: {  	s7 =	smul.u32 @!p0 $0xF7A, s2;
	p2 =	seq.s32 @!p0 s5, $0x0  }
0x1f: {  	s9 =	smul.u32 $0xF7A, s1;
	s8 =	simm.s32 @!p0 $0x1BF5;
	p2 =	por !p2, p0  }
0x20: {  	[sflag:s8] =	ssyncset.s32 @!p0 $0xFFFFF086;
	s6 =	sadd.s32 @!p0 s3, s7;
	s7 =	simm.s32 @!p0 $0x108  }
0x21: {  	s3 =	sadd.s32 s3, s9;
	s6 =	sadd.s32 @!p0 $0x88, s6;
	s7 =	simm.s32 @p2 $0x1082  }
0x22: {  	[simem:s7], [sflag:s8] =	dma.local @!p0 [hbm:s6], $0xF7A  }
0x23: {  	s9 =	sor.u32 $0xD0000000, s2;
	s6 =	simm.s32 $0x108;
	_ =	swait.ge @!p0 [sflag:s8], $0x0  }
0x24: {  	s3 =	sadd.s32 $0x88, s3;
	s6 =	simm.s32 @!p1 $0x1082;
	[sflag:s4] =	ssyncset.s32 $0xFFFFF086  }
0x25: {  	[simem:s6], [sflag:s4] =	dma.local [hbm:s3], $0xF7A  }
0x26: {  	[smem:$0x3F9F] =	sst s1;
	(tag) =	ssettag s2;
	_ =	strace s9  }
0x27: {  	s1 =	sld [smem:$0x3FAF]  }
0x28: {  	s2 =	sld [smem:$0x3FB0]  }
0x29: {  	s4 =	sld [smem:$0x3FB2]  }
0x2a: {  	p0 =	seq.s32 s5, $0x0;
	s5 =	sld [smem:$0x3FB3]  }
0x2b: {  	s6 =	sld [smem:$0x3FB4]  }
0x2c: {  	s7 =	sld [smem:$0x3FB5]  }
0x2d: {  	s3 =	simm.s32 $0x108;
	s8 =	sld [smem:$0x3FB6]  }
0x2e: {  	s3 =	simm.s32 @!p0 $0x1082;
	s9 =	sld [smem:$0x3FB7]  }
0x2f: {  	lr =	sadd.s32 s0, s3;
	s0 =	sld [smem:$0x3FAE]  }
0x30: {  	s3 =	sld [smem:$0x3FB1]  }
0x31: {  	[smem:$0x3FBA] =	sst s10  }
0x32: {  	s10 =	sld [smem:$0x3FB8];
	_ =	sdelay $0x3  }
0x33: {  	p0 =	seq.s32 s10, $0x1;
	s10 =	sld [smem:$0x3FBA];
	_ =	sdelay $0x3  }
0x34: {  	[smem:$0x3FBA] =	sst s10  }
0x35: {  	s10 =	sld [smem:$0x3FB9];
	_ =	sdelay $0x3  }
0x36: {  	p1 =	seq.s32 s10, $0x1;
	s10 =	sld [smem:$0x3FBA];
	_ =	sdelay $0x3  }
0x37: {  	[smem:$0x3FBA] =	sst s10  }
0x38: {  	s10 =	sld [smem:$0x3FBB]  }
0x39: {  	_ = 	snop;
	(pc) =	sbr.ind lr, $3  }
0x3a: {  	_ = 	snop  }
0x3b: {  	_ = 	snop  }
0x3c: {  	p2 =	seq.s32 s10, $0x1;
	s10 =	sld [smem:$0x3FBA]  }
0x3d: {  	_ =	shalt  }
0x3e: {  	_ =	shalt  }
0x3f: {  	_ =	shalt  }
0x40: {  	_ =	shalt  }
0x41: {  	_ =	shalt  }
0x42: {  	_ =	shalt  }
0x43: {  	_ =	shalt  }
0x44: {  	_ =	shalt  }
0x45: {  	_ =	shalt  }
0x46: {  	_ =	shalt  }
0x47: {  	_ =	shalt  }
0x48: {  	_ =	shalt  }
0x49: {  	_ =	shalt  }
0x4a: {  	_ =	shalt  }
0x4b: {  	_ =	shalt  }
0x4c: {  	_ =	shalt  }
0x4d: {  	_ =	shalt  }
0x4e: {  	_ =	shalt  }
0x4f: {  	_ =	shalt  }
0x50: {  	_ =	shalt  }
0x51: {  	_ =	shalt  }
0x52: {  	_ =	shalt  }
0x53: {  	_ =	shalt  }
0x54: {  	_ =	shalt  }
0x55: {  	_ =	shalt  }
0x56: {  	_ =	shalt  }
0x57: {  	_ =	shalt  }
0x58: {  	_ =	shalt  }
0x59: {  	_ =	shalt  }
0x5a: {  	_ =	shalt  }
0x5b: {  	_ =	shalt  }
0x5c: {  	_ =	shalt  }
0x5d: {  	_ =	shalt  }
0x5e: {  	_ =	shalt  }
0x5f: {  	_ =	shalt  }
0x60: {  	_ =	shalt  }
0x61: {  	_ =	shalt  }
0x62: {  	_ =	shalt  }
0x63: {  	_ =	shalt  }
0x64: {  	_ =	shalt  }
0x65: {  	_ =	shalt  }
0x66: {  	_ =	shalt  }
0x67: {  	_ =	shalt  }
0x68: {  	_ =	shalt  }
0x69: {  	_ =	shalt  }
0x6a: {  	_ =	shalt  }
0x6b: {  	_ =	shalt  }
0x6c: {  	_ =	shalt  }
0x6d: {  	_ =	shalt  }
0x6e: {  	_ =	shalt  }
0x6f: {  	_ =	shalt  }
0x70: {  	_ =	shalt  }
0x71: {  	_ =	shalt  }
0x72: {  	_ =	shalt  }
0x73: {  	_ =	shalt  }
0x74: {  	_ =	shalt  }
0x75: {  	_ =	shalt  }
0x76: {  	_ =	shalt  }
0x77: {  	_ =	shalt  }
0x78: {  	_ =	shalt  }
0x79: {  	_ =	shalt  }
0x7a: {  	_ =	shalt  }
0x7b: {  	_ =	shalt  }
0x7c: {  	_ =	shalt  }
0x7d: {  	_ =	shalt  }
0x7e: {  	_ =	shalt  }
0x7f: {  	_ =	shalt  }
0x80: {  	_ =	shalt  }
0x81: {  	_ =	shalt  }
0x82: {  	_ =	shalt  }
0x83: {  	_ =	shalt  }
0x84: {  	_ =	shalt  }
0x85: {  	_ =	shalt  }
0x86: {  	_ =	shalt  }
0x87: {  	_ =	shalt  }
.Lfunc_end0:
.L_simem_size_0:
called_computation_lowered:
.L_overlay_start_0:
0x88: {  	s2 =	sld [smem:$0x3FD9]  }
0x89: {  	s3 =	sld [smem:$0x3FFE];
	_ =	sdelay $0x1  }
0x8a: {  	s1 =	srdreg.scid  }
0x8b: {  	s0 =	sand.u32 $0x1, s1  }
0x8c: {  	s18 =	sshll.u32 s0, $0xA;
	s2 =	sadd.s32 s3, s2  }
0x8d: {  	s2 =	sadd.s32 s2, s18  }
0x8e: {  	[smem:$0x3FC6] =	sst s2  }
0x8f: {  	_ = 	snop  }
0x90: {  	s2 =	sld [smem:$0x3FC9]  }
0x91: {  	s19 =	sld [smem:$0x3FC8]  }
0x92: {  	s4 =	sld [smem:$0x3FD0];
	(tm) =	ssettm $0x1  }
0x93: {  	s5 =	sld [smem:$0x3FFB];
	_ =	sdelay $0x3  }
0x94: {  	_ =	strace s5  }
0x95: {  	s5 =	sld [smem:$0x3FFC];
	_ =	sdelay $0x3  }
0x96: {  	_ =	strace s5  }
0x97: {  	s5 =	sld [smem:$0x3FFD];
	_ =	sdelay $0x3  }
0x98: {  	_ =	strace s5  }
0x99: {  	_ =	strace $0x8FFFFFFF  }
0x9a: {  	s20 =	sld [smem:$0x3FDB];
	_ =	sdelay $0x1  }
0x9b: {  	s6 =	simm.s32 $_scs_section_size  }
0x9c: {  	s7 =	simm.s32 $_size__tile_overlayer_lowered;
	s8 =	simm.s32 $_tile_overlayer_lowered  }
0x9d: {  	s23 =	simm.s32 $0x1BFF;
	s22 =	sshll.u32 s8, $0x1;
	s5 =	sadd.s32 s6, s20  }
0x9e: {  	s9 =	simm.s32 $0x0;
	s21 =	sshll.u32 s7, $0x1;
	s7 =	sadd.s32 s22, s5  }
0x9f: {  	[timem:s9], [sflag:s23] =	dma.local [hbm:s7], s21  }
0xa0: {  	_ =	swait.ge [sflag:s23], s21  }
0xa1: {  	s6 =	ssub.s32 $0x0, s21;
	[sflag:s23] =	ssyncset.done $0x0  }
0xa2: {  	[sflag:s23] =	ssyncadd.s32 s6;
	_ =	sdelay $0x1  }
0xa3: {  	s24 =	simm.s32 $0x1B8B  }
0xa4: {  	_ =	swait.ge [sflag:s24], $0x1  }
0xa5: {  	[sflag:s24] =	ssyncset.done $0x0  }
0xa6: {  	s25 =	simm.s32 $0x1B8E;
	[sflag:s24] =	ssyncadd.s32 $0xFFFFFFFF  }
0xa7: {  	s26 =	simm.s32 $execute0_lowered;
	[smem:$0x3FD2] =	sst s25  }
0xa8: {  	s6 =	sshll.u32 s26, $0x1;
	_ =	strace $0x80000046;
	[dreg:$0x1] =	wrdreg $0xFFFFFFFF  }
0xa9: {  	s28 =	simm.s32 $_size_execute0_lowered;
	s5 =	sadd.s32 s5, s6;
	[dreg:$0x0] =	wrdreg $0x0  }
0xaa: {  	s6 =	sshll.u32 s28, $0x1;
	[dreg:$0x2] =	wrdreg s5  }
0xab: {  	[dreg:$0x3] =	wrdreg s6  }
0xac: {  	[dreg:$0x4] =	wrdreg $0xC0  }
0xad: {  	_ =	task [dreg:s9], $0x5FFFF  }
0xae: {  	[dreg:$0x1] =	wrdreg $0xFFFFFFFF  }
0xaf: {  	[dreg:$0x0] =	wrdreg $0x60  }
0xb0: {  	[dreg:$0x2] =	wrdreg s2  }
0xb1: {  	[dreg:$0x3] =	wrdreg s19  }
0xb2: {  	[dreg:$0x4] =	wrdreg s4  }
0xb3: {  	[dreg:$0x5] =	wrdreg $0x9  }
0xb4: {  	_ =	task.clear_ibuf [dreg:s9], $0x6FFFF;
	_ =	strace $0x90000046  }
0xb5: {  	s29 =	simm.s32 $0x9;
	_ =	strace $0x80000048  }
0xb6: {  	_ =	swait.ge [sflag:s29], $0x1  }
0xb7: {  	[sflag:s29] =	ssyncadd.s32 $0xFFFFFFFF  }
0xb8: {  	_ =	strace $0x90000048  }
0xb9: {  	_ =	sfence  }
0xba: {  	s30 =	sld [smem:$0x0];
	_ =	sdelay $0x2  }
0xbb: {  	s31 =	sshll.u32 s1, $0xD;
	s1 =	sshrl.u32 s1, $0x2  }
0xbc: {  	s3 =	sand.u32 $0x4000, s31;
	s1 =	sadd.s32 s1, s30  }
0xbd: {  	s0 =	sor.u32 s3, s0;
	s1 =	sshll.u32 s1, $0x11  }
0xbe: {  	s0 =	sor.u32 s1, s0  }
0xbf: {  	s0 =	sadd.s32 $0x8F2B, s0  }
0xc0: {  	[sflag:s0] =	ssyncadd.remote.s32 $0x1  }
0xc1: {  	_ =	sfence.sel $0xFFFF  }
0xc2: {  	[dreg:$0x0] =	wrdreg $0xFFFFFFFF;
	(pc) =	sbr.abs _section_cstart, $3  }
0xc3: {  	[dreg:$0x1] =	wrdreg $0xFFFFFFFF  }
0xc4: {  	_ =	task.clear_ibuf [dreg:s9], $0x2FFFF;
	_ =	strace $0x9FFFFFFF  }
0xc5: {  	(tm) =	ssettm $0x7FFFFFFF  }
tec
execute0_lowered:
.L_overlay_start_1:
0x0: {  	(tag) =	ssettag $0x1  }
0x1: {  	s0 =	srdreg.scid;
	s1 =	stileid.u32  }
0x2: {  	s0 =	sand.u32 $0x1, s0;
	s1 =	sshll.u32 s1, $0x1  }
0x3: {  	s1 =	sor.u32 s0, s1  }
0x4: {  	s2 =	rddreg [dreg:$0x0];
	s25 =	sor.u32 $0x20, s1  }
0x5: {  	s0 =	ssub.s32 $0x2, s0;
	s26 =	sor.u32 $0x40, s1;
	s7 =	smul.u32 $0x5000, s25  }
0x6: {  	s30 =	rddreg [dreg:$0x1];
	s3 =	sshrl.u32 s0, $0x1;
	s15 =	smul.u32 $0x5000, s26  }
0x7: {  	s17 =	sor.u32 $0x60, s1;
	s0 =	ssub.s32 s0, s3;
	s22 =	smul.u32 $0x1400, s26  }
0x8: {  	s6 =	sadd.s32 $0x10, s2;
	s24 =	smul.u32 $0x1400, s17;
	[smem:$0x799] =	sst s0  }
0x9: {  	s8 =	sadd.s32 $0x20, s2;
	s26 =	smul.u32 $0x1400, s1;
	[smem:$0x797] =	sst s22  }
0xa: {  	s4 =	smul.u32 $0x5000, s1;
	s31 =	sor.u32 $0x80, s1;
	[smem:$0x798] =	sst s24  }
0xb: {  	s19 =	smul.u32 $0x5000, s17;
	s14 =	sadd.s32 s30, s7;
	[smem:$0x795] =	sst s26  }
0xc: {  	s23 =	smul.u32 $0x5000, s31;
	s5 =	sadd.s32 s2, s7;
	[dreg:$0x8] =	wrdreg s14  }
0xd: {  	s3 =	sor.u32 $0xC0, s1;
	s16 =	sadd.s32 s7, s6;
	[dreg:$0x9] =	wrdreg s5  }
0xe: {  	s9 =	sadd.s32 s30, s4;
	s7 =	sadd.s32 s7, s8;
	[dreg:$0xa] =	wrdreg s16  }
0xf: {  	s10 =	sadd.s32 s2, s4;
	s18 =	sadd.s32 s30, s15;
	[dreg:$0xb] =	wrdreg s7  }
0x10: {  	s11 =	sadd.s32 s4, s6;
	s13 =	sadd.s32 s2, s15;
	[dreg:$0xc] =	wrdreg s18  }
0x11: {  	s0 =	smul.u32 $0x1400, s25;
	s20 =	sadd.s32 s15, s6;
	[dreg:$0xd] =	wrdreg s13  }
0x12: {  	s12 =	sadd.s32 s4, s8;
	s4 =	sor.u32 $0xA0, s1;
	[dreg:$0xe] =	wrdreg s20  }
0x13: {  	s21 =	sadd.s32 s15, s8;
	s15 =	sadd.s32 s19, s6;
	[smem:$0x796] =	sst s0  }
0x14: {  	s17 =	sadd.s32 s30, s23;
	s25 =	smul.u32 $0x5000, s4;
	[dreg:$0xf] =	wrdreg s21  }
0x15: {  	s13 =	sadd.s32 s30, s19;
	s14 =	sadd.s32 s2, s19;
	s16 =	sadd.s32 s19, s8  }
0x16: {  	s18 =	sadd.s32 s2, s23;
	s19 =	sadd.s32 s23, s6;
	s20 =	sadd.s32 s23, s8  }
0x17: {  	s7 =	sor.u32 $0xE0, s1;
	s1 =	smul.u32 $0x5000, s3;
	s21 =	sadd.s32 s30, s25  }
0x18: {  	s22 =	sadd.s32 s2, s25;
	s23 =	sadd.s32 s25, s6;
	s5 =	smul.u32 $0x5000, s7  }
0x19: {  	s24 =	sadd.s32 s25, s8;
	s25 =	sadd.s32 s30, s1;
	s26 =	sadd.s32 s2, s1  }
0x1a: {  	s28 =	sadd.s32 s1, s6;
	s29 =	sadd.s32 s1, s8;
	s1 =	sadd.s32 s30, s5  }
0x1b: {  	s2 =	sadd.s32 s2, s5;
	[smem:$0x791] =	sst s1  }
0x1c: {  	s6 =	sadd.s32 s5, s6;
	[smem:$0x792] =	sst s2  }
0x1d: {  	s8 =	sadd.s32 s5, s8;
	[smem:$0x793] =	sst s6  }
0x1e: {  	[smem:$0x794] =	sst s8  }
0x1f: {  	s30 =	simm.s32 $0x0;
	s8 =	rddreg [dreg:$0x2]  }
0x20: {  	s5 =	smul.u32 $0x1400, s31;
	[smem:$0x7FF] =	sst s30  }
0x21: {  	s3 =	smul.u32 $0x1400, s3;
	s1 =	sld [smem:$0x795]  }
0x22: {  	s30 =	sld [smem:$0x796];
	s5 =	sadd.s32 s8, s5  }
0x23: {  	s6 =	smul.u32 $0x1400, s4;
	s3 =	sadd.s32 s8, s3;
	[dreg:$0x14] =	wrdreg s5  }
0x24: {  	[dreg:$0x16] =	wrdreg s3  }
0x25: {  	s6 =	sadd.s32 s8, s6;
	s2 =	sadd.s32 s8, s1;
	s1 =	sld [smem:$0x797]  }
0x26: {  	[dreg:$0x15] =	wrdreg s6  }
0x27: {  	s0 =	sadd.s32 s8, s30;
	s30 =	smul.u32 $0x1400, s7;
	[dreg:$0x10] =	wrdreg s2  }
0x28: {  	s2 =	sadd.s32 s8, s1;
	s1 =	sld [smem:$0x798]  }
0x29: {  	[dreg:$0x11] =	wrdreg s0;
	s7 =	sadd.s32 s8, s30  }
0x2a: {  	[dreg:$0x17] =	wrdreg s7  }
0x2b: {  	[dreg:$0x12] =	wrdreg s2;
	s2 =	sadd.s32 s8, s1  }
0x2c: {  	s1 =	sadd.s32 $0x80, s9;
	[dreg:$0x13] =	wrdreg s2  }
0x2d: {  	s2 =	sadd.s32 $0x1000, s9;
	_ =	strace $0x80000047;
	[dreg:$0x18] =	wrdreg s1  }
0x2e: {  	s3 =	sadd.s32 $0x1080, s9;
	[dreg:$0x19] =	wrdreg s2  }
0x2f: {  	s5 =	sadd.s32 $0x2000, s9;
	[dreg:$0x1a] =	wrdreg s3  }
0x30: {  	s6 =	sadd.s32 $0x2080, s9;
	[dreg:$0x1b] =	wrdreg s5  }
0x31: {  	s30 =	stileid.u32;
	s7 =	sadd.s32 $0x3000, s9;
	[dreg:$0x1c] =	wrdreg s6  }
0x32: {  	p0 =	sgt.u32 s30, $0xC;
	s30 =	sadd.s32 $0x4000, s9;
	[dreg:$0x1d] =	wrdreg s7  }
0x33: {  	[dreg:$0x1f] =	wrdreg s30  }
0x34: {  	s0 =	sadd.s32 $0x4080, s9;
	[dreg:$0x4] =	wrdreg s9  }
0x35: {  	[smem:$0x79A] =	sst s0  }
0x36: {  	[dreg:$0x5] =	wrdreg s10  }
0x37: {  	[dreg:$0x6] =	wrdreg s11  }
0x38: {  	[dreg:$0x7] =	wrdreg s12  }
0x39: {  	s1 =	sadd.s32 $0x80, s10;
	s8 =	sld [smem:$0x799]  }
0x3a: {  	s2 =	sadd.s32 $0x1000, s10;
	[smem:$0x79B] =	sst s1  }
0x3b: {  	s3 =	sadd.s32 $0x1080, s10;
	[smem:$0x79C] =	sst s2  }
0x3c: {  	s5 =	sadd.s32 $0x2000, s10;
	[smem:$0x79D] =	sst s3  }
0x3d: {  	s6 =	sadd.s32 $0x2080, s10;
	[smem:$0x79E] =	sst s5  }
0x3e: {  	s7 =	sadd.s32 $0x3000, s10;
	[smem:$0x79F] =	sst s6  }
0x3f: {  	s30 =	sadd.s32 $0x4080, s10;
	[smem:$0x7A0] =	sst s7  }
0x40: {  	s0 =	sadd.s32 $0x80, s11;
	[smem:$0x7A3] =	sst s30  }
0x41: {  	[smem:$0x7A4] =	sst s0;
	s1 =	sadd.s32 $0x1000, s11  }
0x42: {  	s2 =	sadd.s32 $0x1080, s11;
	[smem:$0x7A5] =	sst s1  }
0x43: {  	s3 =	sadd.s32 $0x2000, s11;
	[smem:$0x7A6] =	sst s2  }
0x44: {  	s5 =	sadd.s32 $0x2080, s11;
	[smem:$0x7A7] =	sst s3  }
0x45: {  	s6 =	sadd.s32 $0x3000, s11;
	[smem:$0x7A8] =	sst s5  }
0x46: {  	s7 =	sadd.s32 $0x3080, s11;
	[smem:$0x7A9] =	sst s6  }
0x47: {  	s30 =	sadd.s32 $0x1080, s12;
	[smem:$0x7AA] =	sst s7  }
0x48: {  	s0 =	sadd.s32 $0x2000, s12;
	[smem:$0x7AF] =	sst s30  }
0x49: {  	[smem:$0x7B0] =	sst s0  }
0x4a: {  	s1 =	sadd.s32 $0x2080, s12;
	s7 =	rddreg [dreg:$0x8]  }
0x4b: {  	s2 =	sadd.s32 $0x3000, s12;
	[smem:$0x7B1] =	sst s1  }
0x4c: {  	s3 =	sadd.s32 $0x3080, s12;
	[smem:$0x7B2] =	sst s2  }
0x4d: {  	s5 =	sadd.s32 $0x4000, s12;
	[smem:$0x7B3] =	sst s3  }
0x4e: {  	s6 =	sadd.s32 $0x4080, s12;
	[smem:$0x7B4] =	sst s5  }
0x4f: {  	[smem:$0x7B5] =	sst s6  }
0x50: {  	s30 =	sadd.s32 $0x3000, s7;
	s5 =	rddreg [dreg:$0x9]  }
0x51: {  	s1 =	sadd.s32 $0x3080, s7;
	[smem:$0x7BB] =	sst s30  }
0x52: {  	s2 =	sadd.s32 $0x4000, s7;
	[smem:$0x7BC] =	sst s1  }
0x53: {  	s3 =	sadd.s32 $0x4080, s7;
	[smem:$0x7BD] =	sst s2  }
0x54: {  	[smem:$0x7BE] =	sst s3  }
0x55: {  	s31 =	smax.u32 s8, $0x1;
	s8 =	sadd.s32 $0x3080, s9;
	s1 =	rddreg [dreg:$0xa]  }
0x56: {  	s9 =	sadd.s32 $0x4000, s10;
	[dreg:$0x1e] =	wrdreg s8  }
0x57: {  	s6 =	sadd.s32 $0x80, s5;
	[smem:$0x7A2] =	sst s9  }
0x58: {  	s30 =	sadd.s32 $0x4000, s5;
	[smem:$0x7BF] =	sst s6  }
0x59: {  	s0 =	sadd.s32 $0x4080, s5;
	[smem:$0x7C6] =	sst s30  }
0x5a: {  	s8 =	sadd.s32 $0x3080, s10;
	[smem:$0x7C7] =	sst s0  }
0x5b: {  	s9 =	sadd.s32 $0x4080, s11;
	[smem:$0x7A1] =	sst s8  }
0x5c: {  	s10 =	sadd.s32 $0x80, s12;
	[smem:$0x7AC] =	sst s9  }
0x5d: {  	s2 =	sadd.s32 $0x80, s1;
	[smem:$0x7AD] =	sst s10  }
0x5e: {  	s3 =	sadd.s32 $0x1000, s1;
	[smem:$0x7C8] =	sst s2  }
0x5f: {  	s6 =	sadd.s32 $0x2000, s1;
	[smem:$0x7C9] =	sst s3  }
0x60: {  	s8 =	sadd.s32 $0x4000, s11;
	[smem:$0x7CB] =	sst s6  }
0x61: {  	s11 =	sadd.s32 $0x1000, s12;
	[smem:$0x7AB] =	sst s8  }
0x62: {  	s9 =	sadd.s32 $0x1000, s7;
	[smem:$0x7AE] =	sst s11  }
0x63: {  	s10 =	sadd.s32 $0x1080, s7;
	[smem:$0x7B7] =	sst s9  }
0x64: {  	s12 =	sadd.s32 $0x2080, s7;
	[smem:$0x7B8] =	sst s10  }
0x65: {  	s8 =	sadd.s32 $0x80, s7;
	[smem:$0x7BA] =	sst s12  }
0x66: {  	s11 =	sadd.s32 $0x2000, s7;
	[smem:$0x7B6] =	sst s8  }
0x67: {  	s7 =	sadd.s32 $0x1000, s5;
	[smem:$0x7B9] =	sst s11  }
0x68: {  	s9 =	sadd.s32 $0x2000, s5;
	[smem:$0x7C0] =	sst s7  }
0x69: {  	s10 =	sadd.s32 $0x2080, s5;
	[smem:$0x7C2] =	sst s9  }
0x6a: {  	s12 =	sadd.s32 $0x3080, s5;
	[smem:$0x7C3] =	sst s10  }
0x6b: {  	[smem:$0x7C5] =	sst s12  }
0x6c: {  	s8 =	sadd.s32 $0x1080, s5;
	s12 =	rddreg [dreg:$0xb]  }
0x6d: {  	s11 =	sadd.s32 $0x3000, s5;
	[smem:$0x7C1] =	sst s8  }
0x6e: {  	s5 =	sadd.s32 $0x1080, s1;
	[smem:$0x7C4] =	sst s11  }
0x6f: {  	s7 =	sadd.s32 $0x2080, s1;
	[smem:$0x7CA] =	sst s5  }
0x70: {  	s9 =	sadd.s32 $0x3080, s1;
	[smem:$0x7CC] =	sst s7  }
0x71: {  	s10 =	sadd.s32 $0x4000, s1;
	[smem:$0x7CE] =	sst s9  }
0x72: {  	[smem:$0x7CF] =	sst s10  }
0x73: {  	s8 =	sadd.s32 $0x3000, s1;
	s10 =	rddreg [dreg:$0xc]  }
0x74: {  	s11 =	sadd.s32 $0x4080, s1;
	[smem:$0x7CD] =	sst s8  }
0x75: {  	s30 =	sadd.s32 $0x80, s12;
	[smem:$0x7D0] =	sst s11  }
0x76: {  	s1 =	sadd.s32 $0x1000, s12;
	[smem:$0x7D1] =	sst s30  }
0x77: {  	s2 =	sadd.s32 $0x1080, s12;
	[smem:$0x7D2] =	sst s1  }
0x78: {  	s3 =	sadd.s32 $0x2000, s12;
	[smem:$0x7D3] =	sst s2  }
0x79: {  	s5 =	sadd.s32 $0x2080, s12;
	[smem:$0x7D4] =	sst s3  }
0x7a: {  	s6 =	sadd.s32 $0x3000, s12;
	[smem:$0x7D5] =	sst s5  }
0x7b: {  	s7 =	sadd.s32 $0x3080, s12;
	[smem:$0x7D6] =	sst s6  }
0x7c: {  	s9 =	sadd.s32 $0x4080, s12;
	[smem:$0x7D7] =	sst s7  }
0x7d: {  	s8 =	sadd.s32 $0x4000, s12;
	[smem:$0x7D9] =	sst s9  }
0x7e: {  	s11 =	sadd.s32 $0x80, s10;
	[smem:$0x7D8] =	sst s8  }
0x7f: {  	s12 =	sadd.s32 $0x1000, s10;
	[smem:$0x7DA] =	sst s11  }
0x80: {  	s30 =	sadd.s32 $0x1080, s10;
	[smem:$0x7DB] =	sst s12  }
0x81: {  	s1 =	sadd.s32 $0x2000, s10;
	[smem:$0x7DC] =	sst s30  }
0x82: {  	s2 =	sadd.s32 $0x2080, s10;
	[smem:$0x7DD] =	sst s1  }
0x83: {  	s3 =	sadd.s32 $0x3000, s10;
	[smem:$0x7DE] =	sst s2  }
0x84: {  	s5 =	sadd.s32 $0x3080, s10;
	[smem:$0x7DF] =	sst s3  }
0x85: {  	s6 =	sadd.s32 $0x4000, s10;
	[smem:$0x7E0] =	sst s5  }
0x86: {  	s7 =	sadd.s32 $0x4080, s10;
	[smem:$0x7E1] =	sst s6  }
0x87: {  	[smem:$0x7E2] =	sst s7  }
0x88: {  	s8 =	rddreg [dreg:$0xd]  }
0x89: {  	s6 =	rddreg [dreg:$0xe];
	s9 =	sadd.s32 $0x80, s8  }
0x8a: {  	s10 =	sadd.s32 $0x1000, s8;
	[smem:$0x7E3] =	sst s9  }
0x8b: {  	s11 =	sadd.s32 $0x1080, s8;
	[smem:$0x7E4] =	sst s10  }
0x8c: {  	s12 =	sadd.s32 $0x2000, s8;
	[smem:$0x7E5] =	sst s11  }
0x8d: {  	s30 =	sadd.s32 $0x2080, s8;
	[smem:$0x7E6] =	sst s12  }
0x8e: {  	s1 =	sadd.s32 $0x3000, s8;
	[smem:$0x7E7] =	sst s30  }
0x8f: {  	s2 =	sadd.s32 $0x3080, s8;
	[smem:$0x7E8] =	sst s1  }
0x90: {  	s3 =	sadd.s32 $0x4000, s8;
	[smem:$0x7E9] =	sst s2  }
0x91: {  	s5 =	sadd.s32 $0x4080, s8;
	[smem:$0x7EA] =	sst s3  }
0x92: {  	s7 =	sadd.s32 $0x80, s6;
	[smem:$0x7EB] =	sst s5  }
0x93: {  	s8 =	sadd.s32 $0x1000, s6;
	[smem:$0x7EC] =	sst s7  }
0x94: {  	[smem:$0x7ED] =	sst s8  }
0x95: {  	s9 =	sadd.s32 $0x1080, s6;
	s3 =	rddreg [dreg:$0xf]  }
0x96: {  	s10 =	sadd.s32 $0x2000, s6;
	[smem:$0x7EE] =	sst s9  }
0x97: {  	s11 =	sadd.s32 $0x2080, s6;
	[smem:$0x7EF] =	sst s10  }
0x98: {  	s12 =	sadd.s32 $0x3000, s6;
	[smem:$0x7F0] =	sst s11  }
0x99: {  	s30 =	sadd.s32 $0x3080, s6;
	[smem:$0x7F1] =	sst s12  }
0x9a: {  	s1 =	sadd.s32 $0x4000, s6;
	[smem:$0x7F2] =	sst s30  }
0x9b: {  	s2 =	sadd.s32 $0x4080, s6;
	[smem:$0x7F3] =	sst s1  }
0x9c: {  	[smem:$0x7F4] =	sst s2;
	s5 =	sadd.s32 $0x80, s3  }
0x9d: {  	s6 =	sadd.s32 $0x1000, s3;
	[smem:$0x7F5] =	sst s5  }
0x9e: {  	s7 =	sadd.s32 $0x1080, s3;
	[smem:$0x7F6] =	sst s6  }
0x9f: {  	s8 =	sadd.s32 $0x2000, s3;
	[smem:$0x7F7] =	sst s7  }
0xa0: {  	s9 =	sadd.s32 $0x2080, s3;
	[smem:$0x7F8] =	sst s8  }
0xa1: {  	s10 =	sadd.s32 $0x3000, s3;
	[smem:$0x7F9] =	sst s9  }
.Ltmp0:
0xa2: {  	s11 =	sadd.s32 $0x3080, s3;
	[smem:$0x7FA] =	sst s10;
	(pc) =	sbr.rel .LBB2_1-.Ltmp0, $4  }
0xa3: {  	s12 =	sadd.s32 $0x4000, s3;
	[smem:$0x7FB] =	sst s11  }
0xa4: {  	s4 =	simm.s32 $0x80;
	s30 =	sadd.s32 $0x4080, s3;
	[smem:$0x7FC] =	sst s12  }
0xa5: {  	[smem:$0x7FD] =	sst s30;
	s5 =	simm.s32 $0x1000;
	s11 =	simm.s32 $0x1  }
0xa6: {  	s12 =	simm.s32 $0x4;
	s6 =	simm.s32 $0x2;
	s8 =	simm.s32 $0x3  }
.LBB2_3:
0xa7: {  	s31 =	sadd.s32 $0xFFFFFFFF, s31  }
0xa8: {  	p1 =	sne.s32 s31, $0x0  }
.Ltmp1:
0xa9: {  	_ = 	snop;
	(pc) =	sbr.rel @!p1 .LBB2_4-.Ltmp1, $1  }
0xaa: {  	_ =	sdelay $0x3  }
.LBB2_1:
0xab: {  	s10 =	rddreg [dreg:$0x4]  }
0xac: {  	s0 =	simm.s32 $0x0;
	s2 =	rddreg [dreg:$0x18]  }
0xad: {  	[tilespmem:s0], [sflag:$0x1] =	stream.strided.gather [hbm4b:s10+s4], $0x400, s5, s4, $0x38;
	[tilespmem:$0x1E000] =	vst v63  }
0xae: {  	s1 =	simm.s32 $0x400;
	s3 =	rddreg [dreg:$0x19]  }
0xaf: {  	[tilespmem:s1], [sflag:$0x1] =	stream.strided.gather [hbm4b:s2+s4], $0x400, s5, s4, $0x38;
	[tilespmem:$0x1E000] =	vst v63  }
0xb0: {  	s7 =	simm.s32 $0x2000;
	s9 =	rddreg [dreg:$0x1a]  }
0xb1: {  	[tilespmem:s7], [sflag:$0x1] =	stream.strided.gather [hbm4b:s3+s4], $0x400, s5, s4, $0x38;
	[tilespmem:$0x1E000] =	vst v63  }
0xb2: {  	s30 =	simm.s32 $0x2400;
	s3 =	rddreg [dreg:$0x1b]  }
0xb3: {  	[tilespmem:s30], [sflag:$0x1] =	stream.strided.gather [hbm4b:s9+s4], $0x400, s5, s4, $0x38;
	[tilespmem:$0x1E000] =	vst v63  }
0xb4: {  	s7 =	simm.s32 $0x4000;
	s9 =	rddreg [dreg:$0x1c]  }
0xb5: {  	[tilespmem:s7], [sflag:$0x1] =	stream.strided.gather [hbm4b:s3+s4], $0x400, s5, s4, $0x38;
	[tilespmem:$0x1E000] =	vst v63  }
0xb6: {  	s30 =	simm.s32 $0x4400;
	s3 =	rddreg [dreg:$0x1d]  }
0xb7: {  	[tilespmem:s30], [sflag:$0x1] =	stream.strided.gather [hbm4b:s9+s4], $0x400, s5, s4, $0x38;
	[tilespmem:$0x1E000] =	vst v63  }
0xb8: {  	s7 =	simm.s32 $0x6000;
	s9 =	rddreg [dreg:$0x1e]  }
0xb9: {  	[tilespmem:s7], [sflag:$0x1] =	stream.strided.gather [hbm4b:s3+s4], $0x400, s5, s4, $0x38;
	[tilespmem:$0x1E000] =	vst v63  }
0xba: {  	s30 =	simm.s32 $0x6400;
	s3 =	rddreg [dreg:$0x1f]  }
0xbb: {  	[tilespmem:s30], [sflag:$0x1] =	stream.strided.gather [hbm4b:s9+s4], $0x400, s5, s4, $0x38;
	[tilespmem:$0x1E000] =	vst v63  }
0xbc: {  	s7 =	simm.s32 $0x8000;
	s9 =	sld [smem:$0x79A]  }
0xbd: {  	[tilespmem:s7], [sflag:$0x1] =	stream.strided.gather [hbm4b:s3+s4], $0x400, s5, s4, $0x38;
	[tilespmem:$0x1E000] =	vst v63  }
0xbe: {  	s30 =	simm.s32 $0x8400;
	s3 =	rddreg [dreg:$0x5]  }
0xbf: {  	[tilespmem:s30], [sflag:$0x1] =	stream.strided.gather [hbm4b:s9+s4], $0x400, s5, s4, $0x38;
	[tilespmem:$0x1E000] =	vst v63  }
0xc0: {  	s7 =	simm.s32 $0x800;
	s9 =	sld [smem:$0x79B]  }
0xc1: {  	[tilespmem:s7], [sflag:$0x1] =	stream.strided.gather [hbm4b:s3+s4], $0x400, s5, s4, $0x38;
	[tilespmem:$0x1E000] =	vst v63  }
0xc2: {  	s30 =	simm.s32 $0xC00;
	s3 =	sld [smem:$0x79C]  }
0xc3: {  	[tilespmem:s30], [sflag:$0x1] =	stream.strided.gather [hbm4b:s9+s4], $0x400, s5, s4, $0x38;
	[tilespmem:$0x1E000] =	vst v63  }
0xc4: {  	s7 =	simm.s32 $0x2800;
	s9 =	sld [smem:$0x79D]  }
0xc5: {  	[tilespmem:s7], [sflag:$0x1] =	stream.strided.gather [hbm4b:s3+s4], $0x400, s5, s4, $0x38;
	[tilespmem:$0x1E000] =	vst v63  }
0xc6: {  	s30 =	simm.s32 $0x2C00;
	s3 =	sld [smem:$0x79E]  }
0xc7: {  	[tilespmem:s30], [sflag:$0x1] =	stream.strided.gather [hbm4b:s9+s4], $0x400, s5, s4, $0x38;
	[tilespmem:$0x1E000] =	vst v63  }
0xc8: {  	s7 =	simm.s32 $0x4800;
	s9 =	sld [smem:$0x79F]  }
0xc9: {  	[tilespmem:s7], [sflag:$0x1] =	stream.strided.gather [hbm4b:s3+s4], $0x400, s5, s4, $0x38;
	[tilespmem:$0x1E000] =	vst v63  }
0xca: {  	s30 =	simm.s32 $0x4C00;
	s3 =	sld [smem:$0x7A0]  }
0xcb: {  	[tilespmem:s30], [sflag:$0x1] =	stream.strided.gather [hbm4b:s9+s4], $0x400, s5, s4, $0x38;
	[tilespmem:$0x1E000] =	vst v63  }
0xcc: {  	s7 =	simm.s32 $0x6800;
	s9 =	sld [smem:$0x7A1]  }
0xcd: {  	[tilespmem:s7], [sflag:$0x1] =	stream.strided.gather [hbm4b:s3+s4], $0x400, s5, s4, $0x38;
	[tilespmem:$0x1E000] =	vst v63  }
0xce: {  	s30 =	simm.s32 $0x6C00;
	s3 =	sld [smem:$0x7A2]  }
0xcf: {  	[tilespmem:s30], [sflag:$0x1] =	stream.strided.gather [hbm4b:s9+s4], $0x400, s5, s4, $0x38;
	[tilespmem:$0x1E000] =	vst v63  }
0xd0: {  	s7 =	simm.s32 $0x8800;
	s9 =	sld [smem:$0x7A3]  }
0xd1: {  	[tilespmem:s7], [sflag:$0x1] =	stream.strided.gather [hbm4b:s3+s4], $0x400, s5, s4, $0x38;
	[tilespmem:$0x1E000] =	vst v63  }
0xd2: {  	s1 =	rddreg [dreg:$0x6];
	s30 =	simm.s32 $0x8C00  }
0xd3: {  	[tilespmem:s30], [sflag:$0x1] =	stream.strided.gather [hbm4b:s9+s4], $0x400, s5, s4, $0x38;
	[tilespmem:$0x1E000] =	vst v63  }
0xd4: {  	s3 =	sld [smem:$0x7A4]  }
0xd5: {  	[tilespmem:s5], [sflag:$0x1] =	stream.strided.gather [hbm4b:s1+s4], $0x400, s5, s4, $0x38;
	[tilespmem:$0x1E000] =	vst v63  }
0xd6: {  	s7 =	simm.s32 $0x1400;
	s9 =	sld [smem:$0x7A5]  }
0xd7: {  	[tilespmem:s7], [sflag:$0x1] =	stream.strided.gather [hbm4b:s3+s4], $0x400, s5, s4, $0x38;
	[tilespmem:$0x1E000] =	vst v63  }
0xd8: {  	s30 =	simm.s32 $0x3000;
	s3 =	sld [smem:$0x7A6]  }
0xd9: {  	[tilespmem:s30], [sflag:$0x1] =	stream.strided.gather [hbm4b:s9+s4], $0x400, s5, s4, $0x38;
	[tilespmem:$0x1E000] =	vst v63  }
0xda: {  	s7 =	simm.s32 $0x3400;
	s9 =	sld [smem:$0x7A7]  }
0xdb: {  	[tilespmem:s7], [sflag:$0x1] =	stream.strided.gather [hbm4b:s3+s4], $0x400, s5, s4, $0x38;
	[tilespmem:$0x1E000] =	vst v63  }
0xdc: {  	s30 =	simm.s32 $0x5000;
	s3 =	sld [smem:$0x7A8]  }
0xdd: {  	[tilespmem:s30], [sflag:$0x1] =	stream.strided.gather [hbm4b:s9+s4], $0x400, s5, s4, $0x38;
	[tilespmem:$0x1E000] =	vst v63  }
0xde: {  	s7 =	simm.s32 $0x5400;
	s9 =	sld [smem:$0x7A9]  }
0xdf: {  	[tilespmem:s7], [sflag:$0x1] =	stream.strided.gather [hbm4b:s3+s4], $0x400, s5, s4, $0x38;
	[tilespmem:$0x1E000] =	vst v63  }
0xe0: {  	s30 =	simm.s32 $0x7000;
	s3 =	sld [smem:$0x7AA]  }
0xe1: {  	[tilespmem:s30], [sflag:$0x1] =	stream.strided.gather [hbm4b:s9+s4], $0x400, s5, s4, $0x38;
	[tilespmem:$0x1E000] =	vst v63  }
0xe2: {  	s7 =	simm.s32 $0x7400;
	s9 =	sld [smem:$0x7AB]  }
0xe3: {  	[tilespmem:s7], [sflag:$0x1] =	stream.strided.gather [hbm4b:s3+s4], $0x400, s5, s4, $0x38;
	[tilespmem:$0x1E000] =	vst v63  }
0xe4: {  	s30 =	simm.s32 $0x9000;
	s3 =	sld [smem:$0x7AC]  }
0xe5: {  	[tilespmem:s30], [sflag:$0x1] =	stream.strided.gather [hbm4b:s9+s4], $0x400, s5, s4, $0x38;
	[tilespmem:$0x1E000] =	vst v63  }
0xe6: {  	s7 =	simm.s32 $0x9400;
	s9 =	rddreg [dreg:$0x7]  }
0xe7: {  	[tilespmem:s7], [sflag:$0x1] =	stream.strided.gather [hbm4b:s3+s4], $0x400, s5, s4, $0x38;
	[tilespmem:$0x1E000] =	vst v63  }
0xe8: {  	s30 =	simm.s32 $0x1800;
	s3 =	sld [smem:$0x7AD]  }
0xe9: {  	[tilespmem:s30], [sflag:$0x1] =	stream.strided.gather [hbm4b:s9+s4], $0x400, s5, s4, $0x38;
	[tilespmem:$0x1E000] =	vst v63  }
0xea: {  	s7 =	simm.s32 $0x1C00;
	s9 =	sld [smem:$0x7AE]  }
0xeb: {  	[tilespmem:s7], [sflag:$0x1] =	stream.strided.gather [hbm4b:s3+s4], $0x400, s5, s4, $0x38;
	[tilespmem:$0x1E000] =	vst v63  }
0xec: {  	s30 =	simm.s32 $0x3800;
	s3 =	sld [smem:$0x7AF]  }
0xed: {  	[tilespmem:s30], [sflag:$0x1] =	stream.strided.gather [hbm4b:s9+s4], $0x400, s5, s4, $0x38;
	[tilespmem:$0x1E000] =	vst v63  }
0xee: {  	s7 =	simm.s32 $0x3C00;
	s9 =	sld [smem:$0x7B0]  }
0xef: {  	[tilespmem:s7], [sflag:$0x1] =	stream.strided.gather [hbm4b:s3+s4], $0x400, s5, s4, $0x38;
	[tilespmem:$0x1E000] =	vst v63  }
0xf0: {  	s30 =	simm.s32 $0x5800;
	s3 =	sld [smem:$0x7B1]  }
0xf1: {  	[tilespmem:s30], [sflag:$0x1] =	stream.strided.gather [hbm4b:s9+s4], $0x400, s5, s4, $0x38;
	[tilespmem:$0x1E000] =	vst v63  }
0xf2: {  	s7 =	simm.s32 $0x5C00;
	s9 =	sld [smem:$0x7B2]  }
0xf3: {  	[tilespmem:s7], [sflag:$0x1] =	stream.strided.gather [hbm4b:s3+s4], $0x400, s5, s4, $0x38;
	[tilespmem:$0x1E000] =	vst v63  }
0xf4: {  	s30 =	simm.s32 $0x7800;
	s3 =	sld [smem:$0x7B3]  }
0xf5: {  	[tilespmem:s30], [sflag:$0x1] =	stream.strided.gather [hbm4b:s9+s4], $0x400, s5, s4, $0x38;
	[tilespmem:$0x1E000] =	vst v63  }
0xf6: {  	s7 =	simm.s32 $0x7C00;
	s9 =	sld [smem:$0x7B4]  }
0xf7: {  	[tilespmem:s7], [sflag:$0x1] =	stream.strided.gather [hbm4b:s3+s4], $0x400, s5, s4, $0x38;
	[tilespmem:$0x1E000] =	vst v63  }
0xf8: {  	s30 =	simm.s32 $0x9800;
	s3 =	sld [smem:$0x7B5]  }
0xf9: {  	[tilespmem:s30], [sflag:$0x1] =	stream.strided.gather [hbm4b:s9+s4], $0x400, s5, s4, $0x38;
	[tilespmem:$0x1E000] =	vst v63  }
0xfa: {  	s1 =	sld [smem:$0x7B6];
	s7 =	simm.s32 $0x9C00  }
0xfb: {  	[tilespmem:s7], [sflag:$0x1] =	stream.strided.gather [hbm4b:s3+s4], $0x400, s5, s4, $0x38;
	[tilespmem:$0x1E000] =	vst v63  }
0xfc: {  	s9 =	rddreg [dreg:$0x8];
	s30 =	simm.s32 $0xA000  }
0xfd: {  	[tilespmem:s30], [sflag:$0x2] =	stream.strided.gather [hbm4b:s9+s4], $0x400, s5, s4, $0x38;
	[tilespmem:$0x1E000] =	vst v63  }
0xfe: {  	s3 =	sld [smem:$0x7B7];
	s9 =	simm.s32 $0xA400  }
0xff: {  	[tilespmem:s9], [sflag:$0x2] =	stream.strided.gather [hbm4b:s1+s4], $0x400, s5, s4, $0x38;
	[tilespmem:$0x1E000] =	vst v63  }
0x100: {  	s7 =	sld [smem:$0x7B8];
	s30 =	simm.s32 $0xC000  }
0x101: {  	[tilespmem:s30], [sflag:$0x2] =	stream.strided.gather [hbm4b:s3+s4], $0x400, s5, s4, $0x38;
	[tilespmem:$0x1E000] =	vst v63  }
0x102: {  	s1 =	simm.s32 $0xC400;
	s3 =	sld [smem:$0x7B9]  }
0x103: {  	[tilespmem:s1], [sflag:$0x2] =	stream.strided.gather [hbm4b:s7+s4], $0x400, s5, s4, $0x38;
	[tilespmem:$0x1E000] =	vst v63  }
0x104: {  	s10 =	sld [smem:$0x7BA];
	s7 =	simm.s32 $0xE000  }
0x105: {  	[tilespmem:s7], [sflag:$0x2] =	stream.strided.gather [hbm4b:s3+s4], $0x400, s5, s4, $0x38;
	[tilespmem:$0x1E000] =	vst v63  }
0x106: {  	s3 =	simm.s32 $0xE400  }
0x107: {  	[tilespmem:s3], [sflag:$0x2] =	stream.strided.gather [hbm4b:s10+s4], $0x400, s5, s4, $0x38;
	[tilespmem:$0x1E000] =	vst v63  }
0x108: {  	s10 =	sld [smem:$0x7BB];
	_ =	sdelay $0x1  }
0x109: {  	s3 =	simm.s32 $0x10000  }
0x10a: {  	[tilespmem:s3], [sflag:$0x2] =	stream.strided.gather [hbm4b:s10+s4], $0x400, s5, s4, $0x38;
	[tilespmem:$0x1E000] =	vst v63  }
0x10b: {  	s10 =	sld [smem:$0x7BC];
	_ =	sdelay $0x1  }
0x10c: {  	s3 =	simm.s32 $0x10400  }
0x10d: {  	[tilespmem:s3], [sflag:$0x2] =	stream.strided.gather [hbm4b:s10+s4], $0x400, s5, s4, $0x38;
	[tilespmem:$0x1E000] =	vst v63  }
0x10e: {  	s10 =	sld [smem:$0x7BD];
	_ =	sdelay $0x1  }
0x10f: {  	s3 =	simm.s32 $0x12000  }
0x110: {  	[tilespmem:s3], [sflag:$0x2] =	stream.strided.gather [hbm4b:s10+s4], $0x400, s5, s4, $0x38;
	[tilespmem:$0x1E000] =	vst v63  }
0x111: {  	s10 =	sld [smem:$0x7BE];
	_ =	sdelay $0x1  }
0x112: {  	s3 =	simm.s32 $0x12400  }
0x113: {  	[tilespmem:s3], [sflag:$0x2] =	stream.strided.gather [hbm4b:s10+s4], $0x400, s5, s4, $0x38;
	[tilespmem:$0x1E000] =	vst v63  }
0x114: {  	s10 =	rddreg [dreg:$0x9];
	s3 =	simm.s32 $0xA800  }
0x115: {  	[tilespmem:s3], [sflag:$0x2] =	stream.strided.gather [hbm4b:s10+s4], $0x400, s5, s4, $0x38;
	[tilespmem:$0x1E000] =	vst v63  }
0x116: {  	s10 =	sld [smem:$0x7BF];
	_ =	sdelay $0x1  }
0x117: {  	s3 =	simm.s32 $0xAC00  }
0x118: {  	[tilespmem:s3], [sflag:$0x2] =	stream.strided.gather [hbm4b:s10+s4], $0x400, s5, s4, $0x38;
	[tilespmem:$0x1E000] =	vst v63  }
0x119: {  	s10 =	sld [smem:$0x7C0];
	_ =	sdelay $0x1  }
0x11a: {  	s3 =	simm.s32 $0xC800  }
0x11b: {  	[tilespmem:s3], [sflag:$0x2] =	stream.strided.gather [hbm4b:s10+s4], $0x400, s5, s4, $0x38;
	[tilespmem:$0x1E000] =	vst v63  }
0x11c: {  	s10 =	sld [smem:$0x7C1];
	_ =	sdelay $0x1  }
0x11d: {  	s3 =	simm.s32 $0xCC00  }
0x11e: {  	[tilespmem:s3], [sflag:$0x2] =	stream.strided.gather [hbm4b:s10+s4], $0x400, s5, s4, $0x38;
	[tilespmem:$0x1E000] =	vst v63  }
0x11f: {  	s10 =	sld [smem:$0x7C2];
	_ =	sdelay $0x1  }
0x120: {  	s3 =	simm.s32 $0xE800  }
0x121: {  	[tilespmem:s3], [sflag:$0x2] =	stream.strided.gather [hbm4b:s10+s4], $0x400, s5, s4, $0x38;
	[tilespmem:$0x1E000] =	vst v63  }
0x122: {  	s10 =	sld [smem:$0x7C3];
	_ =	sdelay $0x1  }
0x123: {  	s3 =	simm.s32 $0xEC00  }
0x124: {  	[tilespmem:s3], [sflag:$0x2] =	stream.strided.gather [hbm4b:s10+s4], $0x400, s5, s4, $0x38;
	[tilespmem:$0x1E000] =	vst v63  }
0x125: {  	s10 =	sld [smem:$0x7C4];
	_ =	sdelay $0x1  }
0x126: {  	s3 =	simm.s32 $0x10800  }
0x127: {  	[tilespmem:s3], [sflag:$0x2] =	stream.strided.gather [hbm4b:s10+s4], $0x400, s5, s4, $0x38;
	[tilespmem:$0x1E000] =	vst v63  }
0x128: {  	s10 =	sld [smem:$0x7C5];
	_ =	sdelay $0x1  }
0x129: {  	s3 =	simm.s32 $0x10C00  }
0x12a: {  	[tilespmem:s3], [sflag:$0x2] =	stream.strided.gather [hbm4b:s10+s4], $0x400, s5, s4, $0x38;
	[tilespmem:$0x1E000] =	vst v63  }
0x12b: {  	s10 =	sld [smem:$0x7C6];
	_ =	sdelay $0x1  }
0x12c: {  	s3 =	simm.s32 $0x12800  }
0x12d: {  	[tilespmem:s3], [sflag:$0x2] =	stream.strided.gather [hbm4b:s10+s4], $0x400, s5, s4, $0x38;
	[tilespmem:$0x1E000] =	vst v63  }
0x12e: {  	s10 =	sld [smem:$0x7C7];
	_ =	sdelay $0x1  }
0x12f: {  	s3 =	simm.s32 $0x12C00  }
0x130: {  	[tilespmem:s3], [sflag:$0x2] =	stream.strided.gather [hbm4b:s10+s4], $0x400, s5, s4, $0x38;
	[tilespmem:$0x1E000] =	vst v63  }
0x131: {  	s10 =	rddreg [dreg:$0xa];
	s3 =	simm.s32 $0xB000  }
0x132: {  	[tilespmem:s3], [sflag:$0x2] =	stream.strided.gather [hbm4b:s10+s4], $0x400, s5, s4, $0x38;
	[tilespmem:$0x1E000] =	vst v63  }
0x133: {  	s10 =	sld [smem:$0x7C8];
	_ =	sdelay $0x1  }
0x134: {  	s3 =	simm.s32 $0xB400  }
0x135: {  	[tilespmem:s3], [sflag:$0x2] =	stream.strided.gather [hbm4b:s10+s4], $0x400, s5, s4, $0x38;
	[tilespmem:$0x1E000] =	vst v63  }
0x136: {  	s10 =	sld [smem:$0x7C9];
	_ =	sdelay $0x1  }
0x137: {  	s3 =	simm.s32 $0xD000  }
0x138: {  	[tilespmem:s3], [sflag:$0x2] =	stream.strided.gather [hbm4b:s10+s4], $0x400, s5, s4, $0x38;
	[tilespmem:$0x1E000] =	vst v63  }
0x139: {  	s10 =	sld [smem:$0x7CA];
	_ =	sdelay $0x1  }
0x13a: {  	s3 =	simm.s32 $0xD400  }
0x13b: {  	[tilespmem:s3], [sflag:$0x2] =	stream.strided.gather [hbm4b:s10+s4], $0x400, s5, s4, $0x38;
	[tilespmem:$0x1E000] =	vst v63  }
0x13c: {  	s10 =	sld [smem:$0x7CB];
	_ =	sdelay $0x1  }
0x13d: {  	s3 =	simm.s32 $0xF000  }
0x13e: {  	[tilespmem:s3], [sflag:$0x2] =	stream.strided.gather [hbm4b:s10+s4], $0x400, s5, s4, $0x38;
	[tilespmem:$0x1E000] =	vst v63  }
0x13f: {  	s10 =	sld [smem:$0x7CC];
	_ =	sdelay $0x1  }
0x140: {  	s3 =	simm.s32 $0xF400  }
0x141: {  	[tilespmem:s3], [sflag:$0x2] =	stream.strided.gather [hbm4b:s10+s4], $0x400, s5, s4, $0x38;
	[tilespmem:$0x1E000] =	vst v63  }
0x142: {  	s10 =	sld [smem:$0x7CD];
	_ =	sdelay $0x1  }
0x143: {  	s3 =	simm.s32 $0x11000  }
0x144: {  	[tilespmem:s3], [sflag:$0x2] =	stream.strided.gather [hbm4b:s10+s4], $0x400, s5, s4, $0x38;
	[tilespmem:$0x1E000] =	vst v63  }
0x145: {  	s10 =	sld [smem:$0x7CE];
	_ =	sdelay $0x1  }
0x146: {  	s3 =	simm.s32 $0x11400  }
0x147: {  	[tilespmem:s3], [sflag:$0x2] =	stream.strided.gather [hbm4b:s10+s4], $0x400, s5, s4, $0x38;
	[tilespmem:$0x1E000] =	vst v63  }
0x148: {  	s10 =	sld [smem:$0x7CF];
	_ =	sdelay $0x1  }
0x149: {  	s3 =	simm.s32 $0x13000  }
0x14a: {  	[tilespmem:s3], [sflag:$0x2] =	stream.strided.gather [hbm4b:s10+s4], $0x400, s5, s4, $0x38;
	[tilespmem:$0x1E000] =	vst v63  }
0x14b: {  	s10 =	sld [smem:$0x7D0];
	_ =	sdelay $0x1  }
0x14c: {  	s3 =	simm.s32 $0x13400  }
0x14d: {  	[tilespmem:s3], [sflag:$0x2] =	stream.strided.gather [hbm4b:s10+s4], $0x400, s5, s4, $0x38;
	[tilespmem:$0x1E000] =	vst v63  }
0x14e: {  	s10 =	rddreg [dreg:$0xb];
	s3 =	simm.s32 $0xB800  }
0x14f: {  	[tilespmem:s3], [sflag:$0x2] =	stream.strided.gather [hbm4b:s10+s4], $0x400, s5, s4, $0x38;
	[tilespmem:$0x1E000] =	vst v63  }
0x150: {  	s10 =	sld [smem:$0x7D1];
	_ =	sdelay $0x1  }
0x151: {  	s3 =	simm.s32 $0xBC00  }
0x152: {  	[tilespmem:s3], [sflag:$0x2] =	stream.strided.gather [hbm4b:s10+s4], $0x400, s5, s4, $0x38;
	[tilespmem:$0x1E000] =	vst v63  }
0x153: {  	s10 =	sld [smem:$0x7D2];
	_ =	sdelay $0x1  }
0x154: {  	s3 =	simm.s32 $0xD800  }
0x155: {  	[tilespmem:s3], [sflag:$0x2] =	stream.strided.gather [hbm4b:s10+s4], $0x400, s5, s4, $0x38;
	[tilespmem:$0x1E000] =	vst v63  }
0x156: {  	s10 =	sld [smem:$0x7D3];
	_ =	sdelay $0x1  }
0x157: {  	s3 =	simm.s32 $0xDC00  }
0x158: {  	[tilespmem:s3], [sflag:$0x2] =	stream.strided.gather [hbm4b:s10+s4], $0x400, s5, s4, $0x38;
	[tilespmem:$0x1E000] =	vst v63  }
0x159: {  	s10 =	sld [smem:$0x7D4];
	_ =	sdelay $0x1  }
0x15a: {  	s3 =	simm.s32 $0xF800  }
0x15b: {  	[tilespmem:s3], [sflag:$0x2] =	stream.strided.gather [hbm4b:s10+s4], $0x400, s5, s4, $0x38;
	[tilespmem:$0x1E000] =	vst v63  }
0x15c: {  	s10 =	sld [smem:$0x7D5];
	_ =	sdelay $0x1  }
0x15d: {  	s3 =	simm.s32 $0xFC00  }
0x15e: {  	[tilespmem:s3], [sflag:$0x2] =	stream.strided.gather [hbm4b:s10+s4], $0x400, s5, s4, $0x38;
	[tilespmem:$0x1E000] =	vst v63  }
0x15f: {  	s10 =	sld [smem:$0x7D6];
	_ =	sdelay $0x1  }
0x160: {  	s3 =	simm.s32 $0x11800  }
0x161: {  	[tilespmem:s3], [sflag:$0x2] =	stream.strided.gather [hbm4b:s10+s4], $0x400, s5, s4, $0x38;
	[tilespmem:$0x1E000] =	vst v63  }
0x162: {  	s10 =	sld [smem:$0x7D7];
	_ =	sdelay $0x1  }
0x163: {  	s3 =	simm.s32 $0x11C00  }
0x164: {  	[tilespmem:s3], [sflag:$0x2] =	stream.strided.gather [hbm4b:s10+s4], $0x400, s5, s4, $0x38;
	[tilespmem:$0x1E000] =	vst v63  }
0x165: {  	s10 =	sld [smem:$0x7D8];
	_ =	sdelay $0x1  }
0x166: {  	s3 =	simm.s32 $0x13800  }
0x167: {  	[tilespmem:s3], [sflag:$0x2] =	stream.strided.gather [hbm4b:s10+s4], $0x400, s5, s4, $0x38;
	[tilespmem:$0x1E000] =	vst v63  }
0x168: {  	s10 =	sld [smem:$0x7D9];
	_ =	sdelay $0x1  }
0x169: {  	s3 =	simm.s32 $0x13C00  }
0x16a: {  	[tilespmem:s3], [sflag:$0x2] =	stream.strided.gather [hbm4b:s10+s4], $0x400, s5, s4, $0x38;
	[tilespmem:$0x1E000] =	vst v63  }
0x16b: {  	s10 =	rddreg [dreg:$0xc];
	s3 =	simm.s32 $0x14000  }
0x16c: {  	[tilespmem:s3], [sflag:$0x3] =	stream.strided.gather [hbm4b:s10+s4], $0x400, s5, s4, $0x38;
	[tilespmem:$0x1E000] =	vst v63  }
0x16d: {  	s10 =	sld [smem:$0x7DA];
	_ =	sdelay $0x1  }
0x16e: {  	s3 =	simm.s32 $0x14400  }
0x16f: {  	[tilespmem:s3], [sflag:$0x3] =	stream.strided.gather [hbm4b:s10+s4], $0x400, s5, s4, $0x38;
	[tilespmem:$0x1E000] =	vst v63  }
0x170: {  	s10 =	sld [smem:$0x7DB];
	_ =	sdelay $0x1  }
0x171: {  	s3 =	simm.s32 $0x16000  }
0x172: {  	[tilespmem:s3], [sflag:$0x3] =	stream.strided.gather [hbm4b:s10+s4], $0x400, s5, s4, $0x38;
	[tilespmem:$0x1E000] =	vst v63  }
0x173: {  	s10 =	sld [smem:$0x7DC];
	_ =	sdelay $0x1  }
0x174: {  	s3 =	simm.s32 $0x16400  }
0x175: {  	[tilespmem:s3], [sflag:$0x3] =	stream.strided.gather [hbm4b:s10+s4], $0x400, s5, s4, $0x38;
	[tilespmem:$0x1E000] =	vst v63  }
0x176: {  	s10 =	sld [smem:$0x7DD];
	_ =	sdelay $0x1  }
0x177: {  	s3 =	simm.s32 $0x18000  }
0x178: {  	[tilespmem:s3], [sflag:$0x3] =	stream.strided.gather [hbm4b:s10+s4], $0x400, s5, s4, $0x38;
	[tilespmem:$0x1E000] =	vst v63  }
0x179: {  	s10 =	sld [smem:$0x7DE];
	_ =	sdelay $0x1  }
0x17a: {  	s3 =	simm.s32 $0x18400  }
0x17b: {  	[tilespmem:s3], [sflag:$0x3] =	stream.strided.gather [hbm4b:s10+s4], $0x400, s5, s4, $0x38;
	[tilespmem:$0x1E000] =	vst v63  }
0x17c: {  	s10 =	sld [smem:$0x7DF];
	_ =	sdelay $0x1  }
0x17d: {  	s3 =	simm.s32 $0x1A000  }
0x17e: {  	[tilespmem:s3], [sflag:$0x3] =	stream.strided.gather [hbm4b:s10+s4], $0x400, s5, s4, $0x38;
	[tilespmem:$0x1E000] =	vst v63  }
0x17f: {  	s10 =	sld [smem:$0x7E0];
	_ =	sdelay $0x1  }
0x180: {  	s3 =	simm.s32 $0x1A400  }
0x181: {  	[tilespmem:s3], [sflag:$0x3] =	stream.strided.gather [hbm4b:s10+s4], $0x400, s5, s4, $0x38;
	[tilespmem:$0x1E000] =	vst v63  }
0x182: {  	s10 =	sld [smem:$0x7E1];
	_ =	sdelay $0x1  }
0x183: {  	s3 =	simm.s32 $0x1C000  }
0x184: {  	[tilespmem:s3], [sflag:$0x3] =	stream.strided.gather [hbm4b:s10+s4], $0x400, s5, s4, $0x38;
	[tilespmem:$0x1E000] =	vst v63  }
0x185: {  	s10 =	sld [smem:$0x7E2];
	_ =	sdelay $0x1  }
0x186: {  	s3 =	simm.s32 $0x1C400  }
0x187: {  	[tilespmem:s3], [sflag:$0x3] =	stream.strided.gather [hbm4b:s10+s4], $0x400, s5, s4, $0x38;
	[tilespmem:$0x1E000] =	vst v63  }
0x188: {  	s10 =	rddreg [dreg:$0xd];
	s3 =	simm.s32 $0x14800  }
0x189: {  	[tilespmem:s3], [sflag:$0x3] =	stream.strided.gather [hbm4b:s10+s4], $0x400, s5, s4, $0x38;
	[tilespmem:$0x1E000] =	vst v63  }
0x18a: {  	s10 =	sld [smem:$0x7E3];
	_ =	sdelay $0x1  }
0x18b: {  	s3 =	simm.s32 $0x14C00  }
0x18c: {  	[tilespmem:s3], [sflag:$0x3] =	stream.strided.gather [hbm4b:s10+s4], $0x400, s5, s4, $0x38;
	[tilespmem:$0x1E000] =	vst v63  }
0x18d: {  	s10 =	sld [smem:$0x7E4];
	_ =	sdelay $0x1  }
0x18e: {  	s3 =	simm.s32 $0x16800  }
0x18f: {  	[tilespmem:s3], [sflag:$0x3] =	stream.strided.gather [hbm4b:s10+s4], $0x400, s5, s4, $0x38;
	[tilespmem:$0x1E000] =	vst v63  }
0x190: {  	s10 =	sld [smem:$0x7E5];
	_ =	sdelay $0x1  }
0x191: {  	s3 =	simm.s32 $0x16C00  }
0x192: {  	[tilespmem:s3], [sflag:$0x3] =	stream.strided.gather [hbm4b:s10+s4], $0x400, s5, s4, $0x38;
	[tilespmem:$0x1E000] =	vst v63  }
0x193: {  	s10 =	sld [smem:$0x7E6];
	_ =	sdelay $0x1  }
0x194: {  	s3 =	simm.s32 $0x18800  }
0x195: {  	[tilespmem:s3], [sflag:$0x3] =	stream.strided.gather [hbm4b:s10+s4], $0x400, s5, s4, $0x38;
	[tilespmem:$0x1E000] =	vst v63  }
0x196: {  	s10 =	sld [smem:$0x7E7];
	_ =	sdelay $0x1  }
0x197: {  	s3 =	simm.s32 $0x18C00  }
0x198: {  	[tilespmem:s3], [sflag:$0x3] =	stream.strided.gather [hbm4b:s10+s4], $0x400, s5, s4, $0x38;
	[tilespmem:$0x1E000] =	vst v63  }
0x199: {  	s10 =	sld [smem:$0x7E8];
	_ =	sdelay $0x1  }
0x19a: {  	s3 =	simm.s32 $0x1A800  }
0x19b: {  	[tilespmem:s3], [sflag:$0x3] =	stream.strided.gather [hbm4b:s10+s4], $0x400, s5, s4, $0x38;
	[tilespmem:$0x1E000] =	vst v63  }
0x19c: {  	s10 =	sld [smem:$0x7E9];
	_ =	sdelay $0x1  }
0x19d: {  	s3 =	simm.s32 $0x1AC00  }
0x19e: {  	[tilespmem:s3], [sflag:$0x3] =	stream.strided.gather [hbm4b:s10+s4], $0x400, s5, s4, $0x38;
	[tilespmem:$0x1E000] =	vst v63  }
0x19f: {  	s10 =	sld [smem:$0x7EA];
	_ =	sdelay $0x1  }
0x1a0: {  	s3 =	simm.s32 $0x1C800  }
0x1a1: {  	[tilespmem:s3], [sflag:$0x3] =	stream.strided.gather [hbm4b:s10+s4], $0x400, s5, s4, $0x38;
	[tilespmem:$0x1E000] =	vst v63  }
0x1a2: {  	s10 =	sld [smem:$0x7EB];
	_ =	sdelay $0x1  }
0x1a3: {  	s3 =	simm.s32 $0x1CC00  }
0x1a4: {  	[tilespmem:s3], [sflag:$0x3] =	stream.strided.gather [hbm4b:s10+s4], $0x400, s5, s4, $0x38;
	[tilespmem:$0x1E000] =	vst v63  }
0x1a5: {  	s10 =	rddreg [dreg:$0xe];
	s3 =	simm.s32 $0x15000  }
0x1a6: {  	[tilespmem:s3], [sflag:$0x3] =	stream.strided.gather [hbm4b:s10+s4], $0x400, s5, s4, $0x38;
	[tilespmem:$0x1E000] =	vst v63  }
0x1a7: {  	s10 =	sld [smem:$0x7EC];
	_ =	sdelay $0x1  }
0x1a8: {  	s3 =	simm.s32 $0x15400  }
0x1a9: {  	[tilespmem:s3], [sflag:$0x3] =	stream.strided.gather [hbm4b:s10+s4], $0x400, s5, s4, $0x38;
	[tilespmem:$0x1E000] =	vst v63  }
0x1aa: {  	s10 =	sld [smem:$0x7ED];
	_ =	sdelay $0x1  }
0x1ab: {  	s3 =	simm.s32 $0x17000  }
0x1ac: {  	[tilespmem:s3], [sflag:$0x3] =	stream.strided.gather [hbm4b:s10+s4], $0x400, s5, s4, $0x38;
	[tilespmem:$0x1E000] =	vst v63  }
0x1ad: {  	s10 =	sld [smem:$0x7EE];
	_ =	sdelay $0x1  }
0x1ae: {  	s3 =	simm.s32 $0x17400  }
0x1af: {  	[tilespmem:s3], [sflag:$0x3] =	stream.strided.gather [hbm4b:s10+s4], $0x400, s5, s4, $0x38;
	[tilespmem:$0x1E000] =	vst v63  }
0x1b0: {  	s10 =	sld [smem:$0x7EF];
	_ =	sdelay $0x1  }
0x1b1: {  	s3 =	simm.s32 $0x19000  }
0x1b2: {  	[tilespmem:s3], [sflag:$0x3] =	stream.strided.gather [hbm4b:s10+s4], $0x400, s5, s4, $0x38;
	[tilespmem:$0x1E000] =	vst v63  }
0x1b3: {  	s10 =	sld [smem:$0x7F0];
	_ =	sdelay $0x1  }
0x1b4: {  	s3 =	simm.s32 $0x19400  }
0x1b5: {  	[tilespmem:s3], [sflag:$0x3] =	stream.strided.gather [hbm4b:s10+s4], $0x400, s5, s4, $0x38;
	[tilespmem:$0x1E000] =	vst v63  }
0x1b6: {  	s10 =	sld [smem:$0x7F1];
	_ =	sdelay $0x1  }
0x1b7: {  	s3 =	simm.s32 $0x1B000  }
0x1b8: {  	[tilespmem:s3], [sflag:$0x3] =	stream.strided.gather [hbm4b:s10+s4], $0x400, s5, s4, $0x38;
	[tilespmem:$0x1E000] =	vst v63  }
0x1b9: {  	s10 =	sld [smem:$0x7F2];
	_ =	sdelay $0x1  }
0x1ba: {  	s3 =	simm.s32 $0x1B400  }
0x1bb: {  	[tilespmem:s3], [sflag:$0x3] =	stream.strided.gather [hbm4b:s10+s4], $0x400, s5, s4, $0x38;
	[tilespmem:$0x1E000] =	vst v63  }
0x1bc: {  	s10 =	sld [smem:$0x7F3];
	_ =	sdelay $0x1  }
0x1bd: {  	s3 =	simm.s32 $0x1D000  }
0x1be: {  	[tilespmem:s3], [sflag:$0x3] =	stream.strided.gather [hbm4b:s10+s4], $0x400, s5, s4, $0x38;
	[tilespmem:$0x1E000] =	vst v63  }
0x1bf: {  	s10 =	sld [smem:$0x7F4];
	_ =	sdelay $0x1  }
0x1c0: {  	s3 =	simm.s32 $0x1D400  }
0x1c1: {  	[tilespmem:s3], [sflag:$0x3] =	stream.strided.gather [hbm4b:s10+s4], $0x400, s5, s4, $0x38;
	[tilespmem:$0x1E000] =	vst v63  }
0x1c2: {  	s10 =	rddreg [dreg:$0xf];
	s3 =	simm.s32 $0x15800  }
0x1c3: {  	[tilespmem:s3], [sflag:$0x3] =	stream.strided.gather [hbm4b:s10+s4], $0x400, s5, s4, $0x38;
	[tilespmem:$0x1E000] =	vst v63  }
0x1c4: {  	s10 =	sld [smem:$0x7F5];
	_ =	sdelay $0x1  }
0x1c5: {  	s3 =	simm.s32 $0x15C00  }
0x1c6: {  	[tilespmem:s3], [sflag:$0x3] =	stream.strided.gather [hbm4b:s10+s4], $0x400, s5, s4, $0x38;
	[tilespmem:$0x1E000] =	vst v63  }
0x1c7: {  	s10 =	sld [smem:$0x7F6];
	_ =	sdelay $0x1  }
0x1c8: {  	s3 =	simm.s32 $0x17800  }
0x1c9: {  	[tilespmem:s3], [sflag:$0x3] =	stream.strided.gather [hbm4b:s10+s4], $0x400, s5, s4, $0x38;
	[tilespmem:$0x1E000] =	vst v63  }
0x1ca: {  	s10 =	sld [smem:$0x7F7];
	_ =	sdelay $0x1  }
0x1cb: {  	s3 =	simm.s32 $0x17C00  }
0x1cc: {  	[tilespmem:s3], [sflag:$0x3] =	stream.strided.gather [hbm4b:s10+s4], $0x400, s5, s4, $0x38;
	[tilespmem:$0x1E000] =	vst v63  }
0x1cd: {  	s10 =	sld [smem:$0x7F8];
	_ =	sdelay $0x1  }
0x1ce: {  	s3 =	simm.s32 $0x19800  }
0x1cf: {  	[tilespmem:s3], [sflag:$0x3] =	stream.strided.gather [hbm4b:s10+s4], $0x400, s5, s4, $0x38;
	[tilespmem:$0x1E000] =	vst v63  }
0x1d0: {  	s10 =	sld [smem:$0x7F9];
	_ =	sdelay $0x1  }
0x1d1: {  	s3 =	simm.s32 $0x19C00  }
0x1d2: {  	[tilespmem:s3], [sflag:$0x3] =	stream.strided.gather [hbm4b:s10+s4], $0x400, s5, s4, $0x38;
	[tilespmem:$0x1E000] =	vst v63  }
0x1d3: {  	s10 =	sld [smem:$0x7FA];
	_ =	sdelay $0x1  }
0x1d4: {  	s3 =	simm.s32 $0x1B800  }
0x1d5: {  	[tilespmem:s3], [sflag:$0x3] =	stream.strided.gather [hbm4b:s10+s4], $0x400, s5, s4, $0x38;
	[tilespmem:$0x1E000] =	vst v63  }
0x1d6: {  	s10 =	sld [smem:$0x7FB];
	_ =	sdelay $0x1  }
0x1d7: {  	s3 =	simm.s32 $0x1BC00  }
0x1d8: {  	[tilespmem:s3], [sflag:$0x3] =	stream.strided.gather [hbm4b:s10+s4], $0x400, s5, s4, $0x38;
	[tilespmem:$0x1E000] =	vst v63  }
0x1d9: {  	s10 =	sld [smem:$0x7FC];
	_ =	sdelay $0x1  }
0x1da: {  	s3 =	simm.s32 $0x1D800  }
0x1db: {  	[tilespmem:s3], [sflag:$0x3] =	stream.strided.gather [hbm4b:s10+s4], $0x400, s5, s4, $0x38;
	[tilespmem:$0x1E000] =	vst v63  }
0x1dc: {  	s10 =	sld [smem:$0x7FD];
	_ =	sdelay $0x1  }
0x1dd: {  	s3 =	simm.s32 $0x1DC00  }
0x1de: {  	[tilespmem:s3], [sflag:$0x3] =	stream.strided.gather [hbm4b:s10+s4], $0x400, s5, s4, $0x38;
	[tilespmem:$0x1E000] =	vst v63  }
0x1df: {  	_ =	swait.ge [sflag:s11], $0x2800  }
0x1e0: {  	[sflag:s11] =	ssyncset.done $0x0  }
0x1e1: {  	[sflag:s11] =	ssyncadd.s32 $0xFFFFD800  }
0x1e2: {  	_ =	swait.ge [sflag:s11], $0x2800  }
0x1e3: {  	[sflag:s11] =	ssyncset.done $0x0  }
0x1e4: {  	[sflag:s11] =	ssyncadd.s32 $0xFFFFD800  }
0x1e5: {  	_ =	swait.ge [sflag:s11], $0x2800  }
0x1e6: {  	[sflag:s11] =	ssyncset.done $0x0  }
0x1e7: {  	[sflag:s11] =	ssyncadd.s32 $0xFFFFD800  }
0x1e8: {  	_ =	swait.ge [sflag:s11], $0x2800  }
0x1e9: {  	[sflag:s11] =	ssyncset.done $0x0  }
0x1ea: {  	s3 =	rddreg [dreg:$0x10];
	[sflag:s11] =	ssyncadd.s32 $0xFFFFD800  }
0x1eb: {  	[hbm4b:s3+s0] =	stream.linear.scatter [tilespmem:s0], [sflag:$0x4], $0xA000, $0x38;
	[tilespmem:$0x1E000] =	vst v63  }
0x1ec: {  	_ =	swait.ge [sflag:s12], $0xA000  }
0x1ed: {  	[sflag:s12] =	ssyncset.done $0x0  }
0x1ee: {  	[sflag:s12] =	ssyncadd.s32 $0xFFFF6000  }
0x1ef: {  	[tilespmem:s0], [sflag:$0x1] =	stream.strided.gather [hbm4b:s13+s4], $0x400, s5, s4, $0x38;
	[tilespmem:$0x1E000] =	vst v63  }
0x1f0: {  	s2 =	simm.s32 $0x400;
	s3 =	sadd.s32 $0x80, s13  }
0x1f1: {  	[tilespmem:s2], [sflag:$0x1] =	stream.strided.gather [hbm4b:s3+s4], $0x400, s5, s4, $0x38;
	[tilespmem:$0x1E000] =	vst v63  }
0x1f2: {  	s2 =	sadd.s32 $0x1000, s13;
	s3 =	simm.s32 $0x2000  }
0x1f3: {  	[tilespmem:s3], [sflag:$0x1] =	stream.strided.gather [hbm4b:s2+s4], $0x400, s5, s4, $0x38;
	[tilespmem:$0x1E000] =	vst v63  }
0x1f4: {  	s2 =	sadd.s32 $0x1080, s13;
	s3 =	simm.s32 $0x2400  }
0x1f5: {  	[tilespmem:s3], [sflag:$0x1] =	stream.strided.gather [hbm4b:s2+s4], $0x400, s5, s4, $0x38;
	[tilespmem:$0x1E000] =	vst v63  }
0x1f6: {  	s2 =	sadd.s32 $0x2000, s13;
	s3 =	simm.s32 $0x4000  }
0x1f7: {  	[tilespmem:s3], [sflag:$0x1] =	stream.strided.gather [hbm4b:s2+s4], $0x400, s5, s4, $0x38;
	[tilespmem:$0x1E000] =	vst v63  }
0x1f8: {  	s2 =	sadd.s32 $0x2080, s13;
	s3 =	simm.s32 $0x4400  }
0x1f9: {  	[tilespmem:s3], [sflag:$0x1] =	stream.strided.gather [hbm4b:s2+s4], $0x400, s5, s4, $0x38;
	[tilespmem:$0x1E000] =	vst v63  }
0x1fa: {  	s2 =	sadd.s32 $0x3000, s13;
	s3 =	simm.s32 $0x6000  }
0x1fb: {  	[tilespmem:s3], [sflag:$0x1] =	stream.strided.gather [hbm4b:s2+s4], $0x400, s5, s4, $0x38;
	[tilespmem:$0x1E000] =	vst v63  }
0x1fc: {  	s2 =	sadd.s32 $0x3080, s13;
	s3 =	simm.s32 $0x6400  }
0x1fd: {  	[tilespmem:s3], [sflag:$0x1] =	stream.strided.gather [hbm4b:s2+s4], $0x400, s5, s4, $0x38;
	[tilespmem:$0x1E000] =	vst v63  }
0x1fe: {  	s2 =	sadd.s32 $0x4000, s13;
	s3 =	simm.s32 $0x8000  }
0x1ff: {  	[tilespmem:s3], [sflag:$0x1] =	stream.strided.gather [hbm4b:s2+s4], $0x400, s5, s4, $0x38;
	[tilespmem:$0x1E000] =	vst v63  }
0x200: {  	s2 =	sadd.s32 $0x4080, s13;
	s3 =	simm.s32 $0x8400  }
0x201: {  	[tilespmem:s3], [sflag:$0x1] =	stream.strided.gather [hbm4b:s2+s4], $0x400, s5, s4, $0x38;
	[tilespmem:$0x1E000] =	vst v63  }
0x202: {  	s10 =	simm.s32 $0x800  }
0x203: {  	[tilespmem:s10], [sflag:$0x1] =	stream.strided.gather [hbm4b:s14+s4], $0x400, s5, s4, $0x38;
	[tilespmem:$0x1E000] =	vst v63  }
0x204: {  	s2 =	sadd.s32 $0x80, s14;
	s3 =	simm.s32 $0xC00  }
0x205: {  	[tilespmem:s3], [sflag:$0x1] =	stream.strided.gather [hbm4b:s2+s4], $0x400, s5, s4, $0x38;
	[tilespmem:$0x1E000] =	vst v63  }
0x206: {  	s2 =	sadd.s32 $0x1000, s14;
	s3 =	simm.s32 $0x2800  }
0x207: {  	[tilespmem:s3], [sflag:$0x1] =	stream.strided.gather [hbm4b:s2+s4], $0x400, s5, s4, $0x38;
	[tilespmem:$0x1E000] =	vst v63  }
0x208: {  	s2 =	sadd.s32 $0x1080, s14;
	s3 =	simm.s32 $0x2C00  }
0x209: {  	[tilespmem:s3], [sflag:$0x1] =	stream.strided.gather [hbm4b:s2+s4], $0x400, s5, s4, $0x38;
	[tilespmem:$0x1E000] =	vst v63  }
0x20a: {  	s2 =	sadd.s32 $0x2000, s14;
	s3 =	simm.s32 $0x4800  }
0x20b: {  	[tilespmem:s3], [sflag:$0x1] =	stream.strided.gather [hbm4b:s2+s4], $0x400, s5, s4, $0x38;
	[tilespmem:$0x1E000] =	vst v63  }
0x20c: {  	s2 =	sadd.s32 $0x2080, s14;
	s3 =	simm.s32 $0x4C00  }
0x20d: {  	[tilespmem:s3], [sflag:$0x1] =	stream.strided.gather [hbm4b:s2+s4], $0x400, s5, s4, $0x38;
	[tilespmem:$0x1E000] =	vst v63  }
0x20e: {  	s2 =	sadd.s32 $0x3000, s14;
	s3 =	simm.s32 $0x6800  }
0x20f: {  	[tilespmem:s3], [sflag:$0x1] =	stream.strided.gather [hbm4b:s2+s4], $0x400, s5, s4, $0x38;
	[tilespmem:$0x1E000] =	vst v63  }
0x210: {  	s2 =	sadd.s32 $0x3080, s14;
	s3 =	simm.s32 $0x6C00  }
0x211: {  	[tilespmem:s3], [sflag:$0x1] =	stream.strided.gather [hbm4b:s2+s4], $0x400, s5, s4, $0x38;
	[tilespmem:$0x1E000] =	vst v63  }
0x212: {  	s2 =	sadd.s32 $0x4000, s14;
	s3 =	simm.s32 $0x8800  }
0x213: {  	[tilespmem:s3], [sflag:$0x1] =	stream.strided.gather [hbm4b:s2+s4], $0x400, s5, s4, $0x38;
	[tilespmem:$0x1E000] =	vst v63  }
0x214: {  	s2 =	sadd.s32 $0x4080, s14;
	s3 =	simm.s32 $0x8C00  }
0x215: {  	[tilespmem:s3], [sflag:$0x1] =	stream.strided.gather [hbm4b:s2+s4], $0x400, s5, s4, $0x38;
	[tilespmem:$0x1E000] =	vst v63  }
0x216: {  	_ = 	snop  }
0x217: {  	[tilespmem:s5], [sflag:$0x1] =	stream.strided.gather [hbm4b:s15+s4], $0x400, s5, s4, $0x38;
	[tilespmem:$0x1E000] =	vst v63  }
0x218: {  	s2 =	sadd.s32 $0x80, s15;
	s3 =	simm.s32 $0x1400  }
0x219: {  	[tilespmem:s3], [sflag:$0x1] =	stream.strided.gather [hbm4b:s2+s4], $0x400, s5, s4, $0x38;
	[tilespmem:$0x1E000] =	vst v63  }
0x21a: {  	s2 =	sadd.s32 $0x1000, s15;
	s3 =	simm.s32 $0x3000  }
0x21b: {  	[tilespmem:s3], [sflag:$0x1] =	stream.strided.gather [hbm4b:s2+s4], $0x400, s5, s4, $0x38;
	[tilespmem:$0x1E000] =	vst v63  }
0x21c: {  	s2 =	sadd.s32 $0x1080, s15;
	s3 =	simm.s32 $0x3400  }
0x21d: {  	[tilespmem:s3], [sflag:$0x1] =	stream.strided.gather [hbm4b:s2+s4], $0x400, s5, s4, $0x38;
	[tilespmem:$0x1E000] =	vst v63  }
0x21e: {  	s2 =	sadd.s32 $0x2000, s15;
	s3 =	simm.s32 $0x5000  }
0x21f: {  	[tilespmem:s3], [sflag:$0x1] =	stream.strided.gather [hbm4b:s2+s4], $0x400, s5, s4, $0x38;
	[tilespmem:$0x1E000] =	vst v63  }
0x220: {  	s2 =	sadd.s32 $0x2080, s15;
	s3 =	simm.s32 $0x5400  }
0x221: {  	[tilespmem:s3], [sflag:$0x1] =	stream.strided.gather [hbm4b:s2+s4], $0x400, s5, s4, $0x38;
	[tilespmem:$0x1E000] =	vst v63  }
0x222: {  	s2 =	sadd.s32 $0x3000, s15;
	s3 =	simm.s32 $0x7000  }
0x223: {  	[tilespmem:s3], [sflag:$0x1] =	stream.strided.gather [hbm4b:s2+s4], $0x400, s5, s4, $0x38;
	[tilespmem:$0x1E000] =	vst v63  }
0x224: {  	s2 =	sadd.s32 $0x3080, s15;
	s3 =	simm.s32 $0x7400  }
0x225: {  	[tilespmem:s3], [sflag:$0x1] =	stream.strided.gather [hbm4b:s2+s4], $0x400, s5, s4, $0x38;
	[tilespmem:$0x1E000] =	vst v63  }
0x226: {  	s2 =	sadd.s32 $0x4000, s15;
	s3 =	simm.s32 $0x9000  }
0x227: {  	[tilespmem:s3], [sflag:$0x1] =	stream.strided.gather [hbm4b:s2+s4], $0x400, s5, s4, $0x38;
	[tilespmem:$0x1E000] =	vst v63  }
0x228: {  	s2 =	sadd.s32 $0x4080, s15;
	s3 =	simm.s32 $0x9400  }
0x229: {  	[tilespmem:s3], [sflag:$0x1] =	stream.strided.gather [hbm4b:s2+s4], $0x400, s5, s4, $0x38;
	[tilespmem:$0x1E000] =	vst v63  }
0x22a: {  	s10 =	simm.s32 $0x1800  }
0x22b: {  	[tilespmem:s10], [sflag:$0x1] =	stream.strided.gather [hbm4b:s16+s4], $0x400, s5, s4, $0x38;
	[tilespmem:$0x1E000] =	vst v63  }
0x22c: {  	s2 =	sadd.s32 $0x80, s16;
	s3 =	simm.s32 $0x1C00  }
0x22d: {  	[tilespmem:s3], [sflag:$0x1] =	stream.strided.gather [hbm4b:s2+s4], $0x400, s5, s4, $0x38;
	[tilespmem:$0x1E000] =	vst v63  }
0x22e: {  	s2 =	sadd.s32 $0x1000, s16;
	s3 =	simm.s32 $0x3800  }
0x22f: {  	[tilespmem:s3], [sflag:$0x1] =	stream.strided.gather [hbm4b:s2+s4], $0x400, s5, s4, $0x38;
	[tilespmem:$0x1E000] =	vst v63  }
0x230: {  	s2 =	sadd.s32 $0x1080, s16;
	s3 =	simm.s32 $0x3C00  }
0x231: {  	[tilespmem:s3], [sflag:$0x1] =	stream.strided.gather [hbm4b:s2+s4], $0x400, s5, s4, $0x38;
	[tilespmem:$0x1E000] =	vst v63  }
0x232: {  	s2 =	sadd.s32 $0x2000, s16;
	s3 =	simm.s32 $0x5800  }
0x233: {  	[tilespmem:s3], [sflag:$0x1] =	stream.strided.gather [hbm4b:s2+s4], $0x400, s5, s4, $0x38;
	[tilespmem:$0x1E000] =	vst v63  }
0x234: {  	s2 =	sadd.s32 $0x2080, s16;
	s3 =	simm.s32 $0x5C00  }
0x235: {  	[tilespmem:s3], [sflag:$0x1] =	stream.strided.gather [hbm4b:s2+s4], $0x400, s5, s4, $0x38;
	[tilespmem:$0x1E000] =	vst v63  }
0x236: {  	s2 =	sadd.s32 $0x3000, s16;
	s3 =	simm.s32 $0x7800  }
0x237: {  	[tilespmem:s3], [sflag:$0x1] =	stream.strided.gather [hbm4b:s2+s4], $0x400, s5, s4, $0x38;
	[tilespmem:$0x1E000] =	vst v63  }
0x238: {  	s2 =	sadd.s32 $0x3080, s16;
	s3 =	simm.s32 $0x7C00  }
0x239: {  	[tilespmem:s3], [sflag:$0x1] =	stream.strided.gather [hbm4b:s2+s4], $0x400, s5, s4, $0x38;
	[tilespmem:$0x1E000] =	vst v63  }
0x23a: {  	s2 =	sadd.s32 $0x4000, s16;
	s3 =	simm.s32 $0x9800  }
0x23b: {  	[tilespmem:s3], [sflag:$0x1] =	stream.strided.gather [hbm4b:s2+s4], $0x400, s5, s4, $0x38;
	[tilespmem:$0x1E000] =	vst v63  }
0x23c: {  	s2 =	sadd.s32 $0x4080, s16;
	s3 =	simm.s32 $0x9C00  }
0x23d: {  	[tilespmem:s3], [sflag:$0x1] =	stream.strided.gather [hbm4b:s2+s4], $0x400, s5, s4, $0x38;
	[tilespmem:$0x1E000] =	vst v63  }
0x23e: {  	_ =	swait.ge [sflag:s6], $0x2800  }
0x23f: {  	[sflag:s6] =	ssyncset.done $0x0  }
0x240: {  	[sflag:s6] =	ssyncadd.s32 $0xFFFFD800  }
0x241: {  	_ =	swait.ge [sflag:s6], $0x2800  }
0x242: {  	[sflag:s6] =	ssyncset.done $0x0  }
0x243: {  	[sflag:s6] =	ssyncadd.s32 $0xFFFFD800  }
0x244: {  	_ =	swait.ge [sflag:s6], $0x2800  }
0x245: {  	[sflag:s6] =	ssyncset.done $0x0  }
0x246: {  	[sflag:s6] =	ssyncadd.s32 $0xFFFFD800  }
0x247: {  	_ =	swait.ge [sflag:s6], $0x2800  }
0x248: {  	[sflag:s6] =	ssyncset.done $0x0  }
0x249: {  	s2 =	simm.s32 $0xA000;
	s3 =	rddreg [dreg:$0x11];
	[sflag:s6] =	ssyncadd.s32 $0xFFFFD800  }
0x24a: {  	[hbm4b:s3+s0] =	stream.linear.scatter [tilespmem:s2], [sflag:$0x5], $0xA000, $0x38;
	[tilespmem:$0x1E000] =	vst v63  }
0x24b: {  	s3 =	simm.s32 $0x5  }
0x24c: {  	_ =	swait.ge [sflag:s3], $0xA000  }
0x24d: {  	[sflag:s3] =	ssyncset.done $0x0  }
0x24e: {  	[sflag:s3] =	ssyncadd.s32 $0xFFFF6000  }
0x24f: {  	[tilespmem:s2], [sflag:$0x2] =	stream.strided.gather [hbm4b:s17+s4], $0x400, s5, s4, $0x38;
	[tilespmem:$0x1E000] =	vst v63  }
0x250: {  	s2 =	sadd.s32 $0x80, s17  }
0x251: {  	[tilespmem:s9], [sflag:$0x2] =	stream.strided.gather [hbm4b:s2+s4], $0x400, s5, s4, $0x38;
	[tilespmem:$0x1E000] =	vst v63  }
0x252: {  	s9 =	sadd.s32 $0x1000, s17  }
0x253: {  	[tilespmem:s30], [sflag:$0x2] =	stream.strided.gather [hbm4b:s9+s4], $0x400, s5, s4, $0x38;
	[tilespmem:$0x1E000] =	vst v63  }
0x254: {  	s30 =	sadd.s32 $0x1080, s17  }
0x255: {  	[tilespmem:s1], [sflag:$0x2] =	stream.strided.gather [hbm4b:s30+s4], $0x400, s5, s4, $0x38;
	[tilespmem:$0x1E000] =	vst v63  }
0x256: {  	s1 =	sadd.s32 $0x2000, s17  }
0x257: {  	[tilespmem:s7], [sflag:$0x2] =	stream.strided.gather [hbm4b:s1+s4], $0x400, s5, s4, $0x38;
	[tilespmem:$0x1E000] =	vst v63  }
0x258: {  	s2 =	sadd.s32 $0x2080, s17;
	s7 =	simm.s32 $0xE400  }
0x259: {  	[tilespmem:s7], [sflag:$0x2] =	stream.strided.gather [hbm4b:s2+s4], $0x400, s5, s4, $0x38;
	[tilespmem:$0x1E000] =	vst v63  }
0x25a: {  	s9 =	sadd.s32 $0x3000, s17;
	s30 =	simm.s32 $0x10000  }
0x25b: {  	[tilespmem:s30], [sflag:$0x2] =	stream.strided.gather [hbm4b:s9+s4], $0x400, s5, s4, $0x38;
	[tilespmem:$0x1E000] =	vst v63  }
0x25c: {  	s2 =	sadd.s32 $0x3080, s17;
	s7 =	simm.s32 $0x10400  }
0x25d: {  	[tilespmem:s7], [sflag:$0x2] =	stream.strided.gather [hbm4b:s2+s4], $0x400, s5, s4, $0x38;
	[tilespmem:$0x1E000] =	vst v63  }
0x25e: {  	s9 =	sadd.s32 $0x4000, s17;
	s30 =	simm.s32 $0x12000  }
0x25f: {  	[tilespmem:s30], [sflag:$0x2] =	stream.strided.gather [hbm4b:s9+s4], $0x400, s5, s4, $0x38;
	[tilespmem:$0x1E000] =	vst v63  }
0x260: {  	s1 =	sadd.s32 $0x4080, s17;
	s2 =	simm.s32 $0x12400  }
0x261: {  	[tilespmem:s2], [sflag:$0x2] =	stream.strided.gather [hbm4b:s1+s4], $0x400, s5, s4, $0x38;
	[tilespmem:$0x1E000] =	vst v63  }
0x262: {  	s7 =	simm.s32 $0xA800  }
0x263: {  	[tilespmem:s7], [sflag:$0x2] =	stream.strided.gather [hbm4b:s18+s4], $0x400, s5, s4, $0x38;
	[tilespmem:$0x1E000] =	vst v63  }
0x264: {  	s9 =	sadd.s32 $0x80, s18;
	s30 =	simm.s32 $0xAC00  }
0x265: {  	[tilespmem:s30], [sflag:$0x2] =	stream.strided.gather [hbm4b:s9+s4], $0x400, s5, s4, $0x38;
	[tilespmem:$0x1E000] =	vst v63  }
0x266: {  	s2 =	sadd.s32 $0x1000, s18;
	s7 =	simm.s32 $0xC800  }
0x267: {  	[tilespmem:s7], [sflag:$0x2] =	stream.strided.gather [hbm4b:s2+s4], $0x400, s5, s4, $0x38;
	[tilespmem:$0x1E000] =	vst v63  }
0x268: {  	s9 =	sadd.s32 $0x1080, s18;
	s30 =	simm.s32 $0xCC00  }
0x269: {  	[tilespmem:s30], [sflag:$0x2] =	stream.strided.gather [hbm4b:s9+s4], $0x400, s5, s4, $0x38;
	[tilespmem:$0x1E000] =	vst v63  }
0x26a: {  	s2 =	sadd.s32 $0x2000, s18;
	s7 =	simm.s32 $0xE800  }
0x26b: {  	[tilespmem:s7], [sflag:$0x2] =	stream.strided.gather [hbm4b:s2+s4], $0x400, s5, s4, $0x38;
	[tilespmem:$0x1E000] =	vst v63  }
0x26c: {  	s9 =	sadd.s32 $0x2080, s18;
	s30 =	simm.s32 $0xEC00  }
0x26d: {  	[tilespmem:s30], [sflag:$0x2] =	stream.strided.gather [hbm4b:s9+s4], $0x400, s5, s4, $0x38;
	[tilespmem:$0x1E000] =	vst v63  }
0x26e: {  	s2 =	sadd.s32 $0x3000, s18;
	s7 =	simm.s32 $0x10800  }
0x26f: {  	[tilespmem:s7], [sflag:$0x2] =	stream.strided.gather [hbm4b:s2+s4], $0x400, s5, s4, $0x38;
	[tilespmem:$0x1E000] =	vst v63  }
0x270: {  	s9 =	sadd.s32 $0x3080, s18;
	s30 =	simm.s32 $0x10C00  }
0x271: {  	[tilespmem:s30], [sflag:$0x2] =	stream.strided.gather [hbm4b:s9+s4], $0x400, s5, s4, $0x38;
	[tilespmem:$0x1E000] =	vst v63  }
0x272: {  	s1 =	sadd.s32 $0x4000, s18;
	s2 =	simm.s32 $0x12800  }
0x273: {  	[tilespmem:s2], [sflag:$0x2] =	stream.strided.gather [hbm4b:s1+s4], $0x400, s5, s4, $0x38;
	[tilespmem:$0x1E000] =	vst v63  }
0x274: {  	s7 =	sadd.s32 $0x4080, s18;
	s9 =	simm.s32 $0x12C00  }
0x275: {  	[tilespmem:s9], [sflag:$0x2] =	stream.strided.gather [hbm4b:s7+s4], $0x400, s5, s4, $0x38;
	[tilespmem:$0x1E000] =	vst v63  }
0x276: {  	s30 =	simm.s32 $0xB000  }
0x277: {  	[tilespmem:s30], [sflag:$0x2] =	stream.strided.gather [hbm4b:s19+s4], $0x400, s5, s4, $0x38;
	[tilespmem:$0x1E000] =	vst v63  }
0x278: {  	s2 =	sadd.s32 $0x80, s19;
	s7 =	simm.s32 $0xB400  }
0x279: {  	[tilespmem:s7], [sflag:$0x2] =	stream.strided.gather [hbm4b:s2+s4], $0x400, s5, s4, $0x38;
	[tilespmem:$0x1E000] =	vst v63  }
0x27a: {  	s9 =	sadd.s32 $0x1000, s19;
	s30 =	simm.s32 $0xD000  }
0x27b: {  	[tilespmem:s30], [sflag:$0x2] =	stream.strided.gather [hbm4b:s9+s4], $0x400, s5, s4, $0x38;
	[tilespmem:$0x1E000] =	vst v63  }
0x27c: {  	s2 =	sadd.s32 $0x1080, s19;
	s7 =	simm.s32 $0xD400  }
0x27d: {  	[tilespmem:s7], [sflag:$0x2] =	stream.strided.gather [hbm4b:s2+s4], $0x400, s5, s4, $0x38;
	[tilespmem:$0x1E000] =	vst v63  }
0x27e: {  	s9 =	sadd.s32 $0x2000, s19;
	s30 =	simm.s32 $0xF000  }
0x27f: {  	[tilespmem:s30], [sflag:$0x2] =	stream.strided.gather [hbm4b:s9+s4], $0x400, s5, s4, $0x38;
	[tilespmem:$0x1E000] =	vst v63  }
0x280: {  	s2 =	sadd.s32 $0x2080, s19;
	s7 =	simm.s32 $0xF400  }
0x281: {  	[tilespmem:s7], [sflag:$0x2] =	stream.strided.gather [hbm4b:s2+s4], $0x400, s5, s4, $0x38;
	[tilespmem:$0x1E000] =	vst v63  }
0x282: {  	s9 =	sadd.s32 $0x3000, s19;
	s30 =	simm.s32 $0x11000  }
0x283: {  	[tilespmem:s30], [sflag:$0x2] =	stream.strided.gather [hbm4b:s9+s4], $0x400, s5, s4, $0x38;
	[tilespmem:$0x1E000] =	vst v63  }
0x284: {  	s2 =	sadd.s32 $0x3080, s19;
	s7 =	simm.s32 $0x11400  }
0x285: {  	[tilespmem:s7], [sflag:$0x2] =	stream.strided.gather [hbm4b:s2+s4], $0x400, s5, s4, $0x38;
	[tilespmem:$0x1E000] =	vst v63  }
0x286: {  	s9 =	sadd.s32 $0x4000, s19;
	s30 =	simm.s32 $0x13000  }
0x287: {  	[tilespmem:s30], [sflag:$0x2] =	stream.strided.gather [hbm4b:s9+s4], $0x400, s5, s4, $0x38;
	[tilespmem:$0x1E000] =	vst v63  }
0x288: {  	s1 =	sadd.s32 $0x4080, s19;
	s2 =	simm.s32 $0x13400  }
0x289: {  	[tilespmem:s2], [sflag:$0x2] =	stream.strided.gather [hbm4b:s1+s4], $0x400, s5, s4, $0x38;
	[tilespmem:$0x1E000] =	vst v63  }
0x28a: {  	s7 =	simm.s32 $0xB800  }
0x28b: {  	[tilespmem:s7], [sflag:$0x2] =	stream.strided.gather [hbm4b:s20+s4], $0x400, s5, s4, $0x38;
	[tilespmem:$0x1E000] =	vst v63  }
0x28c: {  	s9 =	sadd.s32 $0x80, s20;
	s30 =	simm.s32 $0xBC00  }
0x28d: {  	[tilespmem:s30], [sflag:$0x2] =	stream.strided.gather [hbm4b:s9+s4], $0x400, s5, s4, $0x38;
	[tilespmem:$0x1E000] =	vst v63  }
0x28e: {  	s2 =	sadd.s32 $0x1000, s20;
	s7 =	simm.s32 $0xD800  }
0x28f: {  	[tilespmem:s7], [sflag:$0x2] =	stream.strided.gather [hbm4b:s2+s4], $0x400, s5, s4, $0x38;
	[tilespmem:$0x1E000] =	vst v63  }
0x290: {  	s9 =	sadd.s32 $0x1080, s20;
	s30 =	simm.s32 $0xDC00  }
0x291: {  	[tilespmem:s30], [sflag:$0x2] =	stream.strided.gather [hbm4b:s9+s4], $0x400, s5, s4, $0x38;
	[tilespmem:$0x1E000] =	vst v63  }
0x292: {  	s2 =	sadd.s32 $0x2000, s20;
	s7 =	simm.s32 $0xF800  }
0x293: {  	[tilespmem:s7], [sflag:$0x2] =	stream.strided.gather [hbm4b:s2+s4], $0x400, s5, s4, $0x38;
	[tilespmem:$0x1E000] =	vst v63  }
0x294: {  	s9 =	sadd.s32 $0x2080, s20;
	s30 =	simm.s32 $0xFC00  }
0x295: {  	[tilespmem:s30], [sflag:$0x2] =	stream.strided.gather [hbm4b:s9+s4], $0x400, s5, s4, $0x38;
	[tilespmem:$0x1E000] =	vst v63  }
0x296: {  	s2 =	sadd.s32 $0x3000, s20;
	s7 =	simm.s32 $0x11800  }
0x297: {  	[tilespmem:s7], [sflag:$0x2] =	stream.strided.gather [hbm4b:s2+s4], $0x400, s5, s4, $0x38;
	[tilespmem:$0x1E000] =	vst v63  }
0x298: {  	s9 =	sadd.s32 $0x3080, s20;
	s30 =	simm.s32 $0x11C00  }
0x299: {  	[tilespmem:s30], [sflag:$0x2] =	stream.strided.gather [hbm4b:s9+s4], $0x400, s5, s4, $0x38;
	[tilespmem:$0x1E000] =	vst v63  }
0x29a: {  	s2 =	sadd.s32 $0x4000, s20;
	s7 =	simm.s32 $0x13800  }
0x29b: {  	[tilespmem:s7], [sflag:$0x2] =	stream.strided.gather [hbm4b:s2+s4], $0x400, s5, s4, $0x38;
	[tilespmem:$0x1E000] =	vst v63  }
0x29c: {  	s9 =	sadd.s32 $0x4080, s20;
	s30 =	simm.s32 $0x13C00  }
0x29d: {  	[tilespmem:s30], [sflag:$0x2] =	stream.strided.gather [hbm4b:s9+s4], $0x400, s5, s4, $0x38;
	[tilespmem:$0x1E000] =	vst v63  }
0x29e: {  	_ =	swait.ge [sflag:s8], $0x2800  }
0x29f: {  	[sflag:s8] =	ssyncset.done $0x0  }
0x2a0: {  	[sflag:s8] =	ssyncadd.s32 $0xFFFFD800  }
0x2a1: {  	_ =	swait.ge [sflag:s8], $0x2800  }
0x2a2: {  	[sflag:s8] =	ssyncset.done $0x0  }
0x2a3: {  	[sflag:s8] =	ssyncadd.s32 $0xFFFFD800  }
0x2a4: {  	_ =	swait.ge [sflag:s8], $0x2800  }
0x2a5: {  	[sflag:s8] =	ssyncset.done $0x0  }
0x2a6: {  	[sflag:s8] =	ssyncadd.s32 $0xFFFFD800  }
0x2a7: {  	_ =	swait.ge [sflag:s8], $0x2800  }
0x2a8: {  	s1 =	simm.s32 $0x6;
	[sflag:s8] =	ssyncset.done $0x0  }
0x2a9: {  	s7 =	simm.s32 $0x14000;
	s2 =	rddreg [dreg:$0x12];
	[sflag:s8] =	ssyncadd.s32 $0xFFFFD800  }
0x2aa: {  	[hbm4b:s2+s0] =	stream.linear.scatter [tilespmem:s7], [sflag:$0x6], $0xA000, $0x38;
	[tilespmem:$0x1E000] =	vst v63  }
0x2ab: {  	_ =	swait.ge [sflag:s1], $0xA000  }
0x2ac: {  	[sflag:s1] =	ssyncset.done $0x0  }
0x2ad: {  	[sflag:s1] =	ssyncadd.s32 $0xFFFF6000  }
0x2ae: {  	[tilespmem:s7], [sflag:$0x3] =	stream.strided.gather [hbm4b:s21+s4], $0x400, s5, s4, $0x38;
	[tilespmem:$0x1E000] =	vst v63  }
0x2af: {  	s9 =	sadd.s32 $0x80, s21;
	s30 =	simm.s32 $0x14400  }
0x2b0: {  	[tilespmem:s30], [sflag:$0x3] =	stream.strided.gather [hbm4b:s9+s4], $0x400, s5, s4, $0x38;
	[tilespmem:$0x1E000] =	vst v63  }
0x2b1: {  	s9 =	sadd.s32 $0x1000, s21;
	s30 =	simm.s32 $0x16000  }
0x2b2: {  	[tilespmem:s30], [sflag:$0x3] =	stream.strided.gather [hbm4b:s9+s4], $0x400, s5, s4, $0x38;
	[tilespmem:$0x1E000] =	vst v63  }
0x2b3: {  	s9 =	sadd.s32 $0x1080, s21;
	s30 =	simm.s32 $0x16400  }
0x2b4: {  	[tilespmem:s30], [sflag:$0x3] =	stream.strided.gather [hbm4b:s9+s4], $0x400, s5, s4, $0x38;
	[tilespmem:$0x1E000] =	vst v63  }
0x2b5: {  	s9 =	sadd.s32 $0x2000, s21;
	s30 =	simm.s32 $0x18000  }
0x2b6: {  	[tilespmem:s30], [sflag:$0x3] =	stream.strided.gather [hbm4b:s9+s4], $0x400, s5, s4, $0x38;
	[tilespmem:$0x1E000] =	vst v63  }
0x2b7: {  	s9 =	sadd.s32 $0x2080, s21;
	s30 =	simm.s32 $0x18400  }
0x2b8: {  	[tilespmem:s30], [sflag:$0x3] =	stream.strided.gather [hbm4b:s9+s4], $0x400, s5, s4, $0x38;
	[tilespmem:$0x1E000] =	vst v63  }
0x2b9: {  	s9 =	sadd.s32 $0x3000, s21;
	s30 =	simm.s32 $0x1A000  }
0x2ba: {  	[tilespmem:s30], [sflag:$0x3] =	stream.strided.gather [hbm4b:s9+s4], $0x400, s5, s4, $0x38;
	[tilespmem:$0x1E000] =	vst v63  }
0x2bb: {  	s9 =	sadd.s32 $0x3080, s21;
	s30 =	simm.s32 $0x1A400  }
0x2bc: {  	[tilespmem:s30], [sflag:$0x3] =	stream.strided.gather [hbm4b:s9+s4], $0x400, s5, s4, $0x38;
	[tilespmem:$0x1E000] =	vst v63  }
0x2bd: {  	s9 =	sadd.s32 $0x4000, s21;
	s30 =	simm.s32 $0x1C000  }
0x2be: {  	[tilespmem:s30], [sflag:$0x3] =	stream.strided.gather [hbm4b:s9+s4], $0x400, s5, s4, $0x38;
	[tilespmem:$0x1E000] =	vst v63  }
0x2bf: {  	s7 =	sadd.s32 $0x4080, s21;
	s9 =	simm.s32 $0x1C400  }
0x2c0: {  	[tilespmem:s9], [sflag:$0x3] =	stream.strided.gather [hbm4b:s7+s4], $0x400, s5, s4, $0x38;
	[tilespmem:$0x1E000] =	vst v63  }
0x2c1: {  	s30 =	simm.s32 $0x14800  }
0x2c2: {  	[tilespmem:s30], [sflag:$0x3] =	stream.strided.gather [hbm4b:s22+s4], $0x400, s5, s4, $0x38;
	[tilespmem:$0x1E000] =	vst v63  }
0x2c3: {  	s9 =	sadd.s32 $0x80, s22;
	s30 =	simm.s32 $0x14C00  }
0x2c4: {  	[tilespmem:s30], [sflag:$0x3] =	stream.strided.gather [hbm4b:s9+s4], $0x400, s5, s4, $0x38;
	[tilespmem:$0x1E000] =	vst v63  }
0x2c5: {  	s9 =	sadd.s32 $0x1000, s22;
	s30 =	simm.s32 $0x16800  }
0x2c6: {  	[tilespmem:s30], [sflag:$0x3] =	stream.strided.gather [hbm4b:s9+s4], $0x400, s5, s4, $0x38;
	[tilespmem:$0x1E000] =	vst v63  }
0x2c7: {  	s9 =	sadd.s32 $0x1080, s22;
	s30 =	simm.s32 $0x16C00  }
0x2c8: {  	[tilespmem:s30], [sflag:$0x3] =	stream.strided.gather [hbm4b:s9+s4], $0x400, s5, s4, $0x38;
	[tilespmem:$0x1E000] =	vst v63  }
0x2c9: {  	s9 =	sadd.s32 $0x2000, s22;
	s30 =	simm.s32 $0x18800  }
0x2ca: {  	[tilespmem:s30], [sflag:$0x3] =	stream.strided.gather [hbm4b:s9+s4], $0x400, s5, s4, $0x38;
	[tilespmem:$0x1E000] =	vst v63  }
0x2cb: {  	s9 =	sadd.s32 $0x2080, s22;
	s30 =	simm.s32 $0x18C00  }
0x2cc: {  	[tilespmem:s30], [sflag:$0x3] =	stream.strided.gather [hbm4b:s9+s4], $0x400, s5, s4, $0x38;
	[tilespmem:$0x1E000] =	vst v63  }
0x2cd: {  	s9 =	sadd.s32 $0x3000, s22;
	s30 =	simm.s32 $0x1A800  }
0x2ce: {  	[tilespmem:s30], [sflag:$0x3] =	stream.strided.gather [hbm4b:s9+s4], $0x400, s5, s4, $0x38;
	[tilespmem:$0x1E000] =	vst v63  }
0x2cf: {  	s9 =	sadd.s32 $0x3080, s22;
	s30 =	simm.s32 $0x1AC00  }
0x2d0: {  	[tilespmem:s30], [sflag:$0x3] =	stream.strided.gather [hbm4b:s9+s4], $0x400, s5, s4, $0x38;
	[tilespmem:$0x1E000] =	vst v63  }
0x2d1: {  	s9 =	sadd.s32 $0x4000, s22;
	s30 =	simm.s32 $0x1C800  }
0x2d2: {  	[tilespmem:s30], [sflag:$0x3] =	stream.strided.gather [hbm4b:s9+s4], $0x400, s5, s4, $0x38;
	[tilespmem:$0x1E000] =	vst v63  }
0x2d3: {  	s7 =	sadd.s32 $0x4080, s22;
	s9 =	simm.s32 $0x1CC00  }
0x2d4: {  	[tilespmem:s9], [sflag:$0x3] =	stream.strided.gather [hbm4b:s7+s4], $0x400, s5, s4, $0x38;
	[tilespmem:$0x1E000] =	vst v63  }
0x2d5: {  	s30 =	simm.s32 $0x15000  }
0x2d6: {  	[tilespmem:s30], [sflag:$0x3] =	stream.strided.gather [hbm4b:s23+s4], $0x400, s5, s4, $0x38;
	[tilespmem:$0x1E000] =	vst v63  }
0x2d7: {  	s9 =	sadd.s32 $0x80, s23;
	s30 =	simm.s32 $0x15400  }
0x2d8: {  	[tilespmem:s30], [sflag:$0x3] =	stream.strided.gather [hbm4b:s9+s4], $0x400, s5, s4, $0x38;
	[tilespmem:$0x1E000] =	vst v63  }
0x2d9: {  	s9 =	sadd.s32 $0x1000, s23;
	s30 =	simm.s32 $0x17000  }
0x2da: {  	[tilespmem:s30], [sflag:$0x3] =	stream.strided.gather [hbm4b:s9+s4], $0x400, s5, s4, $0x38;
	[tilespmem:$0x1E000] =	vst v63  }
0x2db: {  	s9 =	sadd.s32 $0x1080, s23;
	s30 =	simm.s32 $0x17400  }
0x2dc: {  	[tilespmem:s30], [sflag:$0x3] =	stream.strided.gather [hbm4b:s9+s4], $0x400, s5, s4, $0x38;
	[tilespmem:$0x1E000] =	vst v63  }
0x2dd: {  	s9 =	sadd.s32 $0x2000, s23;
	s30 =	simm.s32 $0x19000  }
0x2de: {  	[tilespmem:s30], [sflag:$0x3] =	stream.strided.gather [hbm4b:s9+s4], $0x400, s5, s4, $0x38;
	[tilespmem:$0x1E000] =	vst v63  }
0x2df: {  	s9 =	sadd.s32 $0x2080, s23;
	s30 =	simm.s32 $0x19400  }
0x2e0: {  	[tilespmem:s30], [sflag:$0x3] =	stream.strided.gather [hbm4b:s9+s4], $0x400, s5, s4, $0x38;
	[tilespmem:$0x1E000] =	vst v63  }
0x2e1: {  	s9 =	sadd.s32 $0x3000, s23;
	s30 =	simm.s32 $0x1B000  }
0x2e2: {  	[tilespmem:s30], [sflag:$0x3] =	stream.strided.gather [hbm4b:s9+s4], $0x400, s5, s4, $0x38;
	[tilespmem:$0x1E000] =	vst v63  }
0x2e3: {  	s9 =	sadd.s32 $0x3080, s23;
	s30 =	simm.s32 $0x1B400  }
0x2e4: {  	[tilespmem:s30], [sflag:$0x3] =	stream.strided.gather [hbm4b:s9+s4], $0x400, s5, s4, $0x38;
	[tilespmem:$0x1E000] =	vst v63  }
0x2e5: {  	s9 =	sadd.s32 $0x4000, s23;
	s30 =	simm.s32 $0x1D000  }
0x2e6: {  	[tilespmem:s30], [sflag:$0x3] =	stream.strided.gather [hbm4b:s9+s4], $0x400, s5, s4, $0x38;
	[tilespmem:$0x1E000] =	vst v63  }
0x2e7: {  	s7 =	sadd.s32 $0x4080, s23;
	s9 =	simm.s32 $0x1D400  }
0x2e8: {  	[tilespmem:s9], [sflag:$0x3] =	stream.strided.gather [hbm4b:s7+s4], $0x400, s5, s4, $0x38;
	[tilespmem:$0x1E000] =	vst v63  }
0x2e9: {  	s30 =	simm.s32 $0x15800  }
0x2ea: {  	[tilespmem:s30], [sflag:$0x3] =	stream.strided.gather [hbm4b:s24+s4], $0x400, s5, s4, $0x38;
	[tilespmem:$0x1E000] =	vst v63  }
0x2eb: {  	s9 =	sadd.s32 $0x80, s24;
	s30 =	simm.s32 $0x15C00  }
0x2ec: {  	[tilespmem:s30], [sflag:$0x3] =	stream.strided.gather [hbm4b:s9+s4], $0x400, s5, s4, $0x38;
	[tilespmem:$0x1E000] =	vst v63  }
0x2ed: {  	s9 =	sadd.s32 $0x1000, s24;
	s30 =	simm.s32 $0x17800  }
0x2ee: {  	[tilespmem:s30], [sflag:$0x3] =	stream.strided.gather [hbm4b:s9+s4], $0x400, s5, s4, $0x38;
	[tilespmem:$0x1E000] =	vst v63  }
0x2ef: {  	s9 =	sadd.s32 $0x1080, s24;
	s30 =	simm.s32 $0x17C00  }
0x2f0: {  	[tilespmem:s30], [sflag:$0x3] =	stream.strided.gather [hbm4b:s9+s4], $0x400, s5, s4, $0x38;
	[tilespmem:$0x1E000] =	vst v63  }
0x2f1: {  	s9 =	sadd.s32 $0x2000, s24;
	s30 =	simm.s32 $0x19800  }
0x2f2: {  	[tilespmem:s30], [sflag:$0x3] =	stream.strided.gather [hbm4b:s9+s4], $0x400, s5, s4, $0x38;
	[tilespmem:$0x1E000] =	vst v63  }
0x2f3: {  	s9 =	sadd.s32 $0x2080, s24;
	s30 =	simm.s32 $0x19C00  }
0x2f4: {  	[tilespmem:s30], [sflag:$0x3] =	stream.strided.gather [hbm4b:s9+s4], $0x400, s5, s4, $0x38;
	[tilespmem:$0x1E000] =	vst v63  }
0x2f5: {  	s9 =	sadd.s32 $0x3000, s24;
	s30 =	simm.s32 $0x1B800  }
0x2f6: {  	[tilespmem:s30], [sflag:$0x3] =	stream.strided.gather [hbm4b:s9+s4], $0x400, s5, s4, $0x38;
	[tilespmem:$0x1E000] =	vst v63  }
0x2f7: {  	s9 =	sadd.s32 $0x3080, s24;
	s30 =	simm.s32 $0x1BC00  }
0x2f8: {  	[tilespmem:s30], [sflag:$0x3] =	stream.strided.gather [hbm4b:s9+s4], $0x400, s5, s4, $0x38;
	[tilespmem:$0x1E000] =	vst v63  }
0x2f9: {  	s9 =	sadd.s32 $0x4000, s24;
	s30 =	simm.s32 $0x1D800  }
0x2fa: {  	[tilespmem:s30], [sflag:$0x3] =	stream.strided.gather [hbm4b:s9+s4], $0x400, s5, s4, $0x38;
	[tilespmem:$0x1E000] =	vst v63  }
0x2fb: {  	s7 =	sadd.s32 $0x4080, s24;
	s9 =	simm.s32 $0x1DC00  }
0x2fc: {  	[tilespmem:s9], [sflag:$0x3] =	stream.strided.gather [hbm4b:s7+s4], $0x400, s5, s4, $0x38;
	[tilespmem:$0x1E000] =	vst v63  }
0x2fd: {  	_ =	swait.ge [sflag:s11], $0x2800  }
0x2fe: {  	[sflag:s11] =	ssyncset.done $0x0  }
0x2ff: {  	[sflag:s11] =	ssyncadd.s32 $0xFFFFD800  }
0x300: {  	_ =	swait.ge [sflag:s11], $0x2800  }
0x301: {  	[sflag:s11] =	ssyncset.done $0x0  }
0x302: {  	[sflag:s11] =	ssyncadd.s32 $0xFFFFD800  }
0x303: {  	_ =	swait.ge [sflag:s11], $0x2800  }
0x304: {  	[sflag:s11] =	ssyncset.done $0x0  }
0x305: {  	[sflag:s11] =	ssyncadd.s32 $0xFFFFD800  }
0x306: {  	_ =	swait.ge [sflag:s11], $0x2800  }
0x307: {  	[sflag:s11] =	ssyncset.done $0x0  }
0x308: {  	s30 =	rddreg [dreg:$0x13];
	[sflag:s11] =	ssyncadd.s32 $0xFFFFD800  }
0x309: {  	[hbm4b:s30+s0] =	stream.linear.scatter [tilespmem:s0], [sflag:$0x4], $0xA000, $0x38;
	[tilespmem:$0x1E000] =	vst v63  }
0x30a: {  	_ =	swait.ge [sflag:s12], $0xA000  }
0x30b: {  	[sflag:s12] =	ssyncset.done $0x0  }
0x30c: {  	[sflag:s12] =	ssyncadd.s32 $0xFFFF6000  }
0x30d: {  	[tilespmem:s0], [sflag:$0x1] =	stream.strided.gather [hbm4b:s25+s4], $0x400, s5, s4, $0x38;
	[tilespmem:$0x1E000] =	vst v63  }
0x30e: {  	s7 =	sadd.s32 $0x80, s25;
	s30 =	simm.s32 $0x400  }
0x30f: {  	[tilespmem:s30], [sflag:$0x1] =	stream.strided.gather [hbm4b:s7+s4], $0x400, s5, s4, $0x38;
	[tilespmem:$0x1E000] =	vst v63  }
0x310: {  	s7 =	sadd.s32 $0x1000, s25;
	s30 =	simm.s32 $0x2000  }
0x311: {  	[tilespmem:s30], [sflag:$0x1] =	stream.strided.gather [hbm4b:s7+s4], $0x400, s5, s4, $0x38;
	[tilespmem:$0x1E000] =	vst v63  }
0x312: {  	s7 =	sadd.s32 $0x1080, s25;
	s30 =	simm.s32 $0x2400  }
0x313: {  	[tilespmem:s30], [sflag:$0x1] =	stream.strided.gather [hbm4b:s7+s4], $0x400, s5, s4, $0x38;
	[tilespmem:$0x1E000] =	vst v63  }
0x314: {  	s7 =	sadd.s32 $0x2000, s25;
	s30 =	simm.s32 $0x4000  }
0x315: {  	[tilespmem:s30], [sflag:$0x1] =	stream.strided.gather [hbm4b:s7+s4], $0x400, s5, s4, $0x38;
	[tilespmem:$0x1E000] =	vst v63  }
0x316: {  	s7 =	sadd.s32 $0x2080, s25;
	s30 =	simm.s32 $0x4400  }
0x317: {  	[tilespmem:s30], [sflag:$0x1] =	stream.strided.gather [hbm4b:s7+s4], $0x400, s5, s4, $0x38;
	[tilespmem:$0x1E000] =	vst v63  }
0x318: {  	s7 =	sadd.s32 $0x3000, s25;
	s30 =	simm.s32 $0x6000  }
0x319: {  	[tilespmem:s30], [sflag:$0x1] =	stream.strided.gather [hbm4b:s7+s4], $0x400, s5, s4, $0x38;
	[tilespmem:$0x1E000] =	vst v63  }
0x31a: {  	s7 =	sadd.s32 $0x3080, s25;
	s30 =	simm.s32 $0x6400  }
0x31b: {  	[tilespmem:s30], [sflag:$0x1] =	stream.strided.gather [hbm4b:s7+s4], $0x400, s5, s4, $0x38;
	[tilespmem:$0x1E000] =	vst v63  }
0x31c: {  	s7 =	sadd.s32 $0x4000, s25;
	s30 =	simm.s32 $0x8000  }
0x31d: {  	[tilespmem:s30], [sflag:$0x1] =	stream.strided.gather [hbm4b:s7+s4], $0x400, s5, s4, $0x38;
	[tilespmem:$0x1E000] =	vst v63  }
0x31e: {  	s7 =	sadd.s32 $0x4080, s25;
	s30 =	simm.s32 $0x8400  }
0x31f: {  	[tilespmem:s30], [sflag:$0x1] =	stream.strided.gather [hbm4b:s7+s4], $0x400, s5, s4, $0x38;
	[tilespmem:$0x1E000] =	vst v63  }
0x320: {  	s30 =	simm.s32 $0x800  }
0x321: {  	[tilespmem:s30], [sflag:$0x1] =	stream.strided.gather [hbm4b:s26+s4], $0x400, s5, s4, $0x38;
	[tilespmem:$0x1E000] =	vst v63  }
0x322: {  	s7 =	sadd.s32 $0x80, s26;
	s30 =	simm.s32 $0xC00  }
0x323: {  	[tilespmem:s30], [sflag:$0x1] =	stream.strided.gather [hbm4b:s7+s4], $0x400, s5, s4, $0x38;
	[tilespmem:$0x1E000] =	vst v63  }
0x324: {  	s7 =	sadd.s32 $0x1000, s26;
	s30 =	simm.s32 $0x2800  }
0x325: {  	[tilespmem:s30], [sflag:$0x1] =	stream.strided.gather [hbm4b:s7+s4], $0x400, s5, s4, $0x38;
	[tilespmem:$0x1E000] =	vst v63  }
0x326: {  	s7 =	sadd.s32 $0x1080, s26;
	s30 =	simm.s32 $0x2C00  }
0x327: {  	[tilespmem:s30], [sflag:$0x1] =	stream.strided.gather [hbm4b:s7+s4], $0x400, s5, s4, $0x38;
	[tilespmem:$0x1E000] =	vst v63  }
0x328: {  	s7 =	sadd.s32 $0x2000, s26;
	s30 =	simm.s32 $0x4800  }
0x329: {  	[tilespmem:s30], [sflag:$0x1] =	stream.strided.gather [hbm4b:s7+s4], $0x400, s5, s4, $0x38;
	[tilespmem:$0x1E000] =	vst v63  }
0x32a: {  	s7 =	sadd.s32 $0x2080, s26;
	s30 =	simm.s32 $0x4C00  }
0x32b: {  	[tilespmem:s30], [sflag:$0x1] =	stream.strided.gather [hbm4b:s7+s4], $0x400, s5, s4, $0x38;
	[tilespmem:$0x1E000] =	vst v63  }
0x32c: {  	s7 =	sadd.s32 $0x3000, s26;
	s30 =	simm.s32 $0x6800  }
0x32d: {  	[tilespmem:s30], [sflag:$0x1] =	stream.strided.gather [hbm4b:s7+s4], $0x400, s5, s4, $0x38;
	[tilespmem:$0x1E000] =	vst v63  }
0x32e: {  	s7 =	sadd.s32 $0x3080, s26;
	s30 =	simm.s32 $0x6C00  }
0x32f: {  	[tilespmem:s30], [sflag:$0x1] =	stream.strided.gather [hbm4b:s7+s4], $0x400, s5, s4, $0x38;
	[tilespmem:$0x1E000] =	vst v63  }
0x330: {  	s7 =	sadd.s32 $0x4000, s26;
	s30 =	simm.s32 $0x8800  }
0x331: {  	[tilespmem:s30], [sflag:$0x1] =	stream.strided.gather [hbm4b:s7+s4], $0x400, s5, s4, $0x38;
	[tilespmem:$0x1E000] =	vst v63  }
0x332: {  	s7 =	sadd.s32 $0x4080, s26;
	s30 =	simm.s32 $0x8C00  }
0x333: {  	[tilespmem:s30], [sflag:$0x1] =	stream.strided.gather [hbm4b:s7+s4], $0x400, s5, s4, $0x38;
	[tilespmem:$0x1E000] =	vst v63  }
0x334: {  	_ = 	snop  }
0x335: {  	[tilespmem:s5], [sflag:$0x1] =	stream.strided.gather [hbm4b:s28+s4], $0x400, s5, s4, $0x38;
	[tilespmem:$0x1E000] =	vst v63  }
0x336: {  	s7 =	sadd.s32 $0x80, s28;
	s30 =	simm.s32 $0x1400  }
0x337: {  	[tilespmem:s30], [sflag:$0x1] =	stream.strided.gather [hbm4b:s7+s4], $0x400, s5, s4, $0x38;
	[tilespmem:$0x1E000] =	vst v63  }
0x338: {  	s7 =	sadd.s32 $0x1000, s28;
	s30 =	simm.s32 $0x3000  }
0x339: {  	[tilespmem:s30], [sflag:$0x1] =	stream.strided.gather [hbm4b:s7+s4], $0x400, s5, s4, $0x38;
	[tilespmem:$0x1E000] =	vst v63  }
0x33a: {  	s7 =	sadd.s32 $0x1080, s28;
	s30 =	simm.s32 $0x3400  }
0x33b: {  	[tilespmem:s30], [sflag:$0x1] =	stream.strided.gather [hbm4b:s7+s4], $0x400, s5, s4, $0x38;
	[tilespmem:$0x1E000] =	vst v63  }
0x33c: {  	s7 =	sadd.s32 $0x2000, s28;
	s30 =	simm.s32 $0x5000  }
0x33d: {  	[tilespmem:s30], [sflag:$0x1] =	stream.strided.gather [hbm4b:s7+s4], $0x400, s5, s4, $0x38;
	[tilespmem:$0x1E000] =	vst v63  }
0x33e: {  	s7 =	sadd.s32 $0x2080, s28;
	s30 =	simm.s32 $0x5400  }
0x33f: {  	[tilespmem:s30], [sflag:$0x1] =	stream.strided.gather [hbm4b:s7+s4], $0x400, s5, s4, $0x38;
	[tilespmem:$0x1E000] =	vst v63  }
0x340: {  	s7 =	sadd.s32 $0x3000, s28;
	s30 =	simm.s32 $0x7000  }
0x341: {  	[tilespmem:s30], [sflag:$0x1] =	stream.strided.gather [hbm4b:s7+s4], $0x400, s5, s4, $0x38;
	[tilespmem:$0x1E000] =	vst v63  }
0x342: {  	s7 =	sadd.s32 $0x3080, s28;
	s30 =	simm.s32 $0x7400  }
0x343: {  	[tilespmem:s30], [sflag:$0x1] =	stream.strided.gather [hbm4b:s7+s4], $0x400, s5, s4, $0x38;
	[tilespmem:$0x1E000] =	vst v63  }
0x344: {  	s7 =	sadd.s32 $0x4000, s28;
	s30 =	simm.s32 $0x9000  }
0x345: {  	[tilespmem:s30], [sflag:$0x1] =	stream.strided.gather [hbm4b:s7+s4], $0x400, s5, s4, $0x38;
	[tilespmem:$0x1E000] =	vst v63  }
0x346: {  	s7 =	sadd.s32 $0x4080, s28;
	s30 =	simm.s32 $0x9400  }
0x347: {  	[tilespmem:s30], [sflag:$0x1] =	stream.strided.gather [hbm4b:s7+s4], $0x400, s5, s4, $0x38;
	[tilespmem:$0x1E000] =	vst v63  }
0x348: {  	s30 =	simm.s32 $0x1800  }
0x349: {  	[tilespmem:s30], [sflag:$0x1] =	stream.strided.gather [hbm4b:s29+s4], $0x400, s5, s4, $0x38;
	[tilespmem:$0x1E000] =	vst v63  }
0x34a: {  	s7 =	sadd.s32 $0x80, s29;
	s30 =	simm.s32 $0x1C00  }
0x34b: {  	[tilespmem:s30], [sflag:$0x1] =	stream.strided.gather [hbm4b:s7+s4], $0x400, s5, s4, $0x38;
	[tilespmem:$0x1E000] =	vst v63  }
0x34c: {  	s7 =	sadd.s32 $0x1000, s29;
	s30 =	simm.s32 $0x3800  }
0x34d: {  	[tilespmem:s30], [sflag:$0x1] =	stream.strided.gather [hbm4b:s7+s4], $0x400, s5, s4, $0x38;
	[tilespmem:$0x1E000] =	vst v63  }
0x34e: {  	s7 =	sadd.s32 $0x1080, s29;
	s30 =	simm.s32 $0x3C00  }
0x34f: {  	[tilespmem:s30], [sflag:$0x1] =	stream.strided.gather [hbm4b:s7+s4], $0x400, s5, s4, $0x38;
	[tilespmem:$0x1E000] =	vst v63  }
0x350: {  	s7 =	sadd.s32 $0x2000, s29;
	s30 =	simm.s32 $0x5800  }
0x351: {  	[tilespmem:s30], [sflag:$0x1] =	stream.strided.gather [hbm4b:s7+s4], $0x400, s5, s4, $0x38;
	[tilespmem:$0x1E000] =	vst v63  }
0x352: {  	s7 =	sadd.s32 $0x2080, s29;
	s30 =	simm.s32 $0x5C00  }
0x353: {  	[tilespmem:s30], [sflag:$0x1] =	stream.strided.gather [hbm4b:s7+s4], $0x400, s5, s4, $0x38;
	[tilespmem:$0x1E000] =	vst v63  }
0x354: {  	s7 =	sadd.s32 $0x3000, s29;
	s30 =	simm.s32 $0x7800  }
0x355: {  	[tilespmem:s30], [sflag:$0x1] =	stream.strided.gather [hbm4b:s7+s4], $0x400, s5, s4, $0x38;
	[tilespmem:$0x1E000] =	vst v63  }
0x356: {  	s7 =	sadd.s32 $0x3080, s29;
	s30 =	simm.s32 $0x7C00  }
0x357: {  	[tilespmem:s30], [sflag:$0x1] =	stream.strided.gather [hbm4b:s7+s4], $0x400, s5, s4, $0x38;
	[tilespmem:$0x1E000] =	vst v63  }
0x358: {  	s7 =	sadd.s32 $0x4000, s29;
	s30 =	simm.s32 $0x9800  }
0x359: {  	[tilespmem:s30], [sflag:$0x1] =	stream.strided.gather [hbm4b:s7+s4], $0x400, s5, s4, $0x38;
	[tilespmem:$0x1E000] =	vst v63  }
0x35a: {  	s7 =	sadd.s32 $0x4080, s29;
	s30 =	simm.s32 $0x9C00  }
0x35b: {  	[tilespmem:s30], [sflag:$0x1] =	stream.strided.gather [hbm4b:s7+s4], $0x400, s5, s4, $0x38;
	[tilespmem:$0x1E000] =	vst v63  }
0x35c: {  	_ =	swait.ge [sflag:s6], $0x2800  }
0x35d: {  	[sflag:s6] =	ssyncset.done $0x0  }
0x35e: {  	[sflag:s6] =	ssyncadd.s32 $0xFFFFD800  }
0x35f: {  	_ =	swait.ge [sflag:s6], $0x2800  }
0x360: {  	[sflag:s6] =	ssyncset.done $0x0  }
0x361: {  	[sflag:s6] =	ssyncadd.s32 $0xFFFFD800  }
0x362: {  	_ =	swait.ge [sflag:s6], $0x2800  }
0x363: {  	[sflag:s6] =	ssyncset.done $0x0  }
0x364: {  	[sflag:s6] =	ssyncadd.s32 $0xFFFFD800  }
0x365: {  	_ =	swait.ge [sflag:s6], $0x2800  }
0x366: {  	[sflag:s6] =	ssyncset.done $0x0  }
0x367: {  	s30 =	simm.s32 $0xA000;
	s7 =	rddreg [dreg:$0x14];
	[sflag:s6] =	ssyncadd.s32 $0xFFFFD800  }
0x368: {  	[hbm4b:s7+s0] =	stream.linear.scatter [tilespmem:s30], [sflag:$0x5], $0xA000, $0x38;
	[tilespmem:$0x1E000] =	vst v63  }
0x369: {  	_ =	swait.ge [sflag:s8], $0x2800  }
0x36a: {  	[sflag:s8] =	ssyncset.done $0x0  }
0x36b: {  	[sflag:s8] =	ssyncadd.s32 $0xFFFFD800  }
0x36c: {  	_ =	swait.ge [sflag:s8], $0x2800  }
0x36d: {  	[sflag:s8] =	ssyncset.done $0x0  }
0x36e: {  	[sflag:s8] =	ssyncadd.s32 $0xFFFFD800  }
0x36f: {  	_ =	swait.ge [sflag:s8], $0x2800  }
0x370: {  	[sflag:s8] =	ssyncset.done $0x0  }
0x371: {  	[sflag:s8] =	ssyncadd.s32 $0xFFFFD800  }
0x372: {  	_ =	swait.ge [sflag:s8], $0x2800  }
0x373: {  	[sflag:s8] =	ssyncset.done $0x0  }
0x374: {  	s2 =	simm.s32 $0x14000;
	s7 =	rddreg [dreg:$0x15];
	[sflag:s8] =	ssyncadd.s32 $0xFFFFD800  }
0x375: {  	[hbm4b:s7+s0] =	stream.linear.scatter [tilespmem:s2], [sflag:$0x6], $0xA000, $0x38;
	[tilespmem:$0x1E000] =	vst v63  }
0x376: {  	_ =	swait.ge [sflag:s11], $0x2800  }
0x377: {  	[sflag:s11] =	ssyncset.done $0x0  }
0x378: {  	[sflag:s11] =	ssyncadd.s32 $0xFFFFD800  }
0x379: {  	_ =	swait.ge [sflag:s11], $0x2800  }
0x37a: {  	[sflag:s11] =	ssyncset.done $0x0  }
0x37b: {  	[sflag:s11] =	ssyncadd.s32 $0xFFFFD800  }
0x37c: {  	_ =	swait.ge [sflag:s11], $0x2800  }
0x37d: {  	[sflag:s11] =	ssyncset.done $0x0  }
0x37e: {  	[sflag:s11] =	ssyncadd.s32 $0xFFFFD800  }
0x37f: {  	_ =	swait.ge [sflag:s11], $0x2800  }
0x380: {  	[sflag:s11] =	ssyncset.done $0x0  }
0x381: {  	s30 =	rddreg [dreg:$0x16];
	[sflag:s11] =	ssyncadd.s32 $0xFFFFD800  }
0x382: {  	[hbm4b:s30+s0] =	stream.linear.scatter [tilespmem:s0], [sflag:$0x4], $0xA000, $0x38;
	[tilespmem:$0x1E000] =	vst v63  }
0x383: {  	_ =	swait.ge [sflag:s12], $0xA000  }
0x384: {  	[sflag:s12] =	ssyncset.done $0x0  }
0x385: {  	[sflag:s12] =	ssyncadd.s32 $0xFFFF6000  }
0x386: {  	_ =	swait.ge [sflag:s3], $0xA000  }
.Ltmp2:
0x387: {  	[sflag:s3] =	ssyncset.done $0x0;
	(pc) =	sbr.rel @p0 .LBB2_3-.Ltmp2, $4  }
0x388: {  	[sflag:s3] =	ssyncadd.s32 $0xFFFF6000  }
0x389: {  	_ =	swait.ge [sflag:s1], $0xA000  }
0x38a: {  	[sflag:s1] =	ssyncset.done $0x0  }
0x38b: {  	s9 =	simm.s32 $0x400;
	[sflag:s1] =	ssyncadd.s32 $0xFFFF6000  }
0x38c: {  	s30 =	sld [smem:$0x791];
	_ =	sdelay $0x1  }
0x38d: {  	s1 =	simm.s32 $0x0  }
0x38e: {  	[tilespmem:s1], [sflag:$0x1] =	stream.strided.gather [hbm4b:s30+s4], $0x400, s5, s4, $0x38;
	[tilespmem:$0x1E000] =	vst v63  }
0x38f: {  	s10 =	sadd.s32 $0x80, s30  }
0x390: {  	[tilespmem:s9], [sflag:$0x1] =	stream.strided.gather [hbm4b:s10+s4], $0x400, s5, s4, $0x38;
	[tilespmem:$0x1E000] =	vst v63  }
0x391: {  	s7 =	simm.s32 $0x2000;
	s3 =	sadd.s32 $0x1000, s30  }
0x392: {  	[tilespmem:s7], [sflag:$0x1] =	stream.strided.gather [hbm4b:s3+s4], $0x400, s5, s4, $0x38;
	[tilespmem:$0x1E000] =	vst v63  }
0x393: {  	s0 =	simm.s32 $0x2400;
	s9 =	sadd.s32 $0x1080, s30  }
0x394: {  	[tilespmem:s0], [sflag:$0x1] =	stream.strided.gather [hbm4b:s9+s4], $0x400, s5, s4, $0x38;
	[tilespmem:$0x1E000] =	vst v63  }
0x395: {  	s2 =	sadd.s32 $0x2000, s30;
	s3 =	simm.s32 $0x4000  }
0x396: {  	[tilespmem:s3], [sflag:$0x1] =	stream.strided.gather [hbm4b:s2+s4], $0x400, s5, s4, $0x38;
	[tilespmem:$0x1E000] =	vst v63  }
0x397: {  	s9 =	sadd.s32 $0x2080, s30;
	s0 =	simm.s32 $0x4400  }
0x398: {  	[tilespmem:s0], [sflag:$0x1] =	stream.strided.gather [hbm4b:s9+s4], $0x400, s5, s4, $0x38;
	[tilespmem:$0x1E000] =	vst v63  }
0x399: {  	s2 =	sadd.s32 $0x3000, s30;
	s3 =	simm.s32 $0x6000  }
0x39a: {  	[tilespmem:s3], [sflag:$0x1] =	stream.strided.gather [hbm4b:s2+s4], $0x400, s5, s4, $0x38;
	[tilespmem:$0x1E000] =	vst v63  }
0x39b: {  	s9 =	sadd.s32 $0x3080, s30;
	s0 =	simm.s32 $0x6400  }
0x39c: {  	[tilespmem:s0], [sflag:$0x1] =	stream.strided.gather [hbm4b:s9+s4], $0x400, s5, s4, $0x38;
	[tilespmem:$0x1E000] =	vst v63  }
0x39d: {  	s2 =	sadd.s32 $0x4000, s30;
	s3 =	simm.s32 $0x8000  }
0x39e: {  	[tilespmem:s3], [sflag:$0x1] =	stream.strided.gather [hbm4b:s2+s4], $0x400, s5, s4, $0x38;
	[tilespmem:$0x1E000] =	vst v63  }
0x39f: {  	s7 =	sadd.s32 $0x4080, s30;
	s9 =	simm.s32 $0x8400  }
0x3a0: {  	[tilespmem:s9], [sflag:$0x1] =	stream.strided.gather [hbm4b:s7+s4], $0x400, s5, s4, $0x38;
	[tilespmem:$0x1E000] =	vst v63  }
0x3a1: {  	s9 =	sld [smem:$0x792];
	_ =	sdelay $0x1  }
0x3a2: {  	s10 =	simm.s32 $0x800  }
0x3a3: {  	[tilespmem:s10], [sflag:$0x1] =	stream.strided.gather [hbm4b:s9+s4], $0x400, s5, s4, $0x38;
	[tilespmem:$0x1E000] =	vst v63  }
0x3a4: {  	s0 =	simm.s32 $0xC00;
	s30 =	sadd.s32 $0x80, s9  }
0x3a5: {  	[tilespmem:s0], [sflag:$0x1] =	stream.strided.gather [hbm4b:s30+s4], $0x400, s5, s4, $0x38;
	[tilespmem:$0x1E000] =	vst v63  }
0x3a6: {  	s3 =	simm.s32 $0x2800;
	s2 =	sadd.s32 $0x1000, s9  }
0x3a7: {  	[tilespmem:s3], [sflag:$0x1] =	stream.strided.gather [hbm4b:s2+s4], $0x400, s5, s4, $0x38;
	[tilespmem:$0x1E000] =	vst v63  }
0x3a8: {  	s30 =	sadd.s32 $0x1080, s9;
	s0 =	simm.s32 $0x2C00  }
0x3a9: {  	[tilespmem:s0], [sflag:$0x1] =	stream.strided.gather [hbm4b:s30+s4], $0x400, s5, s4, $0x38;
	[tilespmem:$0x1E000] =	vst v63  }
0x3aa: {  	s2 =	sadd.s32 $0x2000, s9;
	s3 =	simm.s32 $0x4800  }
0x3ab: {  	[tilespmem:s3], [sflag:$0x1] =	stream.strided.gather [hbm4b:s2+s4], $0x400, s5, s4, $0x38;
	[tilespmem:$0x1E000] =	vst v63  }
0x3ac: {  	s30 =	sadd.s32 $0x2080, s9;
	s0 =	simm.s32 $0x4C00  }
0x3ad: {  	[tilespmem:s0], [sflag:$0x1] =	stream.strided.gather [hbm4b:s30+s4], $0x400, s5, s4, $0x38;
	[tilespmem:$0x1E000] =	vst v63  }
0x3ae: {  	s2 =	sadd.s32 $0x3000, s9;
	s3 =	simm.s32 $0x6800  }
0x3af: {  	[tilespmem:s3], [sflag:$0x1] =	stream.strided.gather [hbm4b:s2+s4], $0x400, s5, s4, $0x38;
	[tilespmem:$0x1E000] =	vst v63  }
0x3b0: {  	s30 =	sadd.s32 $0x3080, s9;
	s0 =	simm.s32 $0x6C00  }
0x3b1: {  	[tilespmem:s0], [sflag:$0x1] =	stream.strided.gather [hbm4b:s30+s4], $0x400, s5, s4, $0x38;
	[tilespmem:$0x1E000] =	vst v63  }
0x3b2: {  	s2 =	sadd.s32 $0x4000, s9;
	s3 =	simm.s32 $0x8800  }
0x3b3: {  	[tilespmem:s3], [sflag:$0x1] =	stream.strided.gather [hbm4b:s2+s4], $0x400, s5, s4, $0x38;
	[tilespmem:$0x1E000] =	vst v63  }
0x3b4: {  	s30 =	sadd.s32 $0x4080, s9;
	s0 =	simm.s32 $0x8C00  }
0x3b5: {  	[tilespmem:s0], [sflag:$0x1] =	stream.strided.gather [hbm4b:s30+s4], $0x400, s5, s4, $0x38;
	[tilespmem:$0x1E000] =	vst v63  }
0x3b6: {  	s0 =	sld [smem:$0x793];
	_ =	sdelay $0x2  }
0x3b7: {  	[tilespmem:s5], [sflag:$0x1] =	stream.strided.gather [hbm4b:s0+s4], $0x400, s5, s4, $0x38;
	[tilespmem:$0x1E000] =	vst v63  }
0x3b8: {  	s3 =	simm.s32 $0x1400;
	s2 =	sadd.s32 $0x80, s0  }
0x3b9: {  	[tilespmem:s3], [sflag:$0x1] =	stream.strided.gather [hbm4b:s2+s4], $0x400, s5, s4, $0x38;
	[tilespmem:$0x1E000] =	vst v63  }
0x3ba: {  	s30 =	simm.s32 $0x3000;
	s9 =	sadd.s32 $0x1000, s0  }
0x3bb: {  	[tilespmem:s30], [sflag:$0x1] =	stream.strided.gather [hbm4b:s9+s4], $0x400, s5, s4, $0x38;
	[tilespmem:$0x1E000] =	vst v63  }
0x3bc: {  	s2 =	sadd.s32 $0x1080, s0;
	s3 =	simm.s32 $0x3400  }
0x3bd: {  	[tilespmem:s3], [sflag:$0x1] =	stream.strided.gather [hbm4b:s2+s4], $0x400, s5, s4, $0x38;
	[tilespmem:$0x1E000] =	vst v63  }
0x3be: {  	s9 =	sadd.s32 $0x2000, s0;
	s30 =	simm.s32 $0x5000  }
0x3bf: {  	[tilespmem:s30], [sflag:$0x1] =	stream.strided.gather [hbm4b:s9+s4], $0x400, s5, s4, $0x38;
	[tilespmem:$0x1E000] =	vst v63  }
0x3c0: {  	s2 =	sadd.s32 $0x2080, s0;
	s3 =	simm.s32 $0x5400  }
0x3c1: {  	[tilespmem:s3], [sflag:$0x1] =	stream.strided.gather [hbm4b:s2+s4], $0x400, s5, s4, $0x38;
	[tilespmem:$0x1E000] =	vst v63  }
0x3c2: {  	s9 =	sadd.s32 $0x3000, s0;
	s30 =	simm.s32 $0x7000  }
0x3c3: {  	[tilespmem:s30], [sflag:$0x1] =	stream.strided.gather [hbm4b:s9+s4], $0x400, s5, s4, $0x38;
	[tilespmem:$0x1E000] =	vst v63  }
0x3c4: {  	s2 =	sadd.s32 $0x3080, s0;
	s3 =	simm.s32 $0x7400  }
0x3c5: {  	[tilespmem:s3], [sflag:$0x1] =	stream.strided.gather [hbm4b:s2+s4], $0x400, s5, s4, $0x38;
	[tilespmem:$0x1E000] =	vst v63  }
0x3c6: {  	s9 =	sadd.s32 $0x4000, s0;
	s30 =	simm.s32 $0x9000  }
0x3c7: {  	[tilespmem:s30], [sflag:$0x1] =	stream.strided.gather [hbm4b:s9+s4], $0x400, s5, s4, $0x38;
	[tilespmem:$0x1E000] =	vst v63  }
0x3c8: {  	s0 =	sadd.s32 $0x4080, s0;
	s2 =	simm.s32 $0x9400  }
0x3c9: {  	[tilespmem:s2], [sflag:$0x1] =	stream.strided.gather [hbm4b:s0+s4], $0x400, s5, s4, $0x38;
	[tilespmem:$0x1E000] =	vst v63  }
0x3ca: {  	s0 =	sld [smem:$0x794];
	_ =	sdelay $0x1  }
0x3cb: {  	s3 =	simm.s32 $0x1800  }
0x3cc: {  	[tilespmem:s3], [sflag:$0x1] =	stream.strided.gather [hbm4b:s0+s4], $0x400, s5, s4, $0x38;
	[tilespmem:$0x1E000] =	vst v63  }
0x3cd: {  	s30 =	simm.s32 $0x1C00;
	s9 =	sadd.s32 $0x80, s0  }
0x3ce: {  	[tilespmem:s30], [sflag:$0x1] =	stream.strided.gather [hbm4b:s9+s4], $0x400, s5, s4, $0x38;
	[tilespmem:$0x1E000] =	vst v63  }
0x3cf: {  	s2 =	sadd.s32 $0x1000, s0;
	s3 =	simm.s32 $0x3800  }
0x3d0: {  	[tilespmem:s3], [sflag:$0x1] =	stream.strided.gather [hbm4b:s2+s4], $0x400, s5, s4, $0x38;
	[tilespmem:$0x1E000] =	vst v63  }
0x3d1: {  	s9 =	sadd.s32 $0x1080, s0;
	s30 =	simm.s32 $0x3C00  }
0x3d2: {  	[tilespmem:s30], [sflag:$0x1] =	stream.strided.gather [hbm4b:s9+s4], $0x400, s5, s4, $0x38;
	[tilespmem:$0x1E000] =	vst v63  }
0x3d3: {  	s2 =	sadd.s32 $0x2000, s0;
	s3 =	simm.s32 $0x5800  }
0x3d4: {  	[tilespmem:s3], [sflag:$0x1] =	stream.strided.gather [hbm4b:s2+s4], $0x400, s5, s4, $0x38;
	[tilespmem:$0x1E000] =	vst v63  }
0x3d5: {  	s9 =	sadd.s32 $0x2080, s0;
	s30 =	simm.s32 $0x5C00  }
0x3d6: {  	[tilespmem:s30], [sflag:$0x1] =	stream.strided.gather [hbm4b:s9+s4], $0x400, s5, s4, $0x38;
	[tilespmem:$0x1E000] =	vst v63  }
0x3d7: {  	s2 =	sadd.s32 $0x3000, s0;
	s3 =	simm.s32 $0x7800  }
0x3d8: {  	[tilespmem:s3], [sflag:$0x1] =	stream.strided.gather [hbm4b:s2+s4], $0x400, s5, s4, $0x38;
	[tilespmem:$0x1E000] =	vst v63  }
0x3d9: {  	s9 =	sadd.s32 $0x3080, s0;
	s30 =	simm.s32 $0x7C00  }
0x3da: {  	[tilespmem:s30], [sflag:$0x1] =	stream.strided.gather [hbm4b:s9+s4], $0x400, s5, s4, $0x38;
	[tilespmem:$0x1E000] =	vst v63  }
0x3db: {  	s2 =	sadd.s32 $0x4000, s0;
	s3 =	simm.s32 $0x9800  }
0x3dc: {  	[tilespmem:s3], [sflag:$0x1] =	stream.strided.gather [hbm4b:s2+s4], $0x400, s5, s4, $0x38;
	[tilespmem:$0x1E000] =	vst v63  }
0x3dd: {  	s7 =	sadd.s32 $0x4080, s0;
	s9 =	simm.s32 $0x9C00  }
0x3de: {  	[tilespmem:s9], [sflag:$0x1] =	stream.strided.gather [hbm4b:s7+s4], $0x400, s5, s4, $0x38;
	[tilespmem:$0x1E000] =	vst v63  }
0x3df: {  	_ =	swait.ge [sflag:s11], $0x2800  }
0x3e0: {  	[sflag:s11] =	ssyncset.done $0x0  }
0x3e1: {  	[sflag:s11] =	ssyncadd.s32 $0xFFFFD800  }
0x3e2: {  	_ =	swait.ge [sflag:s11], $0x2800  }
0x3e3: {  	[sflag:s11] =	ssyncset.done $0x0  }
0x3e4: {  	[sflag:s11] =	ssyncadd.s32 $0xFFFFD800  }
0x3e5: {  	_ =	swait.ge [sflag:s11], $0x2800  }
0x3e6: {  	[sflag:s11] =	ssyncset.done $0x0  }
0x3e7: {  	[sflag:s11] =	ssyncadd.s32 $0xFFFFD800  }
0x3e8: {  	_ =	swait.ge [sflag:s11], $0x2800  }
0x3e9: {  	[sflag:s11] =	ssyncset.done $0x0  }
.Ltmp3:
0x3ea: {  	s30 =	rddreg [dreg:$0x17];
	[sflag:s11] =	ssyncadd.s32 $0xFFFFD800;
	(pc) =	sbr.rel .LBB2_3-.Ltmp3, $4  }
0x3eb: {  	[hbm4b:s30+s1] =	stream.linear.scatter [tilespmem:s1], [sflag:$0x4], $0xA000, $0x38;
	[tilespmem:$0x1E000] =	vst v63  }
0x3ec: {  	_ =	swait.ge [sflag:s12], $0xA000  }
0x3ed: {  	[sflag:s12] =	ssyncset.done $0x0  }
0x3ee: {  	[sflag:s12] =	ssyncadd.s32 $0xFFFF6000  }
.LBB2_4:
0x3ef: {  	_ =	sfence.sel $0x180000  }
0x3f0: {  	[bflag:$0x0] =	sbarrier.arrive $0xFFFF  }
0x3f1: {  	_ =	strace $0x90000047  }
0x3f2: {  	s0 =	stileid.u32;
	[bflag:$0x2] =	sbarrier.arrive $0xFFFF  }
0x3f3: {  	p0 =	sne.s32 s0, $0x0;
	s0 =	rddreg [dreg:$0x3]  }
0x3f4: {  	s0 =	sadd.s32 @!p0 $0x100000, s0  }
0x3f5: {  	[sflag:s0] =	ssyncadd.tile.s32 @!p0 $0x1;
	_ =	shalt  }
.Lfunc_end2:
_tile_overlayer_lowered:
.L_overlay_start_2:
0x3f6: {  	(tag) =	ssettag $0x2  }
0x3f7: {  	s0 =	rddreg [dreg:$0x0];
	s2 =	stileid.u32  }
0x3f8: {  	s1 =	rddreg [dreg:$0x1];
	p0 =	sne.s32 s2, $0x0  }
0x3f9: {  	s3 =	rddreg [dreg:$0x2];
	[bflag:$0x3] =	sbarrier.arrive $0xFFFF;
	s2 =	simm.s32 @!p0 $0x1C07  }
0x3fa: {  	[timem:s3], [sflag:s2] =	dma.local @!p0 [hbm:s0], s1  }
0x3fb: {  	s0 =	simm.s32 @!p0 $0x7  }
0x3fc: {  	_ =	swait.ge @!p0 [sflag:s0], s1  }
0x3fd: {  	s1 =	ssub.s32 @!p0 $0x0, s1;
	[sflag:s0] =	ssyncset.done @!p0 $0x0  }
0x3fe: {  	[sflag:s0] =	ssyncadd.s32 @!p0 s1  }
0x3ff: {  	[bflag:$0x3] =	sbarrier.arrive $0xFFFF  }
0x400: {  	_ =	shalt  }

</sc_bundles>
